<compile_context>
chip_gen: v7x
topology: tpu7x:2x2x1
jax: 0.10.2.dev20260603
libtpu: 0.0.44.dev20260713+nightly
codegen_flags: <defaults>
</compile_context>

<pallas_src>
import functools

import jax
import jax.numpy as jnp
from jax import lax
from jax.experimental import pallas as pl
from jax.experimental.pallas import tpu as pltpu
from jax.experimental.pallas import tpu_sc as plsc

_NUM_QUERIES = 5


def _ranksel_body(srow_ref, scol_ref, idx_ref, val_ref, iabs_ref, rank_ref,
                  *, ns, k, ch):
    n = srow_ref.shape[-1]
    babs = pl.program_id(0) * n
    srow = srow_ref[0]
    jio = jax.lax.broadcasted_iota(jnp.int32, (1, n), 1)
    trow = jnp.where(jio < ns, srow, -jnp.inf)

    def rank_chunk(c, _):
        base = c * ch
        sc = scol_ref[0, pl.ds(base, ch), :]
        iio = base + jax.lax.broadcasted_iota(jnp.int32, (ch, 1), 0)
        beat = (trow > sc) | ((trow == sc) & (jio < iio))
        rank_ref[pl.ds(base, ch), :] = jnp.sum(
            jnp.where(beat, 1.0, 0.0), axis=1, keepdims=True)
        return 0

    jax.lax.fori_loop(0, n // ch, rank_chunk, 0, unroll=False)

    r = rank_ref[...]
    icol = jax.lax.broadcasted_iota(jnp.int32, (n, 1), 0)
    is_sup = icol < ns
    keep = jnp.logical_or(jnp.logical_not(is_sup), r < k)
    pos = jnp.where(is_sup, r, (k + icol - ns).astype(jnp.float32))
    pos = jnp.where(keep, pos, jnp.float32(2 * n))
    scol = scol_ref[0]
    icolf = icol.astype(jnp.float32)

    def out_chunk(c, _):
        base = c * ch
        prow = (base + jax.lax.broadcasted_iota(jnp.int32, (1, ch), 1)).astype(
            jnp.float32)
        m = pos == prow
        idxv = jnp.sum(jnp.where(m, icolf, 0.0), axis=0, keepdims=True)
        valv = jnp.sum(jnp.where(m, scol, 0.0), axis=0, keepdims=True)
        idx_ref[0, :, pl.ds(base, ch)] = idxv.astype(jnp.int32)
        val_ref[0, :, pl.ds(base, ch)] = valv
        iabs_ref[0, :, pl.ds(base, ch)] = idxv.astype(jnp.int32) + babs
        return 0

    jax.lax.fori_loop(0, n // ch, out_chunk, 0, unroll=False)


def _ceil_to(x, m):
    return (x + m - 1) // m * m


def _sc_gather(A2, X2, idx_abs, vals_pad, *, B, N, D, p_out, ppi):
    nc, ns = 2, 16
    nw = nc * ns
    sub = 8
    subs = 4
    win = sub * subs
    tail = p_out - nw * win
    assert 0 <= tail <= sub
    qcs = ppi // 16
    dcs = D // 16
    mesh = plsc.VectorSubcoreMesh(core_axis_name="c", subcore_axis_name="s")

    @functools.partial(
        pl.kernel, mesh=mesh,
        compiler_params=pltpu.CompilerParams(
            use_tc_tiling_on_sc=True, needs_layout_passes=False),
        out_type=[
            jax.ShapeDtypeStruct((B, p_out, p_out), jnp.float32),
            jax.ShapeDtypeStruct((B, p_out, D), jnp.float32),
        ],
        scratch_types=[
            pltpu.VMEM((N,), jnp.int32),
            pltpu.VMEM((ppi,), jnp.int32),
            pltpu.VMEM((N,), jnp.float32),
            pltpu.VMEM((sub, N), jnp.float32),
            pltpu.VMEM((sub, N), jnp.float32),
            pltpu.VMEM((sub, p_out), jnp.float32),
            pltpu.VMEM((sub, p_out), jnp.float32),
            pltpu.VMEM((sub, D), jnp.float32),
            pltpu.VMEM((sub, D), jnp.float32),
            pltpu.VMEM((sub, D), jnp.float32),
            pltpu.VMEM((sub, D), jnp.float32),
            pltpu.VMEM((max(tail, 1), N), jnp.float32),
            pltpu.VMEM((max(tail, 1), p_out), jnp.float32),
            pltpu.VMEM((max(tail, 1), D), jnp.float32),
            pltpu.VMEM((max(tail, 1), D), jnp.float32),
            pltpu.SemaphoreType.DMA,
            pltpu.SemaphoreType.DMA,
            pltpu.SemaphoreType.DMA,
            pltpu.SemaphoreType.DMA,
            pltpu.SemaphoreType.DMA,
            pltpu.SemaphoreType.DMA,
            pltpu.SemaphoreType.DMA,
            pltpu.SemaphoreType.DMA,
        ],
    )
    def k(a2, x2, idxh, valsh, outa, outx, idx_v, idxl_v, vals_v,
          rb0, rb1, ob0, ob1, xb0, xb1, oxb0, oxb1,
          trb, tob, txb, toxb,
          si0, si1, si2, si3, so0, so1, so2, so3):
        wid = lax.axis_index("s") * nc + lax.axis_index("c")
        r0 = wid * win
        rbs, obs = (rb0, rb1), (ob0, ob1)
        xbs, oxbs = (xb0, xb1), (oxb0, oxb1)
        sias, sixs = (si0, si1), (si2, si3)
        soas, soxs = (so0, so1), (so2, so3)
        rsps = [jnp.full((16,), i, jnp.int32) for i in range(sub)]
        lane = lax.iota(jnp.int32, 16)

        def proc_a(rbuf, obuf, nrows):
            def qc_body(qc, _):
                sl = pl.ds(qc * 16, 16)
                qidx = idxl_v[sl]
                for i in range(nrows):
                    obuf[i, sl] = plsc.load_gather(rbuf, [rsps[i], qidx])
                return 0

            lax.fori_loop(0, qcs - 1, qc_body, 0)
            tsl = pl.ds((qcs - 1) * 16, 16)
            qpos = (qcs - 1) * 16 + lane
            qidx = idxl_v[tsl]
            tmask = qpos < p_out
            for i in range(nrows):
                g = plsc.load_gather(rbuf, [rsps[i], qidx])
                plsc.store_scatter(obuf, [rsps[i], qpos], g, mask=tmask)

        def proc_x(xbuf, oxbuf, start, nrows):
            vals = [plsc.load_gather(
                vals_v, [jnp.full((16,), start + i, jnp.int32)])
                for i in range(nrows)]

            def dc_body(dc, _):
                sl = pl.ds(dc * 16, 16)
                for i in range(nrows):
                    oxbuf[i, sl] = xbuf[i, sl] * vals[i]
                return 0

            lax.fori_loop(0, dcs, dc_body, 0)

        def batch_body(b, _):
            pltpu.sync_copy(idxh.at[b], idx_v)
            pltpu.sync_copy(valsh.at[b], vals_v)
            boff = b * N

            def loc_body(qc, _):
                sl = pl.ds(qc * 16, 16)
                idxl_v[sl] = idx_v[sl] - boff
                return 0

            lax.fori_loop(0, qcs, loc_body, 0)

            hina = {}
            houta = {}
            hinx = {}
            houtx = {}
            hina[0] = pltpu.async_copy(
                a2.at[idx_v.at[pl.ds(r0, sub)]], rbs[0], sias[0])
            hinx[0] = pltpu.async_copy(
                x2.at[idx_v.at[pl.ds(r0, sub)]], xbs[0], sixs[0])
            for s in range(subs):
                if s + 1 < subs:
                    hina[s + 1] = pltpu.async_copy(
                        a2.at[idx_v.at[pl.ds(r0 + (s + 1) * sub, sub)]],
                        rbs[(s + 1) % 2], sias[(s + 1) % 2])
                hina[s].wait()
                if s >= 2:
                    houta[s - 2].wait()
                proc_a(rbs[s % 2], obs[s % 2], sub)
                houta[s] = pltpu.async_copy(
                    obs[s % 2], outa.at[b, pl.ds(r0 + s * sub, sub), :],
                    soas[s % 2])
                if s + 1 < subs:
                    hinx[s + 1] = pltpu.async_copy(
                        x2.at[idx_v.at[pl.ds(r0 + (s + 1) * sub, sub)]],
                        xbs[(s + 1) % 2], sixs[(s + 1) % 2])
                hinx[s].wait()
                if s >= 2:
                    houtx[s - 2].wait()
                proc_x(xbs[s % 2], oxbs[s % 2], r0 + s * sub, sub)
                houtx[s] = pltpu.async_copy(
                    oxbs[s % 2], outx.at[b, pl.ds(r0 + s * sub, sub), :],
                    soxs[s % 2])
            houta[subs - 2].wait()
            houta[subs - 1].wait()
            houtx[subs - 2].wait()
            houtx[subs - 1].wait()

            if tail:
                tbase = nw * win

                @pl.when(wid == nw - 1)
                def _():
                    h = pltpu.async_copy(
                        a2.at[idx_v.at[pl.ds(tbase, tail)]], trb, si0)
                    h2 = pltpu.async_copy(
                        x2.at[idx_v.at[pl.ds(tbase, tail)]], txb, si2)
                    h.wait()
                    proc_a(trb, tob, tail)
                    ha = pltpu.async_copy(
                        tob, outa.at[b, pl.ds(tbase, tail), :], so0)
                    h2.wait()
                    proc_x(txb, toxb, tbase, tail)
                    pltpu.async_copy(
                        toxb, outx.at[b, pl.ds(tbase, tail), :], so2).wait()
                    ha.wait()
            return 0

        lax.fori_loop(0, B, batch_body, 0)

    return k(A2, X2, idx_abs, vals_pad)


def kernel(A, X, W, b):
    B, N, D = X.shape
    ns = N - _NUM_QUERIES
    k = ns // 2
    p_out = k + _NUM_QUERIES
    ch = 256 if N % 256 == 0 else N

    scores = jax.vmap(
        lambda Xi: jax.nn.sigmoid(((Xi @ W.T + b)[:, 0]) / 100.0))(X)

    s_row = scores[:, None, :]
    s_col = scores[:, :, None]

    idx_full, val_full, iabs_full = pl.pallas_call(
        functools.partial(_ranksel_body, ns=ns, k=k, ch=ch),
        grid=(B,),
        in_specs=[
            pl.BlockSpec((1, 1, N), lambda bi: (bi, 0, 0)),
            pl.BlockSpec((1, N, 1), lambda bi: (bi, 0, 0)),
        ],
        out_specs=[
            pl.BlockSpec((1, 1, N), lambda bi: (bi, 0, 0)),
            pl.BlockSpec((1, 1, N), lambda bi: (bi, 0, 0)),
            pl.BlockSpec((1, 1, N), lambda bi: (bi, 0, 0)),
        ],
        out_shape=[
            jax.ShapeDtypeStruct((B, 1, N), jnp.int32),
            jax.ShapeDtypeStruct((B, 1, N), jnp.float32),
            jax.ShapeDtypeStruct((B, 1, N), jnp.int32),
        ],
        scratch_shapes=[pltpu.VMEM((N, 1), jnp.float32)],
    )(s_row, s_col)

    idx = idx_full[:, 0, :p_out]

    ppi = _ceil_to(p_out, 16)
    new_a, new_x = _sc_gather(
        A.reshape(B * N, N), X.reshape(B * N, D),
        iabs_full[:, 0, :], val_full[:, 0, :],
        B=B, N=N, D=D, p_out=p_out, ppi=ppi)

    return new_a, new_x, idx

# --- scband reference (transcript-rebuilt; emitter-appended) ---
"""Pipeline reference for scband-graph-pool-65137474011414 (READ-ONLY COPY).

The authoritative reference and input builder live on the scoring server;
editing this copy changes nothing except your own understanding.
"""

import jax, jax.numpy as jnp
import numpy as np

K_RATIO = 0.5
NUM_QUERIES = 5

def setup_inputs(seed: int = 0) -> dict:
    key = jax.random.key(seed)
    k1, k2, k3 = jax.random.split(key, 3)
    B, N, D = 4, 2048, 1024
    A = jax.random.uniform(k1, (B, N, N), dtype=jnp.float32)
    X = jax.random.normal(k2, (B, N, D), dtype=jnp.float32)
    # nn.Linear(in_dim, 1) parameters
    W = jax.random.normal(k3, (1, D), dtype=jnp.float32) * 0.03
    b = jnp.zeros((1,), dtype=jnp.float32)
    return {"A": A, "X": X, "W": W, "b": b}

def reference(A, X, W, b):
    # Faithful translation of GraphPool.forward with arg.pool_mode == 'support'
    B, N, D = X.shape
    num_supports = N - NUM_QUERIES
    k_keep = int(K_RATIO * num_supports)

    def pool_one(Ai, Xi):
        scores = (Xi @ W.T + b)[:, 0]          # proj + squeeze
        scores = jax.nn.sigmoid(scores / 100.0)
        support_values, support_idx = jax.lax.top_k(scores[:num_supports], k_keep)
        query_values = scores[num_supports:]
        query_idx = jnp.arange(num_supports, N, dtype=support_idx.dtype)
        values = jnp.concatenate([support_values, query_values], axis=0)
        idx = jnp.concatenate([support_idx, query_idx], axis=0)
        new_X = Xi[idx, :] * values[:, None]
        new_A = Ai[idx, :][:, idx]
        return new_A, new_X, idx

    new_A, new_X, idx_batch = jax.vmap(pool_one)(A, X)
    return new_A, new_X, idx_batch

if __name__ == "__main__":
    import jax
    _d = setup_inputs()
    print(jax.jit(kernel)(*tuple(_d.values())))

</pallas_src>

<mosaic_0001>
#map = affine_map<(d0, d1) -> (0, 0)>
#map1 = affine_map<(d0, d1) -> (0, 0, 0)>
module attributes {stable_mosaic.version = 14 : i64} {
  func.func @k(%arg0: i32, %arg1: i32, %arg2: memref<8192x2048xf32, #tpu.memory_space<hbm>>, %arg3: memref<8192x1024xf32, #tpu.memory_space<hbm>>, %arg4: memref<4x2048xi32, #tpu.memory_space<hbm>>, %arg5: memref<4x2048xf32, #tpu.memory_space<hbm>>, %arg6: memref<4x1026x1026xf32, #tpu.memory_space<hbm>>, %arg7: memref<4x1026x1024xf32, #tpu.memory_space<hbm>>, %arg8: memref<2048xi32, #tpu.memory_space<vmem>>, %arg9: memref<1040xi32, #tpu.memory_space<vmem>>, %arg10: memref<2048xf32, #tpu.memory_space<vmem>>, %arg11: memref<8x2048xf32, #tpu.memory_space<vmem>>, %arg12: memref<8x2048xf32, #tpu.memory_space<vmem>>, %arg13: memref<8x1026xf32, #tpu.memory_space<vmem>>, %arg14: memref<8x1026xf32, #tpu.memory_space<vmem>>, %arg15: memref<8x1024xf32, #tpu.memory_space<vmem>>, %arg16: memref<8x1024xf32, #tpu.memory_space<vmem>>, %arg17: memref<8x1024xf32, #tpu.memory_space<vmem>>, %arg18: memref<8x1024xf32, #tpu.memory_space<vmem>>, %arg19: memref<2x2048xf32, #tpu.memory_space<vmem>>, %arg20: memref<2x1026xf32, #tpu.memory_space<vmem>>, %arg21: memref<2x1024xf32, #tpu.memory_space<vmem>>, %arg22: memref<2x1024xf32, #tpu.memory_space<vmem>>, %arg23: memref<!tpu.dma_semaphore, #tpu.memory_space<semaphore_mem>>, %arg24: memref<!tpu.dma_semaphore, #tpu.memory_space<semaphore_mem>>, %arg25: memref<!tpu.dma_semaphore, #tpu.memory_space<semaphore_mem>>, %arg26: memref<!tpu.dma_semaphore, #tpu.memory_space<semaphore_mem>>, %arg27: memref<!tpu.dma_semaphore, #tpu.memory_space<semaphore_mem>>, %arg28: memref<!tpu.dma_semaphore, #tpu.memory_space<semaphore_mem>>, %arg29: memref<!tpu.dma_semaphore, #tpu.memory_space<semaphore_mem>>, %arg30: memref<!tpu.dma_semaphore, #tpu.memory_space<semaphore_mem>>) attributes {dimension_semantics = [#tpu.dimension_semantics<core_parallel>, #tpu.dimension_semantics<subcore_parallel>], iteration_bounds = array<i64: 2, 16>, scalar_prefetch = 0 : i64, scratch_operands = 23 : i64, tpu.core_type = #tpu.core_type<sc_vector_subcore>, window_params = [{transform_indices = #map}, {transform_indices = #map}, {transform_indices = #map}, {transform_indices = #map}, {transform_indices = #map1}, {transform_indices = #map1}]} {
    %mul3A = arith.constant 2 : i32
    %mul3A_0 = arith.muli %arg1, %mul3A : i32
    %add3A = arith.addi %mul3A_0, %arg0 : i32
    %mul3A_1 = arith.constant 32 : i32
    %mul3A_2 = arith.muli %add3A, %mul3A_1 : i32
    %broadcast_in_dim3A = arith.constant 0 : i32
    %broadcast_in_dim3A_3 = vector.broadcast %broadcast_in_dim3A : i32 to vector<16xi32>
    %broadcast_in_dim3A_4 = arith.constant 1 : i32
    %broadcast_in_dim3A_5 = vector.broadcast %broadcast_in_dim3A_4 : i32 to vector<16xi32>
    %broadcast_in_dim3A_6 = arith.constant 2 : i32
    %broadcast_in_dim3A_7 = vector.broadcast %broadcast_in_dim3A_6 : i32 to vector<16xi32>
    %broadcast_in_dim3A_8 = arith.constant 3 : i32
    %broadcast_in_dim3A_9 = vector.broadcast %broadcast_in_dim3A_8 : i32 to vector<16xi32>
    %broadcast_in_dim3A_10 = arith.constant 4 : i32
    %broadcast_in_dim3A_11 = vector.broadcast %broadcast_in_dim3A_10 : i32 to vector<16xi32>
    %broadcast_in_dim3A_12 = arith.constant 5 : i32
    %broadcast_in_dim3A_13 = vector.broadcast %broadcast_in_dim3A_12 : i32 to vector<16xi32>
    %broadcast_in_dim3A_14 = arith.constant 6 : i32
    %broadcast_in_dim3A_15 = vector.broadcast %broadcast_in_dim3A_14 : i32 to vector<16xi32>
    %broadcast_in_dim3A_16 = arith.constant 7 : i32
    %broadcast_in_dim3A_17 = vector.broadcast %broadcast_in_dim3A_16 : i32 to vector<16xi32>
    %iota3A = tpu.iota {dimensions = array<i32: 0>} : vector<16xi32>
    %scan3A = arith.constant 0 : i32
    %scan3A_18 = arith.constant 0 : i32
    %scan3A_19 = arith.constant 4 : i32
    %scan3A_20 = arith.addi %scan3A_18, %scan3A_19 : i32
    %scan3A_21 = arith.constant 1 : i32
    %scan3A_22 = scf.for %scan3A_24 = %scan3A_18 to %scan3A_20 step %scan3A_21 iter_args(%scan3A_25 = %scan3A) -> (i32)  : i32 {
      "tpu.region"() ({
        %run_scoped3A = tpu.sem_alloc : memref<!tpu.dma_semaphore, #tpu.memory_space<semaphore_mem>>
        %dma_start3A_477 = arith.constant 0 : i32
        %dma_start3A_478 = tpu.memref_slice %arg4[%scan3A_24, %dma_start3A_477] : memref<4x2048xi32, #tpu.memory_space<hbm>> -> memref<1x2048xi32, #tpu.memory_space<hbm>>
        %dma_start3A_479 = tpu.memref_squeeze %dma_start3A_478 : memref<1x2048xi32, #tpu.memory_space<hbm>> -> memref<2048xi32, #tpu.memory_space<hbm>>
        %dma_start3A_480 = arith.constant 0 : i32
        %dma_start3A_481 = tpu.memref_slice %arg4[%scan3A_24, %dma_start3A_480] : memref<4x2048xi32, #tpu.memory_space<hbm>> -> memref<1x2048xi32, #tpu.memory_space<hbm>>
        %dma_start3A_482 = tpu.memref_squeeze %dma_start3A_481 : memref<1x2048xi32, #tpu.memory_space<hbm>> -> memref<2048xi32, #tpu.memory_space<hbm>>
        tpu.enqueue_dma source(%dma_start3A_482 : memref<2048xi32, #tpu.memory_space<hbm>>) target(%arg8 : memref<2048xi32, #tpu.memory_space<vmem>>) target_semaphore(%run_scoped3A : memref<!tpu.dma_semaphore, #tpu.memory_space<semaphore_mem>>)
        %dma_wait3A_483 = arith.constant 0 : i32
        %dma_wait3A_484 = tpu.memref_slice %arg4[%scan3A_24, %dma_wait3A_483] : memref<4x2048xi32, #tpu.memory_space<hbm>> -> memref<1x2048xi32, #tpu.memory_space<hbm>>
        %dma_wait3A_485 = tpu.memref_squeeze %dma_wait3A_484 : memref<1x2048xi32, #tpu.memory_space<hbm>> -> memref<2048xi32, #tpu.memory_space<hbm>>
        %dma_wait3A_486 = arith.constant 0 : i32
        %dma_wait3A_487 = tpu.memref_slice %arg4[%scan3A_24, %dma_wait3A_486] : memref<4x2048xi32, #tpu.memory_space<hbm>> -> memref<1x2048xi32, #tpu.memory_space<hbm>>
        %dma_wait3A_488 = tpu.memref_squeeze %dma_wait3A_487 : memref<1x2048xi32, #tpu.memory_space<hbm>> -> memref<2048xi32, #tpu.memory_space<hbm>>
        tpu.wait_dma2 semaphore(%run_scoped3A : memref<!tpu.dma_semaphore, #tpu.memory_space<semaphore_mem>>) src(%dma_wait3A_488 : memref<2048xi32, #tpu.memory_space<hbm>>) dst(%arg8 : memref<2048xi32, #tpu.memory_space<vmem>>)
        tpu.yield
      }) : () -> ()
      "tpu.region"() ({
        %run_scoped3A = tpu.sem_alloc : memref<!tpu.dma_semaphore, #tpu.memory_space<semaphore_mem>>
        %dma_start3A_477 = arith.constant 0 : i32
        %dma_start3A_478 = tpu.memref_slice %arg5[%scan3A_24, %dma_start3A_477] : memref<4x2048xf32, #tpu.memory_space<hbm>> -> memref<1x2048xf32, #tpu.memory_space<hbm>>
        %dma_start3A_479 = tpu.memref_squeeze %dma_start3A_478 : memref<1x2048xf32, #tpu.memory_space<hbm>> -> memref<2048xf32, #tpu.memory_space<hbm>>
        %dma_start3A_480 = arith.constant 0 : i32
        %dma_start3A_481 = tpu.memref_slice %arg5[%scan3A_24, %dma_start3A_480] : memref<4x2048xf32, #tpu.memory_space<hbm>> -> memref<1x2048xf32, #tpu.memory_space<hbm>>
        %dma_start3A_482 = tpu.memref_squeeze %dma_start3A_481 : memref<1x2048xf32, #tpu.memory_space<hbm>> -> memref<2048xf32, #tpu.memory_space<hbm>>
        tpu.enqueue_dma source(%dma_start3A_482 : memref<2048xf32, #tpu.memory_space<hbm>>) target(%arg10 : memref<2048xf32, #tpu.memory_space<vmem>>) target_semaphore(%run_scoped3A : memref<!tpu.dma_semaphore, #tpu.memory_space<semaphore_mem>>)
        %dma_wait3A_483 = arith.constant 0 : i32
        %dma_wait3A_484 = tpu.memref_slice %arg5[%scan3A_24, %dma_wait3A_483] : memref<4x2048xf32, #tpu.memory_space<hbm>> -> memref<1x2048xf32, #tpu.memory_space<hbm>>
        %dma_wait3A_485 = tpu.memref_squeeze %dma_wait3A_484 : memref<1x2048xf32, #tpu.memory_space<hbm>> -> memref<2048xf32, #tpu.memory_space<hbm>>
        %dma_wait3A_486 = arith.constant 0 : i32
        %dma_wait3A_487 = tpu.memref_slice %arg5[%scan3A_24, %dma_wait3A_486] : memref<4x2048xf32, #tpu.memory_space<hbm>> -> memref<1x2048xf32, #tpu.memory_space<hbm>>
        %dma_wait3A_488 = tpu.memref_squeeze %dma_wait3A_487 : memref<1x2048xf32, #tpu.memory_space<hbm>> -> memref<2048xf32, #tpu.memory_space<hbm>>
        tpu.wait_dma2 semaphore(%run_scoped3A : memref<!tpu.dma_semaphore, #tpu.memory_space<semaphore_mem>>) src(%dma_wait3A_488 : memref<2048xf32, #tpu.memory_space<hbm>>) dst(%arg10 : memref<2048xf32, #tpu.memory_space<vmem>>)
        tpu.yield
      }) : () -> ()
      %mul3A_26 = arith.constant 2048 : i32
      %mul3A_27 = arith.muli %scan3A_24, %mul3A_26 : i32
      %scan3A_28 = arith.constant 0 : i32
      %scan3A_29 = arith.constant 0 : i32
      %scan3A_30 = arith.constant 65 : i32
      %scan3A_31 = arith.addi %scan3A_29, %scan3A_30 : i32
      %scan3A_32 = arith.constant 1 : i32
      %scan3A_33 = scf.for %scan3A_477 = %scan3A_29 to %scan3A_31 step %scan3A_32 iter_args(%scan3A_478 = %scan3A_28) -> (i32)  : i32 {
        %mul3A_479 = arith.constant 16 : i32
        %mul3A_480 = arith.muli %scan3A_477, %mul3A_479 : i32
        %get3A_481 = arith.index_cast %mul3A_480 : i32 to index
        %get3A_482 = tpu.vector_load %arg8[%get3A_481] {strides = array<i32>} : memref<2048xi32, #tpu.memory_space<vmem>>, vector<16xi32>,
        %sub3A = vector.broadcast %mul3A_27 : i32 to vector<16xi32>
        %sub3A_483 = arith.subi %get3A_482, %sub3A : vector<16xi32>
        %swap3A = arith.index_cast %mul3A_480 : i32 to index
        %swap3A_484 = tpu.vector_load %arg9[%swap3A] {strides = array<i32>} : memref<1040xi32, #tpu.memory_space<vmem>>, vector<16xi32>,
        tpu.vector_store %arg9[%swap3A], %sub3A_483 {strides = array<i32>} : memref<1040xi32, #tpu.memory_space<vmem>>, vector<16xi32>,
        %scan3A_485 = arith.constant 0 : i32
        scf.yield %scan3A_485 : i32
      }
      %scan3A_34 = arith.constant 65 : i32
      %dma_start3A = tpu.memref_slice %arg8[%mul3A_2] : memref<2048xi32, #tpu.memory_space<vmem>> -> memref<8xi32, #tpu.memory_space<vmem>>
      %dma_start3A_35 = arith.constant 0 : i32
      %dma_start3A_36 = arith.constant 0 : i32
      %dma_start3A_37 = tpu.memref_slice %arg2[%dma_start3A_35, %dma_start3A_36] : memref<8192x2048xf32, #tpu.memory_space<hbm>> -> memref<8192x2048xf32, #tpu.memory_space<hbm>>
      tpu.enqueue_indirect_dma source(%dma_start3A_37 : memref<8192x2048xf32, #tpu.memory_space<hbm>>) target(%arg11 : memref<8x2048xf32, #tpu.memory_space<vmem>>) offsets(%dma_start3A : memref<8xi32, #tpu.memory_space<vmem>>) semaphore(%arg23 : memref<!tpu.dma_semaphore, #tpu.memory_space<semaphore_mem>>)
      %dma_start3A_38 = tpu.memref_slice %arg8[%mul3A_2] : memref<2048xi32, #tpu.memory_space<vmem>> -> memref<8xi32, #tpu.memory_space<vmem>>
      %dma_start3A_39 = arith.constant 0 : i32
      %dma_start3A_40 = arith.constant 0 : i32
      %dma_start3A_41 = tpu.memref_slice %arg3[%dma_start3A_39, %dma_start3A_40] : memref<8192x1024xf32, #tpu.memory_space<hbm>> -> memref<8192x1024xf32, #tpu.memory_space<hbm>>
      tpu.enqueue_indirect_dma source(%dma_start3A_41 : memref<8192x1024xf32, #tpu.memory_space<hbm>>) target(%arg15 : memref<8x1024xf32, #tpu.memory_space<vmem>>) offsets(%dma_start3A_38 : memref<8xi32, #tpu.memory_space<vmem>>) semaphore(%arg25 : memref<!tpu.dma_semaphore, #tpu.memory_space<semaphore_mem>>)
      %add3A_42 = arith.constant 8 : i32
      %add3A_43 = arith.addi %mul3A_2, %add3A_42 : i32
      %dma_start3A_44 = tpu.memref_slice %arg8[%add3A_43] : memref<2048xi32, #tpu.memory_space<vmem>> -> memref<8xi32, #tpu.memory_space<vmem>>
      %dma_start3A_45 = arith.constant 0 : i32
      %dma_start3A_46 = arith.constant 0 : i32
      %dma_start3A_47 = tpu.memref_slice %arg2[%dma_start3A_45, %dma_start3A_46] : memref<8192x2048xf32, #tpu.memory_space<hbm>> -> memref<8192x2048xf32, #tpu.memory_space<hbm>>
      tpu.enqueue_indirect_dma source(%dma_start3A_47 : memref<8192x2048xf32, #tpu.memory_space<hbm>>) target(%arg12 : memref<8x2048xf32, #tpu.memory_space<vmem>>) offsets(%dma_start3A_44 : memref<8xi32, #tpu.memory_space<vmem>>) semaphore(%arg24 : memref<!tpu.dma_semaphore, #tpu.memory_space<semaphore_mem>>)
      %dma_wait3A = tpu.memref_slice %arg8[%mul3A_2] : memref<2048xi32, #tpu.memory_space<vmem>> -> memref<8xi32, #tpu.memory_space<vmem>>
      %dma_wait3A_48 = arith.constant 0 : i32
      %dma_wait3A_49 = arith.constant 0 : i32
      %dma_wait3A_50 = tpu.memref_slice %arg2[%dma_wait3A_48, %dma_wait3A_49] : memref<8192x2048xf32, #tpu.memory_space<hbm>> -> memref<8192x2048xf32, #tpu.memory_space<hbm>>
      tpu.wait_indirect_dma semaphore(%arg23 : memref<!tpu.dma_semaphore, #tpu.memory_space<semaphore_mem>>) src(%dma_wait3A_50 : memref<8192x2048xf32, #tpu.memory_space<hbm>>) dst(%arg11 : memref<8x2048xf32, #tpu.memory_space<vmem>>)
      %scan3A_51 = arith.constant 0 : i32
      %scan3A_52 = arith.constant 0 : i32
      %scan3A_53 = arith.constant 64 : i32
      %scan3A_54 = arith.addi %scan3A_52, %scan3A_53 : i32
      %scan3A_55 = arith.constant 1 : i32
      %scan3A_56 = scf.for %scan3A_477 = %scan3A_52 to %scan3A_54 step %scan3A_55 iter_args(%scan3A_478 = %scan3A_51) -> (i32)  : i32 {
        %mul3A_479 = arith.constant 16 : i32
        %mul3A_480 = arith.muli %scan3A_477, %mul3A_479 : i32
        %get3A_481 = arith.index_cast %mul3A_480 : i32 to index
        %get3A_482 = tpu.vector_load %arg9[%get3A_481] {strides = array<i32>} : memref<1040xi32, #tpu.memory_space<vmem>>, vector<16xi32>,
        %gather3A_483 = tpu.vector_load_idx %arg11[%broadcast_in_dim3A_3, %get3A_482] : memref<8x2048xf32, #tpu.memory_space<vmem>>[vector<16xi32>, vector<16xi32>], vector<16xf32>,
        %swap3A = arith.constant 0 : i32
        %swap3A_484 = arith.index_cast %swap3A : i32 to index
        %swap3A_485 = arith.index_cast %mul3A_480 : i32 to index
        %swap3A_486 = tpu.vector_load %arg13[%swap3A_484, %swap3A_485] {strides = array<i32>} : memref<8x1026xf32, #tpu.memory_space<vmem>>, vector<16xf32>,
        tpu.vector_store %arg13[%swap3A_484, %swap3A_485], %gather3A_483 {strides = array<i32>} : memref<8x1026xf32, #tpu.memory_space<vmem>>, vector<16xf32>,
        %gather3A_487 = tpu.vector_load_idx %arg11[%broadcast_in_dim3A_5, %get3A_482] : memref<8x2048xf32, #tpu.memory_space<vmem>>[vector<16xi32>, vector<16xi32>], vector<16xf32>,
        %swap3A_488 = arith.constant 1 : i32
        %swap3A_489 = arith.index_cast %swap3A_488 : i32 to index
        %swap3A_490 = arith.index_cast %mul3A_480 : i32 to index
        %swap3A_491 = tpu.vector_load %arg13[%swap3A_489, %swap3A_490] {strides = array<i32>} : memref<8x1026xf32, #tpu.memory_space<vmem>>, vector<16xf32>,
        tpu.vector_store %arg13[%swap3A_489, %swap3A_490], %gather3A_487 {strides = array<i32>} : memref<8x1026xf32, #tpu.memory_space<vmem>>, vector<16xf32>,
        %gather3A_492 = tpu.vector_load_idx %arg11[%broadcast_in_dim3A_7, %get3A_482] : memref<8x2048xf32, #tpu.memory_space<vmem>>[vector<16xi32>, vector<16xi32>], vector<16xf32>,
        %swap3A_493 = arith.constant 2 : i32
        %swap3A_494 = arith.index_cast %swap3A_493 : i32 to index
        %swap3A_495 = arith.index_cast %mul3A_480 : i32 to index
        %swap3A_496 = tpu.vector_load %arg13[%swap3A_494, %swap3A_495] {strides = array<i32>} : memref<8x1026xf32, #tpu.memory_space<vmem>>, vector<16xf32>,
        tpu.vector_store %arg13[%swap3A_494, %swap3A_495], %gather3A_492 {strides = array<i32>} : memref<8x1026xf32, #tpu.memory_space<vmem>>, vector<16xf32>,
        %gather3A_497 = tpu.vector_load_idx %arg11[%broadcast_in_dim3A_9, %get3A_482] : memref<8x2048xf32, #tpu.memory_space<vmem>>[vector<16xi32>, vector<16xi32>], vector<16xf32>,
        %swap3A_498 = arith.constant 3 : i32
        %swap3A_499 = arith.index_cast %swap3A_498 : i32 to index
        %swap3A_500 = arith.index_cast %mul3A_480 : i32 to index
        %swap3A_501 = tpu.vector_load %arg13[%swap3A_499, %swap3A_500] {strides = array<i32>} : memref<8x1026xf32, #tpu.memory_space<vmem>>, vector<16xf32>,
        tpu.vector_store %arg13[%swap3A_499, %swap3A_500], %gather3A_497 {strides = array<i32>} : memref<8x1026xf32, #tpu.memory_space<vmem>>, vector<16xf32>,
        %gather3A_502 = tpu.vector_load_idx %arg11[%broadcast_in_dim3A_11, %get3A_482] : memref<8x2048xf32, #tpu.memory_space<vmem>>[vector<16xi32>, vector<16xi32>], vector<16xf32>,
        %swap3A_503 = arith.constant 4 : i32
        %swap3A_504 = arith.index_cast %swap3A_503 : i32 to index
        %swap3A_505 = arith.index_cast %mul3A_480 : i32 to index
        %swap3A_506 = tpu.vector_load %arg13[%swap3A_504, %swap3A_505] {strides = array<i32>} : memref<8x1026xf32, #tpu.memory_space<vmem>>, vector<16xf32>,
        tpu.vector_store %arg13[%swap3A_504, %swap3A_505], %gather3A_502 {strides = array<i32>} : memref<8x1026xf32, #tpu.memory_space<vmem>>, vector<16xf32>,
        %gather3A_507 = tpu.vector_load_idx %arg11[%broadcast_in_dim3A_13, %get3A_482] : memref<8x2048xf32, #tpu.memory_space<vmem>>[vector<16xi32>, vector<16xi32>], vector<16xf32>,
        %swap3A_508 = arith.constant 5 : i32
        %swap3A_509 = arith.index_cast %swap3A_508 : i32 to index
        %swap3A_510 = arith.index_cast %mul3A_480 : i32 to index
        %swap3A_511 = tpu.vector_load %arg13[%swap3A_509, %swap3A_510] {strides = array<i32>} : memref<8x1026xf32, #tpu.memory_space<vmem>>, vector<16xf32>,
        tpu.vector_store %arg13[%swap3A_509, %swap3A_510], %gather3A_507 {strides = array<i32>} : memref<8x1026xf32, #tpu.memory_space<vmem>>, vector<16xf32>,
        %gather3A_512 = tpu.vector_load_idx %arg11[%broadcast_in_dim3A_15, %get3A_482] : memref<8x2048xf32, #tpu.memory_space<vmem>>[vector<16xi32>, vector<16xi32>], vector<16xf32>,
        %swap3A_513 = arith.constant 6 : i32
        %swap3A_514 = arith.index_cast %swap3A_513 : i32 to index
        %swap3A_515 = arith.index_cast %mul3A_480 : i32 to index
        %swap3A_516 = tpu.vector_load %arg13[%swap3A_514, %swap3A_515] {strides = array<i32>} : memref<8x1026xf32, #tpu.memory_space<vmem>>, vector<16xf32>,
        tpu.vector_store %arg13[%swap3A_514, %swap3A_515], %gather3A_512 {strides = array<i32>} : memref<8x1026xf32, #tpu.memory_space<vmem>>, vector<16xf32>,
        %gather3A_517 = tpu.vector_load_idx %arg11[%broadcast_in_dim3A_17, %get3A_482] : memref<8x2048xf32, #tpu.memory_space<vmem>>[vector<16xi32>, vector<16xi32>], vector<16xf32>,
        %swap3A_518 = arith.constant 7 : i32
        %swap3A_519 = arith.index_cast %swap3A_518 : i32 to index
        %swap3A_520 = arith.index_cast %mul3A_480 : i32 to index
        %swap3A_521 = tpu.vector_load %arg13[%swap3A_519, %swap3A_520] {strides = array<i32>} : memref<8x1026xf32, #tpu.memory_space<vmem>>, vector<16xf32>,
        tpu.vector_store %arg13[%swap3A_519, %swap3A_520], %gather3A_517 {strides = array<i32>} : memref<8x1026xf32, #tpu.memory_space<vmem>>, vector<16xf32>,
        %scan3A_522 = arith.constant 0 : i32
        scf.yield %scan3A_522 : i32
      }
      %scan3A_57 = arith.constant 64 : i32
      %add3A_58 = arith.constant 1024 : i32
      %add3A_59 = vector.broadcast %add3A_58 : i32 to vector<16xi32>
      %add3A_60 = arith.addi %add3A_59, %iota3A : vector<16xi32>
      %get3A = arith.constant 1024 : index
      %get3A_61 = tpu.vector_load %arg9[%get3A] {strides = array<i32>} : memref<1040xi32, #tpu.memory_space<vmem>>, vector<16xi32>,
      %lt3A = arith.constant 1026 : i32
      %lt3A_62 = vector.broadcast %lt3A : i32 to vector<16xi32>
      %lt3A_63 = arith.cmpi slt, %add3A_60, %lt3A_62 : vector<16xi32>
      %gather3A = tpu.vector_load_idx %arg11[%broadcast_in_dim3A_3, %get3A_61] : memref<8x2048xf32, #tpu.memory_space<vmem>>[vector<16xi32>, vector<16xi32>], vector<16xf32>,
      tpu.vector_store_idx %arg13[%broadcast_in_dim3A_3, %add3A_60], %gather3A masked %lt3A_63 : memref<8x1026xf32, #tpu.memory_space<vmem>>[vector<16xi32>, vector<16xi32>], vector<16xf32>, vector<16xi1>
      %gather3A_64 = tpu.vector_load_idx %arg11[%broadcast_in_dim3A_5, %get3A_61] : memref<8x2048xf32, #tpu.memory_space<vmem>>[vector<16xi32>, vector<16xi32>], vector<16xf32>,
      tpu.vector_store_idx %arg13[%broadcast_in_dim3A_5, %add3A_60], %gather3A_64 masked %lt3A_63 : memref<8x1026xf32, #tpu.memory_space<vmem>>[vector<16xi32>, vector<16xi32>], vector<16xf32>, vector<16xi1>
      %gather3A_65 = tpu.vector_load_idx %arg11[%broadcast_in_dim3A_7, %get3A_61] : memref<8x2048xf32, #tpu.memory_space<vmem>>[vector<16xi32>, vector<16xi32>], vector<16xf32>,
      tpu.vector_store_idx %arg13[%broadcast_in_dim3A_7, %add3A_60], %gather3A_65 masked %lt3A_63 : memref<8x1026xf32, #tpu.memory_space<vmem>>[vector<16xi32>, vector<16xi32>], vector<16xf32>, vector<16xi1>
      %gather3A_66 = tpu.vector_load_idx %arg11[%broadcast_in_dim3A_9, %get3A_61] : memref<8x2048xf32, #tpu.memory_space<vmem>>[vector<16xi32>, vector<16xi32>], vector<16xf32>,
      tpu.vector_store_idx %arg13[%broadcast_in_dim3A_9, %add3A_60], %gather3A_66 masked %lt3A_63 : memref<8x1026xf32, #tpu.memory_space<vmem>>[vector<16xi32>, vector<16xi32>], vector<16xf32>, vector<16xi1>
      %gather3A_67 = tpu.vector_load_idx %arg11[%broadcast_in_dim3A_11, %get3A_61] : memref<8x2048xf32, #tpu.memory_space<vmem>>[vector<16xi32>, vector<16xi32>], vector<16xf32>,
      tpu.vector_store_idx %arg13[%broadcast_in_dim3A_11, %add3A_60], %gather3A_67 masked %lt3A_63 : memref<8x1026xf32, #tpu.memory_space<vmem>>[vector<16xi32>, vector<16xi32>], vector<16xf32>, vector<16xi1>
      %gather3A_68 = tpu.vector_load_idx %arg11[%broadcast_in_dim3A_13, %get3A_61] : memref<8x2048xf32, #tpu.memory_space<vmem>>[vector<16xi32>, vector<16xi32>], vector<16xf32>,
      tpu.vector_store_idx %arg13[%broadcast_in_dim3A_13, %add3A_60], %gather3A_68 masked %lt3A_63 : memref<8x1026xf32, #tpu.memory_space<vmem>>[vector<16xi32>, vector<16xi32>], vector<16xf32>, vector<16xi1>
      %gather3A_69 = tpu.vector_load_idx %arg11[%broadcast_in_dim3A_15, %get3A_61] : memref<8x2048xf32, #tpu.memory_space<vmem>>[vector<16xi32>, vector<16xi32>], vector<16xf32>,
      tpu.vector_store_idx %arg13[%broadcast_in_dim3A_15, %add3A_60], %gather3A_69 masked %lt3A_63 : memref<8x1026xf32, #tpu.memory_space<vmem>>[vector<16xi32>, vector<16xi32>], vector<16xf32>, vector<16xi1>
      %gather3A_70 = tpu.vector_load_idx %arg11[%broadcast_in_dim3A_17, %get3A_61] : memref<8x2048xf32, #tpu.memory_space<vmem>>[vector<16xi32>, vector<16xi32>], vector<16xf32>,
      tpu.vector_store_idx %arg13[%broadcast_in_dim3A_17, %add3A_60], %gather3A_70 masked %lt3A_63 : memref<8x1026xf32, #tpu.memory_space<vmem>>[vector<16xi32>, vector<16xi32>], vector<16xf32>, vector<16xi1>
      %add3A_71 = arith.constant 0 : i32
      %add3A_72 = arith.addi %mul3A_2, %add3A_71 : i32
      %dma_start3A_73 = arith.constant 0 : i32
      %dma_start3A_74 = tpu.memref_slice %arg6[%scan3A_24, %add3A_72, %dma_start3A_73] : memref<4x1026x1026xf32, #tpu.memory_space<hbm>> -> memref<1x8x1026xf32, #tpu.memory_space<hbm>>
      %dma_start3A_75 = tpu.memref_squeeze %dma_start3A_74 : memref<1x8x1026xf32, #tpu.memory_space<hbm>> -> memref<8x1026xf32, #tpu.memory_space<hbm>>
      %dma_start3A_76 = arith.constant 0 : i32
      %dma_start3A_77 = tpu.memref_slice %arg6[%scan3A_24, %add3A_72, %dma_start3A_76] : memref<4x1026x1026xf32, #tpu.memory_space<hbm>> -> memref<1x8x1026xf32, #tpu.memory_space<hbm>>
      %dma_start3A_78 = tpu.memref_squeeze %dma_start3A_77 : memref<1x8x1026xf32, #tpu.memory_space<hbm>> -> memref<8x1026xf32, #tpu.memory_space<hbm>>
      tpu.enqueue_dma source(%arg13 : memref<8x1026xf32, #tpu.memory_space<vmem>>) target(%dma_start3A_78 : memref<8x1026xf32, #tpu.memory_space<hbm>>) target_semaphore(%arg27 : memref<!tpu.dma_semaphore, #tpu.memory_space<semaphore_mem>>)
      %add3A_79 = arith.constant 8 : i32
      %add3A_80 = arith.addi %mul3A_2, %add3A_79 : i32
      %dma_start3A_81 = tpu.memref_slice %arg8[%add3A_80] : memref<2048xi32, #tpu.memory_space<vmem>> -> memref<8xi32, #tpu.memory_space<vmem>>
      %dma_start3A_82 = arith.constant 0 : i32
      %dma_start3A_83 = arith.constant 0 : i32
      %dma_start3A_84 = tpu.memref_slice %arg3[%dma_start3A_82, %dma_start3A_83] : memref<8192x1024xf32, #tpu.memory_space<hbm>> -> memref<8192x1024xf32, #tpu.memory_space<hbm>>
      tpu.enqueue_indirect_dma source(%dma_start3A_84 : memref<8192x1024xf32, #tpu.memory_space<hbm>>) target(%arg16 : memref<8x1024xf32, #tpu.memory_space<vmem>>) offsets(%dma_start3A_81 : memref<8xi32, #tpu.memory_space<vmem>>) semaphore(%arg26 : memref<!tpu.dma_semaphore, #tpu.memory_space<semaphore_mem>>)
      %dma_wait3A_85 = tpu.memref_slice %arg8[%mul3A_2] : memref<2048xi32, #tpu.memory_space<vmem>> -> memref<8xi32, #tpu.memory_space<vmem>>
      %dma_wait3A_86 = arith.constant 0 : i32
      %dma_wait3A_87 = arith.constant 0 : i32
      %dma_wait3A_88 = tpu.memref_slice %arg3[%dma_wait3A_86, %dma_wait3A_87] : memref<8192x1024xf32, #tpu.memory_space<hbm>> -> memref<8192x1024xf32, #tpu.memory_space<hbm>>
      tpu.wait_indirect_dma semaphore(%arg25 : memref<!tpu.dma_semaphore, #tpu.memory_space<semaphore_mem>>) src(%dma_wait3A_88 : memref<8192x1024xf32, #tpu.memory_space<hbm>>) dst(%arg15 : memref<8x1024xf32, #tpu.memory_space<vmem>>)
      %add3A_89 = arith.constant 0 : i32
      %add3A_90 = arith.addi %mul3A_2, %add3A_89 : i32
      %add3A_91 = arith.constant 0 : i32
      %add3A_92 = arith.addi %add3A_90, %add3A_91 : i32
      %broadcast_in_dim3A_93 = vector.broadcast %add3A_92 : i32 to vector<16xi32>
      %gather3A_94 = tpu.vector_load_idx %arg10[%broadcast_in_dim3A_93] : memref<2048xf32, #tpu.memory_space<vmem>>[vector<16xi32>], vector<16xf32>,
      %add3A_95 = arith.constant 1 : i32
      %add3A_96 = arith.addi %add3A_90, %add3A_95 : i32
      %broadcast_in_dim3A_97 = vector.broadcast %add3A_96 : i32 to vector<16xi32>
      %gather3A_98 = tpu.vector_load_idx %arg10[%broadcast_in_dim3A_97] : memref<2048xf32, #tpu.memory_space<vmem>>[vector<16xi32>], vector<16xf32>,
      %add3A_99 = arith.constant 2 : i32
      %add3A_100 = arith.addi %add3A_90, %add3A_99 : i32
      %broadcast_in_dim3A_101 = vector.broadcast %add3A_100 : i32 to vector<16xi32>
      %gather3A_102 = tpu.vector_load_idx %arg10[%broadcast_in_dim3A_101] : memref<2048xf32, #tpu.memory_space<vmem>>[vector<16xi32>], vector<16xf32>,
      %add3A_103 = arith.constant 3 : i32
      %add3A_104 = arith.addi %add3A_90, %add3A_103 : i32
      %broadcast_in_dim3A_105 = vector.broadcast %add3A_104 : i32 to vector<16xi32>
      %gather3A_106 = tpu.vector_load_idx %arg10[%broadcast_in_dim3A_105] : memref<2048xf32, #tpu.memory_space<vmem>>[vector<16xi32>], vector<16xf32>,
      %add3A_107 = arith.constant 4 : i32
      %add3A_108 = arith.addi %add3A_90, %add3A_107 : i32
      %broadcast_in_dim3A_109 = vector.broadcast %add3A_108 : i32 to vector<16xi32>
      %gather3A_110 = tpu.vector_load_idx %arg10[%broadcast_in_dim3A_109] : memref<2048xf32, #tpu.memory_space<vmem>>[vector<16xi32>], vector<16xf32>,
      %add3A_111 = arith.constant 5 : i32
      %add3A_112 = arith.addi %add3A_90, %add3A_111 : i32
      %broadcast_in_dim3A_113 = vector.broadcast %add3A_112 : i32 to vector<16xi32>
      %gather3A_114 = tpu.vector_load_idx %arg10[%broadcast_in_dim3A_113] : memref<2048xf32, #tpu.memory_space<vmem>>[vector<16xi32>], vector<16xf32>,
      %add3A_115 = arith.constant 6 : i32
      %add3A_116 = arith.addi %add3A_90, %add3A_115 : i32
      %broadcast_in_dim3A_117 = vector.broadcast %add3A_116 : i32 to vector<16xi32>
      %gather3A_118 = tpu.vector_load_idx %arg10[%broadcast_in_dim3A_117] : memref<2048xf32, #tpu.memory_space<vmem>>[vector<16xi32>], vector<16xf32>,
      %add3A_119 = arith.constant 7 : i32
      %add3A_120 = arith.addi %add3A_90, %add3A_119 : i32
      %broadcast_in_dim3A_121 = vector.broadcast %add3A_120 : i32 to vector<16xi32>
      %gather3A_122 = tpu.vector_load_idx %arg10[%broadcast_in_dim3A_121] : memref<2048xf32, #tpu.memory_space<vmem>>[vector<16xi32>], vector<16xf32>,
      %scan3A_123 = arith.constant 0 : i32
      %scan3A_124 = arith.constant 0 : i32
      %scan3A_125 = arith.constant 64 : i32
      %scan3A_126 = arith.addi %scan3A_124, %scan3A_125 : i32
      %scan3A_127 = arith.constant 1 : i32
      %scan3A_128 = scf.for %scan3A_477 = %scan3A_124 to %scan3A_126 step %scan3A_127 iter_args(%scan3A_478 = %scan3A_123) -> (i32)  : i32 {
        %mul3A_479 = arith.constant 16 : i32
        %mul3A_480 = arith.muli %scan3A_477, %mul3A_479 : i32
        %get3A_481 = arith.constant 0 : i32
        %get3A_482 = arith.index_cast %get3A_481 : i32 to index
        %get3A_483 = arith.index_cast %mul3A_480 : i32 to index
        %get3A_484 = tpu.vector_load %arg15[%get3A_482, %get3A_483] {strides = array<i32>} : memref<8x1024xf32, #tpu.memory_space<vmem>>, vector<16xf32>,
        %mul3A_485 = arith.mulf %get3A_484, %gather3A_94 : vector<16xf32>
        %swap3A = arith.constant 0 : i32
        %swap3A_486 = arith.index_cast %swap3A : i32 to index
        %swap3A_487 = arith.index_cast %mul3A_480 : i32 to index
        %swap3A_488 = tpu.vector_load %arg17[%swap3A_486, %swap3A_487] {strides = array<i32>} : memref<8x1024xf32, #tpu.memory_space<vmem>>, vector<16xf32>,
        tpu.vector_store %arg17[%swap3A_486, %swap3A_487], %mul3A_485 {strides = array<i32>} : memref<8x1024xf32, #tpu.memory_space<vmem>>, vector<16xf32>,
        %get3A_489 = arith.constant 1 : i32
        %get3A_490 = arith.index_cast %get3A_489 : i32 to index
        %get3A_491 = arith.index_cast %mul3A_480 : i32 to index
        %get3A_492 = tpu.vector_load %arg15[%get3A_490, %get3A_491] {strides = array<i32>} : memref<8x1024xf32, #tpu.memory_space<vmem>>, vector<16xf32>,
        %mul3A_493 = arith.mulf %get3A_492, %gather3A_98 : vector<16xf32>
        %swap3A_494 = arith.constant 1 : i32
        %swap3A_495 = arith.index_cast %swap3A_494 : i32 to index
        %swap3A_496 = arith.index_cast %mul3A_480 : i32 to index
        %swap3A_497 = tpu.vector_load %arg17[%swap3A_495, %swap3A_496] {strides = array<i32>} : memref<8x1024xf32, #tpu.memory_space<vmem>>, vector<16xf32>,
        tpu.vector_store %arg17[%swap3A_495, %swap3A_496], %mul3A_493 {strides = array<i32>} : memref<8x1024xf32, #tpu.memory_space<vmem>>, vector<16xf32>,
        %get3A_498 = arith.constant 2 : i32
        %get3A_499 = arith.index_cast %get3A_498 : i32 to index
        %get3A_500 = arith.index_cast %mul3A_480 : i32 to index
        %get3A_501 = tpu.vector_load %arg15[%get3A_499, %get3A_500] {strides = array<i32>} : memref<8x1024xf32, #tpu.memory_space<vmem>>, vector<16xf32>,
        %mul3A_502 = arith.mulf %get3A_501, %gather3A_102 : vector<16xf32>
        %swap3A_503 = arith.constant 2 : i32
        %swap3A_504 = arith.index_cast %swap3A_503 : i32 to index
        %swap3A_505 = arith.index_cast %mul3A_480 : i32 to index
        %swap3A_506 = tpu.vector_load %arg17[%swap3A_504, %swap3A_505] {strides = array<i32>} : memref<8x1024xf32, #tpu.memory_space<vmem>>, vector<16xf32>,
        tpu.vector_store %arg17[%swap3A_504, %swap3A_505], %mul3A_502 {strides = array<i32>} : memref<8x1024xf32, #tpu.memory_space<vmem>>, vector<16xf32>,
        %get3A_507 = arith.constant 3 : i32
        %get3A_508 = arith.index_cast %get3A_507 : i32 to index
        %get3A_509 = arith.index_cast %mul3A_480 : i32 to index
        %get3A_510 = tpu.vector_load %arg15[%get3A_508, %get3A_509] {strides = array<i32>} : memref<8x1024xf32, #tpu.memory_space<vmem>>, vector<16xf32>,
        %mul3A_511 = arith.mulf %get3A_510, %gather3A_106 : vector<16xf32>
        %swap3A_512 = arith.constant 3 : i32
        %swap3A_513 = arith.index_cast %swap3A_512 : i32 to index
        %swap3A_514 = arith.index_cast %mul3A_480 : i32 to index
        %swap3A_515 = tpu.vector_load %arg17[%swap3A_513, %swap3A_514] {strides = array<i32>} : memref<8x1024xf32, #tpu.memory_space<vmem>>, vector<16xf32>,
        tpu.vector_store %arg17[%swap3A_513, %swap3A_514], %mul3A_511 {strides = array<i32>} : memref<8x1024xf32, #tpu.memory_space<vmem>>, vector<16xf32>,
        %get3A_516 = arith.constant 4 : i32
        %get3A_517 = arith.index_cast %get3A_516 : i32 to index
        %get3A_518 = arith.index_cast %mul3A_480 : i32 to index
        %get3A_519 = tpu.vector_load %arg15[%get3A_517, %get3A_518] {strides = array<i32>} : memref<8x1024xf32, #tpu.memory_space<vmem>>, vector<16xf32>,
        %mul3A_520 = arith.mulf %get3A_519, %gather3A_110 : vector<16xf32>
        %swap3A_521 = arith.constant 4 : i32
        %swap3A_522 = arith.index_cast %swap3A_521 : i32 to index
        %swap3A_523 = arith.index_cast %mul3A_480 : i32 to index
        %swap3A_524 = tpu.vector_load %arg17[%swap3A_522, %swap3A_523] {strides = array<i32>} : memref<8x1024xf32, #tpu.memory_space<vmem>>, vector<16xf32>,
        tpu.vector_store %arg17[%swap3A_522, %swap3A_523], %mul3A_520 {strides = array<i32>} : memref<8x1024xf32, #tpu.memory_space<vmem>>, vector<16xf32>,
        %get3A_525 = arith.constant 5 : i32
        %get3A_526 = arith.index_cast %get3A_525 : i32 to index
        %get3A_527 = arith.index_cast %mul3A_480 : i32 to index
        %get3A_528 = tpu.vector_load %arg15[%get3A_526, %get3A_527] {strides = array<i32>} : memref<8x1024xf32, #tpu.memory_space<vmem>>, vector<16xf32>,
        %mul3A_529 = arith.mulf %get3A_528, %gather3A_114 : vector<16xf32>
        %swap3A_530 = arith.constant 5 : i32
        %swap3A_531 = arith.index_cast %swap3A_530 : i32 to index
        %swap3A_532 = arith.index_cast %mul3A_480 : i32 to index
        %swap3A_533 = tpu.vector_load %arg17[%swap3A_531, %swap3A_532] {strides = array<i32>} : memref<8x1024xf32, #tpu.memory_space<vmem>>, vector<16xf32>,
        tpu.vector_store %arg17[%swap3A_531, %swap3A_532], %mul3A_529 {strides = array<i32>} : memref<8x1024xf32, #tpu.memory_space<vmem>>, vector<16xf32>,
        %get3A_534 = arith.constant 6 : i32
        %get3A_535 = arith.index_cast %get3A_534 : i32 to index
        %get3A_536 = arith.index_cast %mul3A_480 : i32 to index
        %get3A_537 = tpu.vector_load %arg15[%get3A_535, %get3A_536] {strides = array<i32>} : memref<8x1024xf32, #tpu.memory_space<vmem>>, vector<16xf32>,
        %mul3A_538 = arith.mulf %get3A_537, %gather3A_118 : vector<16xf32>
        %swap3A_539 = arith.constant 6 : i32
        %swap3A_540 = arith.index_cast %swap3A_539 : i32 to index
        %swap3A_541 = arith.index_cast %mul3A_480 : i32 to index
        %swap3A_542 = tpu.vector_load %arg17[%swap3A_540, %swap3A_541] {strides = array<i32>} : memref<8x1024xf32, #tpu.memory_space<vmem>>, vector<16xf32>,
        tpu.vector_store %arg17[%swap3A_540, %swap3A_541], %mul3A_538 {strides = array<i32>} : memref<8x1024xf32, #tpu.memory_space<vmem>>, vector<16xf32>,
        %get3A_543 = arith.constant 7 : i32
        %get3A_544 = arith.index_cast %get3A_543 : i32 to index
        %get3A_545 = arith.index_cast %mul3A_480 : i32 to index
        %get3A_546 = tpu.vector_load %arg15[%get3A_544, %get3A_545] {strides = array<i32>} : memref<8x1024xf32, #tpu.memory_space<vmem>>, vector<16xf32>,
        %mul3A_547 = arith.mulf %get3A_546, %gather3A_122 : vector<16xf32>
        %swap3A_548 = arith.constant 7 : i32
        %swap3A_549 = arith.index_cast %swap3A_548 : i32 to index
        %swap3A_550 = arith.index_cast %mul3A_480 : i32 to index
        %swap3A_551 = tpu.vector_load %arg17[%swap3A_549, %swap3A_550] {strides = array<i32>} : memref<8x1024xf32, #tpu.memory_space<vmem>>, vector<16xf32>,
        tpu.vector_store %arg17[%swap3A_549, %swap3A_550], %mul3A_547 {strides = array<i32>} : memref<8x1024xf32, #tpu.memory_space<vmem>>, vector<16xf32>,
        %scan3A_552 = arith.constant 0 : i32
        scf.yield %scan3A_552 : i32
      }
      %scan3A_129 = arith.constant 64 : i32
      %add3A_130 = arith.constant 0 : i32
      %add3A_131 = arith.addi %mul3A_2, %add3A_130 : i32
      %dma_start3A_132 = arith.constant 0 : i32
      %dma_start3A_133 = tpu.memref_slice %arg7[%scan3A_24, %add3A_131, %dma_start3A_132] : memref<4x1026x1024xf32, #tpu.memory_space<hbm>> -> memref<1x8x1024xf32, #tpu.memory_space<hbm>>
      %dma_start3A_134 = tpu.memref_squeeze %dma_start3A_133 : memref<1x8x1024xf32, #tpu.memory_space<hbm>> -> memref<8x1024xf32, #tpu.memory_space<hbm>>
      %dma_start3A_135 = arith.constant 0 : i32
      %dma_start3A_136 = tpu.memref_slice %arg7[%scan3A_24, %add3A_131, %dma_start3A_135] : memref<4x1026x1024xf32, #tpu.memory_space<hbm>> -> memref<1x8x1024xf32, #tpu.memory_space<hbm>>
      %dma_start3A_137 = tpu.memref_squeeze %dma_start3A_136 : memref<1x8x1024xf32, #tpu.memory_space<hbm>> -> memref<8x1024xf32, #tpu.memory_space<hbm>>
      tpu.enqueue_dma source(%arg17 : memref<8x1024xf32, #tpu.memory_space<vmem>>) target(%dma_start3A_137 : memref<8x1024xf32, #tpu.memory_space<hbm>>) target_semaphore(%arg29 : memref<!tpu.dma_semaphore, #tpu.memory_space<semaphore_mem>>)
      %add3A_138 = arith.constant 16 : i32
      %add3A_139 = arith.addi %mul3A_2, %add3A_138 : i32
      %dma_start3A_140 = tpu.memref_slice %arg8[%add3A_139] : memref<2048xi32, #tpu.memory_space<vmem>> -> memref<8xi32, #tpu.memory_space<vmem>>
      %dma_start3A_141 = arith.constant 0 : i32
      %dma_start3A_142 = arith.constant 0 : i32
      %dma_start3A_143 = tpu.memref_slice %arg2[%dma_start3A_141, %dma_start3A_142] : memref<8192x2048xf32, #tpu.memory_space<hbm>> -> memref<8192x2048xf32, #tpu.memory_space<hbm>>
      tpu.enqueue_indirect_dma source(%dma_start3A_143 : memref<8192x2048xf32, #tpu.memory_space<hbm>>) target(%arg11 : memref<8x2048xf32, #tpu.memory_space<vmem>>) offsets(%dma_start3A_140 : memref<8xi32, #tpu.memory_space<vmem>>) semaphore(%arg23 : memref<!tpu.dma_semaphore, #tpu.memory_space<semaphore_mem>>)
      %dma_wait3A_144 = tpu.memref_slice %arg8[%add3A_43] : memref<2048xi32, #tpu.memory_space<vmem>> -> memref<8xi32, #tpu.memory_space<vmem>>
      %dma_wait3A_145 = arith.constant 0 : i32
      %dma_wait3A_146 = arith.constant 0 : i32
      %dma_wait3A_147 = tpu.memref_slice %arg2[%dma_wait3A_145, %dma_wait3A_146] : memref<8192x2048xf32, #tpu.memory_space<hbm>> -> memref<8192x2048xf32, #tpu.memory_space<hbm>>
      tpu.wait_indirect_dma semaphore(%arg24 : memref<!tpu.dma_semaphore, #tpu.memory_space<semaphore_mem>>) src(%dma_wait3A_147 : memref<8192x2048xf32, #tpu.memory_space<hbm>>) dst(%arg12 : memref<8x2048xf32, #tpu.memory_space<vmem>>)
      %scan3A_148 = arith.constant 0 : i32
      %scan3A_149 = arith.constant 0 : i32
      %scan3A_150 = arith.constant 64 : i32
      %scan3A_151 = arith.addi %scan3A_149, %scan3A_150 : i32
      %scan3A_152 = arith.constant 1 : i32
      %scan3A_153 = scf.for %scan3A_477 = %scan3A_149 to %scan3A_151 step %scan3A_152 iter_args(%scan3A_478 = %scan3A_148) -> (i32)  : i32 {
        %mul3A_479 = arith.constant 16 : i32
        %mul3A_480 = arith.muli %scan3A_477, %mul3A_479 : i32
        %get3A_481 = arith.index_cast %mul3A_480 : i32 to index
        %get3A_482 = tpu.vector_load %arg9[%get3A_481] {strides = array<i32>} : memref<1040xi32, #tpu.memory_space<vmem>>, vector<16xi32>,
        %gather3A_483 = tpu.vector_load_idx %arg12[%broadcast_in_dim3A_3, %get3A_482] : memref<8x2048xf32, #tpu.memory_space<vmem>>[vector<16xi32>, vector<16xi32>], vector<16xf32>,
        %swap3A = arith.constant 0 : i32
        %swap3A_484 = arith.index_cast %swap3A : i32 to index
        %swap3A_485 = arith.index_cast %mul3A_480 : i32 to index
        %swap3A_486 = tpu.vector_load %arg14[%swap3A_484, %swap3A_485] {strides = array<i32>} : memref<8x1026xf32, #tpu.memory_space<vmem>>, vector<16xf32>,
        tpu.vector_store %arg14[%swap3A_484, %swap3A_485], %gather3A_483 {strides = array<i32>} : memref<8x1026xf32, #tpu.memory_space<vmem>>, vector<16xf32>,
        %gather3A_487 = tpu.vector_load_idx %arg12[%broadcast_in_dim3A_5, %get3A_482] : memref<8x2048xf32, #tpu.memory_space<vmem>>[vector<16xi32>, vector<16xi32>], vector<16xf32>,
        %swap3A_488 = arith.constant 1 : i32
        %swap3A_489 = arith.index_cast %swap3A_488 : i32 to index
        %swap3A_490 = arith.index_cast %mul3A_480 : i32 to index
        %swap3A_491 = tpu.vector_load %arg14[%swap3A_489, %swap3A_490] {strides = array<i32>} : memref<8x1026xf32, #tpu.memory_space<vmem>>, vector<16xf32>,
        tpu.vector_store %arg14[%swap3A_489, %swap3A_490], %gather3A_487 {strides = array<i32>} : memref<8x1026xf32, #tpu.memory_space<vmem>>, vector<16xf32>,
        %gather3A_492 = tpu.vector_load_idx %arg12[%broadcast_in_dim3A_7, %get3A_482] : memref<8x2048xf32, #tpu.memory_space<vmem>>[vector<16xi32>, vector<16xi32>], vector<16xf32>,
        %swap3A_493 = arith.constant 2 : i32
        %swap3A_494 = arith.index_cast %swap3A_493 : i32 to index
        %swap3A_495 = arith.index_cast %mul3A_480 : i32 to index
        %swap3A_496 = tpu.vector_load %arg14[%swap3A_494, %swap3A_495] {strides = array<i32>} : memref<8x1026xf32, #tpu.memory_space<vmem>>, vector<16xf32>,
        tpu.vector_store %arg14[%swap3A_494, %swap3A_495], %gather3A_492 {strides = array<i32>} : memref<8x1026xf32, #tpu.memory_space<vmem>>, vector<16xf32>,
        %gather3A_497 = tpu.vector_load_idx %arg12[%broadcast_in_dim3A_9, %get3A_482] : memref<8x2048xf32, #tpu.memory_space<vmem>>[vector<16xi32>, vector<16xi32>], vector<16xf32>,
        %swap3A_498 = arith.constant 3 : i32
        %swap3A_499 = arith.index_cast %swap3A_498 : i32 to index
        %swap3A_500 = arith.index_cast %mul3A_480 : i32 to index
        %swap3A_501 = tpu.vector_load %arg14[%swap3A_499, %swap3A_500] {strides = array<i32>} : memref<8x1026xf32, #tpu.memory_space<vmem>>, vector<16xf32>,
        tpu.vector_store %arg14[%swap3A_499, %swap3A_500], %gather3A_497 {strides = array<i32>} : memref<8x1026xf32, #tpu.memory_space<vmem>>, vector<16xf32>,
        %gather3A_502 = tpu.vector_load_idx %arg12[%broadcast_in_dim3A_11, %get3A_482] : memref<8x2048xf32, #tpu.memory_space<vmem>>[vector<16xi32>, vector<16xi32>], vector<16xf32>,
        %swap3A_503 = arith.constant 4 : i32
        %swap3A_504 = arith.index_cast %swap3A_503 : i32 to index
        %swap3A_505 = arith.index_cast %mul3A_480 : i32 to index
        %swap3A_506 = tpu.vector_load %arg14[%swap3A_504, %swap3A_505] {strides = array<i32>} : memref<8x1026xf32, #tpu.memory_space<vmem>>, vector<16xf32>,
        tpu.vector_store %arg14[%swap3A_504, %swap3A_505], %gather3A_502 {strides = array<i32>} : memref<8x1026xf32, #tpu.memory_space<vmem>>, vector<16xf32>,
        %gather3A_507 = tpu.vector_load_idx %arg12[%broadcast_in_dim3A_13, %get3A_482] : memref<8x2048xf32, #tpu.memory_space<vmem>>[vector<16xi32>, vector<16xi32>], vector<16xf32>,
        %swap3A_508 = arith.constant 5 : i32
        %swap3A_509 = arith.index_cast %swap3A_508 : i32 to index
        %swap3A_510 = arith.index_cast %mul3A_480 : i32 to index
        %swap3A_511 = tpu.vector_load %arg14[%swap3A_509, %swap3A_510] {strides = array<i32>} : memref<8x1026xf32, #tpu.memory_space<vmem>>, vector<16xf32>,
        tpu.vector_store %arg14[%swap3A_509, %swap3A_510], %gather3A_507 {strides = array<i32>} : memref<8x1026xf32, #tpu.memory_space<vmem>>, vector<16xf32>,
        %gather3A_512 = tpu.vector_load_idx %arg12[%broadcast_in_dim3A_15, %get3A_482] : memref<8x2048xf32, #tpu.memory_space<vmem>>[vector<16xi32>, vector<16xi32>], vector<16xf32>,
        %swap3A_513 = arith.constant 6 : i32
        %swap3A_514 = arith.index_cast %swap3A_513 : i32 to index
        %swap3A_515 = arith.index_cast %mul3A_480 : i32 to index
        %swap3A_516 = tpu.vector_load %arg14[%swap3A_514, %swap3A_515] {strides = array<i32>} : memref<8x1026xf32, #tpu.memory_space<vmem>>, vector<16xf32>,
        tpu.vector_store %arg14[%swap3A_514, %swap3A_515], %gather3A_512 {strides = array<i32>} : memref<8x1026xf32, #tpu.memory_space<vmem>>, vector<16xf32>,
        %gather3A_517 = tpu.vector_load_idx %arg12[%broadcast_in_dim3A_17, %get3A_482] : memref<8x2048xf32, #tpu.memory_space<vmem>>[vector<16xi32>, vector<16xi32>], vector<16xf32>,
        %swap3A_518 = arith.constant 7 : i32
        %swap3A_519 = arith.index_cast %swap3A_518 : i32 to index
        %swap3A_520 = arith.index_cast %mul3A_480 : i32 to index
        %swap3A_521 = tpu.vector_load %arg14[%swap3A_519, %swap3A_520] {strides = array<i32>} : memref<8x1026xf32, #tpu.memory_space<vmem>>, vector<16xf32>,
        tpu.vector_store %arg14[%swap3A_519, %swap3A_520], %gather3A_517 {strides = array<i32>} : memref<8x1026xf32, #tpu.memory_space<vmem>>, vector<16xf32>,
        %scan3A_522 = arith.constant 0 : i32
        scf.yield %scan3A_522 : i32
      }
      %scan3A_154 = arith.constant 64 : i32
      %add3A_155 = arith.constant 1024 : i32
      %add3A_156 = vector.broadcast %add3A_155 : i32 to vector<16xi32>
      %add3A_157 = arith.addi %add3A_156, %iota3A : vector<16xi32>
      %get3A_158 = arith.constant 1024 : index
      %get3A_159 = tpu.vector_load %arg9[%get3A_158] {strides = array<i32>} : memref<1040xi32, #tpu.memory_space<vmem>>, vector<16xi32>,
      %lt3A_160 = arith.constant 1026 : i32
      %lt3A_161 = vector.broadcast %lt3A_160 : i32 to vector<16xi32>
      %lt3A_162 = arith.cmpi slt, %add3A_157, %lt3A_161 : vector<16xi32>
      %gather3A_163 = tpu.vector_load_idx %arg12[%broadcast_in_dim3A_3, %get3A_159] : memref<8x2048xf32, #tpu.memory_space<vmem>>[vector<16xi32>, vector<16xi32>], vector<16xf32>,
      tpu.vector_store_idx %arg14[%broadcast_in_dim3A_3, %add3A_157], %gather3A_163 masked %lt3A_162 : memref<8x1026xf32, #tpu.memory_space<vmem>>[vector<16xi32>, vector<16xi32>], vector<16xf32>, vector<16xi1>
      %gather3A_164 = tpu.vector_load_idx %arg12[%broadcast_in_dim3A_5, %get3A_159] : memref<8x2048xf32, #tpu.memory_space<vmem>>[vector<16xi32>, vector<16xi32>], vector<16xf32>,
      tpu.vector_store_idx %arg14[%broadcast_in_dim3A_5, %add3A_157], %gather3A_164 masked %lt3A_162 : memref<8x1026xf32, #tpu.memory_space<vmem>>[vector<16xi32>, vector<16xi32>], vector<16xf32>, vector<16xi1>
      %gather3A_165 = tpu.vector_load_idx %arg12[%broadcast_in_dim3A_7, %get3A_159] : memref<8x2048xf32, #tpu.memory_space<vmem>>[vector<16xi32>, vector<16xi32>], vector<16xf32>,
      tpu.vector_store_idx %arg14[%broadcast_in_dim3A_7, %add3A_157], %gather3A_165 masked %lt3A_162 : memref<8x1026xf32, #tpu.memory_space<vmem>>[vector<16xi32>, vector<16xi32>], vector<16xf32>, vector<16xi1>
      %gather3A_166 = tpu.vector_load_idx %arg12[%broadcast_in_dim3A_9, %get3A_159] : memref<8x2048xf32, #tpu.memory_space<vmem>>[vector<16xi32>, vector<16xi32>], vector<16xf32>,
      tpu.vector_store_idx %arg14[%broadcast_in_dim3A_9, %add3A_157], %gather3A_166 masked %lt3A_162 : memref<8x1026xf32, #tpu.memory_space<vmem>>[vector<16xi32>, vector<16xi32>], vector<16xf32>, vector<16xi1>
      %gather3A_167 = tpu.vector_load_idx %arg12[%broadcast_in_dim3A_11, %get3A_159] : memref<8x2048xf32, #tpu.memory_space<vmem>>[vector<16xi32>, vector<16xi32>], vector<16xf32>,
      tpu.vector_store_idx %arg14[%broadcast_in_dim3A_11, %add3A_157], %gather3A_167 masked %lt3A_162 : memref<8x1026xf32, #tpu.memory_space<vmem>>[vector<16xi32>, vector<16xi32>], vector<16xf32>, vector<16xi1>
      %gather3A_168 = tpu.vector_load_idx %arg12[%broadcast_in_dim3A_13, %get3A_159] : memref<8x2048xf32, #tpu.memory_space<vmem>>[vector<16xi32>, vector<16xi32>], vector<16xf32>,
      tpu.vector_store_idx %arg14[%broadcast_in_dim3A_13, %add3A_157], %gather3A_168 masked %lt3A_162 : memref<8x1026xf32, #tpu.memory_space<vmem>>[vector<16xi32>, vector<16xi32>], vector<16xf32>, vector<16xi1>
      %gather3A_169 = tpu.vector_load_idx %arg12[%broadcast_in_dim3A_15, %get3A_159] : memref<8x2048xf32, #tpu.memory_space<vmem>>[vector<16xi32>, vector<16xi32>], vector<16xf32>,
      tpu.vector_store_idx %arg14[%broadcast_in_dim3A_15, %add3A_157], %gather3A_169 masked %lt3A_162 : memref<8x1026xf32, #tpu.memory_space<vmem>>[vector<16xi32>, vector<16xi32>], vector<16xf32>, vector<16xi1>
      %gather3A_170 = tpu.vector_load_idx %arg12[%broadcast_in_dim3A_17, %get3A_159] : memref<8x2048xf32, #tpu.memory_space<vmem>>[vector<16xi32>, vector<16xi32>], vector<16xf32>,
      tpu.vector_store_idx %arg14[%broadcast_in_dim3A_17, %add3A_157], %gather3A_170 masked %lt3A_162 : memref<8x1026xf32, #tpu.memory_space<vmem>>[vector<16xi32>, vector<16xi32>], vector<16xf32>, vector<16xi1>
      %add3A_171 = arith.constant 8 : i32
      %add3A_172 = arith.addi %mul3A_2, %add3A_171 : i32
      %dma_start3A_173 = arith.constant 0 : i32
      %dma_start3A_174 = tpu.memref_slice %arg6[%scan3A_24, %add3A_172, %dma_start3A_173] : memref<4x1026x1026xf32, #tpu.memory_space<hbm>> -> memref<1x8x1026xf32, #tpu.memory_space<hbm>>
      %dma_start3A_175 = tpu.memref_squeeze %dma_start3A_174 : memref<1x8x1026xf32, #tpu.memory_space<hbm>> -> memref<8x1026xf32, #tpu.memory_space<hbm>>
      %dma_start3A_176 = arith.constant 0 : i32
      %dma_start3A_177 = tpu.memref_slice %arg6[%scan3A_24, %add3A_172, %dma_start3A_176] : memref<4x1026x1026xf32, #tpu.memory_space<hbm>> -> memref<1x8x1026xf32, #tpu.memory_space<hbm>>
      %dma_start3A_178 = tpu.memref_squeeze %dma_start3A_177 : memref<1x8x1026xf32, #tpu.memory_space<hbm>> -> memref<8x1026xf32, #tpu.memory_space<hbm>>
      tpu.enqueue_dma source(%arg14 : memref<8x1026xf32, #tpu.memory_space<vmem>>) target(%dma_start3A_178 : memref<8x1026xf32, #tpu.memory_space<hbm>>) target_semaphore(%arg28 : memref<!tpu.dma_semaphore, #tpu.memory_space<semaphore_mem>>)
      %add3A_179 = arith.constant 16 : i32
      %add3A_180 = arith.addi %mul3A_2, %add3A_179 : i32
      %dma_start3A_181 = tpu.memref_slice %arg8[%add3A_180] : memref<2048xi32, #tpu.memory_space<vmem>> -> memref<8xi32, #tpu.memory_space<vmem>>
      %dma_start3A_182 = arith.constant 0 : i32
      %dma_start3A_183 = arith.constant 0 : i32
      %dma_start3A_184 = tpu.memref_slice %arg3[%dma_start3A_182, %dma_start3A_183] : memref<8192x1024xf32, #tpu.memory_space<hbm>> -> memref<8192x1024xf32, #tpu.memory_space<hbm>>
      tpu.enqueue_indirect_dma source(%dma_start3A_184 : memref<8192x1024xf32, #tpu.memory_space<hbm>>) target(%arg15 : memref<8x1024xf32, #tpu.memory_space<vmem>>) offsets(%dma_start3A_181 : memref<8xi32, #tpu.memory_space<vmem>>) semaphore(%arg25 : memref<!tpu.dma_semaphore, #tpu.memory_space<semaphore_mem>>)
      %dma_wait3A_185 = tpu.memref_slice %arg8[%add3A_80] : memref<2048xi32, #tpu.memory_space<vmem>> -> memref<8xi32, #tpu.memory_space<vmem>>
      %dma_wait3A_186 = arith.constant 0 : i32
      %dma_wait3A_187 = arith.constant 0 : i32
      %dma_wait3A_188 = tpu.memref_slice %arg3[%dma_wait3A_186, %dma_wait3A_187] : memref<8192x1024xf32, #tpu.memory_space<hbm>> -> memref<8192x1024xf32, #tpu.memory_space<hbm>>
      tpu.wait_indirect_dma semaphore(%arg26 : memref<!tpu.dma_semaphore, #tpu.memory_space<semaphore_mem>>) src(%dma_wait3A_188 : memref<8192x1024xf32, #tpu.memory_space<hbm>>) dst(%arg16 : memref<8x1024xf32, #tpu.memory_space<vmem>>)
      %add3A_189 = arith.constant 8 : i32
      %add3A_190 = arith.addi %mul3A_2, %add3A_189 : i32
      %add3A_191 = arith.constant 0 : i32
      %add3A_192 = arith.addi %add3A_190, %add3A_191 : i32
      %broadcast_in_dim3A_193 = vector.broadcast %add3A_192 : i32 to vector<16xi32>
      %gather3A_194 = tpu.vector_load_idx %arg10[%broadcast_in_dim3A_193] : memref<2048xf32, #tpu.memory_space<vmem>>[vector<16xi32>], vector<16xf32>,
      %add3A_195 = arith.constant 1 : i32
      %add3A_196 = arith.addi %add3A_190, %add3A_195 : i32
      %broadcast_in_dim3A_197 = vector.broadcast %add3A_196 : i32 to vector<16xi32>
      %gather3A_198 = tpu.vector_load_idx %arg10[%broadcast_in_dim3A_197] : memref<2048xf32, #tpu.memory_space<vmem>>[vector<16xi32>], vector<16xf32>,
      %add3A_199 = arith.constant 2 : i32
      %add3A_200 = arith.addi %add3A_190, %add3A_199 : i32
      %broadcast_in_dim3A_201 = vector.broadcast %add3A_200 : i32 to vector<16xi32>
      %gather3A_202 = tpu.vector_load_idx %arg10[%broadcast_in_dim3A_201] : memref<2048xf32, #tpu.memory_space<vmem>>[vector<16xi32>], vector<16xf32>,
      %add3A_203 = arith.constant 3 : i32
      %add3A_204 = arith.addi %add3A_190, %add3A_203 : i32
      %broadcast_in_dim3A_205 = vector.broadcast %add3A_204 : i32 to vector<16xi32>
      %gather3A_206 = tpu.vector_load_idx %arg10[%broadcast_in_dim3A_205] : memref<2048xf32, #tpu.memory_space<vmem>>[vector<16xi32>], vector<16xf32>,
      %add3A_207 = arith.constant 4 : i32
      %add3A_208 = arith.addi %add3A_190, %add3A_207 : i32
      %broadcast_in_dim3A_209 = vector.broadcast %add3A_208 : i32 to vector<16xi32>
      %gather3A_210 = tpu.vector_load_idx %arg10[%broadcast_in_dim3A_209] : memref<2048xf32, #tpu.memory_space<vmem>>[vector<16xi32>], vector<16xf32>,
      %add3A_211 = arith.constant 5 : i32
      %add3A_212 = arith.addi %add3A_190, %add3A_211 : i32
      %broadcast_in_dim3A_213 = vector.broadcast %add3A_212 : i32 to vector<16xi32>
      %gather3A_214 = tpu.vector_load_idx %arg10[%broadcast_in_dim3A_213] : memref<2048xf32, #tpu.memory_space<vmem>>[vector<16xi32>], vector<16xf32>,
      %add3A_215 = arith.constant 6 : i32
      %add3A_216 = arith.addi %add3A_190, %add3A_215 : i32
      %broadcast_in_dim3A_217 = vector.broadcast %add3A_216 : i32 to vector<16xi32>
      %gather3A_218 = tpu.vector_load_idx %arg10[%broadcast_in_dim3A_217] : memref<2048xf32, #tpu.memory_space<vmem>>[vector<16xi32>], vector<16xf32>,
      %add3A_219 = arith.constant 7 : i32
      %add3A_220 = arith.addi %add3A_190, %add3A_219 : i32
      %broadcast_in_dim3A_221 = vector.broadcast %add3A_220 : i32 to vector<16xi32>
      %gather3A_222 = tpu.vector_load_idx %arg10[%broadcast_in_dim3A_221] : memref<2048xf32, #tpu.memory_space<vmem>>[vector<16xi32>], vector<16xf32>,
      %scan3A_223 = arith.constant 0 : i32
      %scan3A_224 = arith.constant 0 : i32
      %scan3A_225 = arith.constant 64 : i32
      %scan3A_226 = arith.addi %scan3A_224, %scan3A_225 : i32
      %scan3A_227 = arith.constant 1 : i32
      %scan3A_228 = scf.for %scan3A_477 = %scan3A_224 to %scan3A_226 step %scan3A_227 iter_args(%scan3A_478 = %scan3A_223) -> (i32)  : i32 {
        %mul3A_479 = arith.constant 16 : i32
        %mul3A_480 = arith.muli %scan3A_477, %mul3A_479 : i32
        %get3A_481 = arith.constant 0 : i32
        %get3A_482 = arith.index_cast %get3A_481 : i32 to index
        %get3A_483 = arith.index_cast %mul3A_480 : i32 to index
        %get3A_484 = tpu.vector_load %arg16[%get3A_482, %get3A_483] {strides = array<i32>} : memref<8x1024xf32, #tpu.memory_space<vmem>>, vector<16xf32>,
        %mul3A_485 = arith.mulf %get3A_484, %gather3A_194 : vector<16xf32>
        %swap3A = arith.constant 0 : i32
        %swap3A_486 = arith.index_cast %swap3A : i32 to index
        %swap3A_487 = arith.index_cast %mul3A_480 : i32 to index
        %swap3A_488 = tpu.vector_load %arg18[%swap3A_486, %swap3A_487] {strides = array<i32>} : memref<8x1024xf32, #tpu.memory_space<vmem>>, vector<16xf32>,
        tpu.vector_store %arg18[%swap3A_486, %swap3A_487], %mul3A_485 {strides = array<i32>} : memref<8x1024xf32, #tpu.memory_space<vmem>>, vector<16xf32>,
        %get3A_489 = arith.constant 1 : i32
        %get3A_490 = arith.index_cast %get3A_489 : i32 to index
        %get3A_491 = arith.index_cast %mul3A_480 : i32 to index
        %get3A_492 = tpu.vector_load %arg16[%get3A_490, %get3A_491] {strides = array<i32>} : memref<8x1024xf32, #tpu.memory_space<vmem>>, vector<16xf32>,
        %mul3A_493 = arith.mulf %get3A_492, %gather3A_198 : vector<16xf32>
        %swap3A_494 = arith.constant 1 : i32
        %swap3A_495 = arith.index_cast %swap3A_494 : i32 to index
        %swap3A_496 = arith.index_cast %mul3A_480 : i32 to index
        %swap3A_497 = tpu.vector_load %arg18[%swap3A_495, %swap3A_496] {strides = array<i32>} : memref<8x1024xf32, #tpu.memory_space<vmem>>, vector<16xf32>,
        tpu.vector_store %arg18[%swap3A_495, %swap3A_496], %mul3A_493 {strides = array<i32>} : memref<8x1024xf32, #tpu.memory_space<vmem>>, vector<16xf32>,
        %get3A_498 = arith.constant 2 : i32
        %get3A_499 = arith.index_cast %get3A_498 : i32 to index
        %get3A_500 = arith.index_cast %mul3A_480 : i32 to index
        %get3A_501 = tpu.vector_load %arg16[%get3A_499, %get3A_500] {strides = array<i32>} : memref<8x1024xf32, #tpu.memory_space<vmem>>, vector<16xf32>,
        %mul3A_502 = arith.mulf %get3A_501, %gather3A_202 : vector<16xf32>
        %swap3A_503 = arith.constant 2 : i32
        %swap3A_504 = arith.index_cast %swap3A_503 : i32 to index
        %swap3A_505 = arith.index_cast %mul3A_480 : i32 to index
        %swap3A_506 = tpu.vector_load %arg18[%swap3A_504, %swap3A_505] {strides = array<i32>} : memref<8x1024xf32, #tpu.memory_space<vmem>>, vector<16xf32>,
        tpu.vector_store %arg18[%swap3A_504, %swap3A_505], %mul3A_502 {strides = array<i32>} : memref<8x1024xf32, #tpu.memory_space<vmem>>, vector<16xf32>,
        %get3A_507 = arith.constant 3 : i32
        %get3A_508 = arith.index_cast %get3A_507 : i32 to index
        %get3A_509 = arith.index_cast %mul3A_480 : i32 to index
        %get3A_510 = tpu.vector_load %arg16[%get3A_508, %get3A_509] {strides = array<i32>} : memref<8x1024xf32, #tpu.memory_space<vmem>>, vector<16xf32>,
        %mul3A_511 = arith.mulf %get3A_510, %gather3A_206 : vector<16xf32>
        %swap3A_512 = arith.constant 3 : i32
        %swap3A_513 = arith.index_cast %swap3A_512 : i32 to index
        %swap3A_514 = arith.index_cast %mul3A_480 : i32 to index
        %swap3A_515 = tpu.vector_load %arg18[%swap3A_513, %swap3A_514] {strides = array<i32>} : memref<8x1024xf32, #tpu.memory_space<vmem>>, vector<16xf32>,
        tpu.vector_store %arg18[%swap3A_513, %swap3A_514], %mul3A_511 {strides = array<i32>} : memref<8x1024xf32, #tpu.memory_space<vmem>>, vector<16xf32>,
        %get3A_516 = arith.constant 4 : i32
        %get3A_517 = arith.index_cast %get3A_516 : i32 to index
        %get3A_518 = arith.index_cast %mul3A_480 : i32 to index
        %get3A_519 = tpu.vector_load %arg16[%get3A_517, %get3A_518] {strides = array<i32>} : memref<8x1024xf32, #tpu.memory_space<vmem>>, vector<16xf32>,
        %mul3A_520 = arith.mulf %get3A_519, %gather3A_210 : vector<16xf32>
        %swap3A_521 = arith.constant 4 : i32
        %swap3A_522 = arith.index_cast %swap3A_521 : i32 to index
        %swap3A_523 = arith.index_cast %mul3A_480 : i32 to index
        %swap3A_524 = tpu.vector_load %arg18[%swap3A_522, %swap3A_523] {strides = array<i32>} : memref<8x1024xf32, #tpu.memory_space<vmem>>, vector<16xf32>,
        tpu.vector_store %arg18[%swap3A_522, %swap3A_523], %mul3A_520 {strides = array<i32>} : memref<8x1024xf32, #tpu.memory_space<vmem>>, vector<16xf32>,
        %get3A_525 = arith.constant 5 : i32
        %get3A_526 = arith.index_cast %get3A_525 : i32 to index
        %get3A_527 = arith.index_cast %mul3A_480 : i32 to index
        %get3A_528 = tpu.vector_load %arg16[%get3A_526, %get3A_527] {strides = array<i32>} : memref<8x1024xf32, #tpu.memory_space<vmem>>, vector<16xf32>,
        %mul3A_529 = arith.mulf %get3A_528, %gather3A_214 : vector<16xf32>
        %swap3A_530 = arith.constant 5 : i32
        %swap3A_531 = arith.index_cast %swap3A_530 : i32 to index
        %swap3A_532 = arith.index_cast %mul3A_480 : i32 to index
        %swap3A_533 = tpu.vector_load %arg18[%swap3A_531, %swap3A_532] {strides = array<i32>} : memref<8x1024xf32, #tpu.memory_space<vmem>>, vector<16xf32>,
        tpu.vector_store %arg18[%swap3A_531, %swap3A_532], %mul3A_529 {strides = array<i32>} : memref<8x1024xf32, #tpu.memory_space<vmem>>, vector<16xf32>,
        %get3A_534 = arith.constant 6 : i32
        %get3A_535 = arith.index_cast %get3A_534 : i32 to index
        %get3A_536 = arith.index_cast %mul3A_480 : i32 to index
        %get3A_537 = tpu.vector_load %arg16[%get3A_535, %get3A_536] {strides = array<i32>} : memref<8x1024xf32, #tpu.memory_space<vmem>>, vector<16xf32>,
        %mul3A_538 = arith.mulf %get3A_537, %gather3A_218 : vector<16xf32>
        %swap3A_539 = arith.constant 6 : i32
        %swap3A_540 = arith.index_cast %swap3A_539 : i32 to index
        %swap3A_541 = arith.index_cast %mul3A_480 : i32 to index
        %swap3A_542 = tpu.vector_load %arg18[%swap3A_540, %swap3A_541] {strides = array<i32>} : memref<8x1024xf32, #tpu.memory_space<vmem>>, vector<16xf32>,
        tpu.vector_store %arg18[%swap3A_540, %swap3A_541], %mul3A_538 {strides = array<i32>} : memref<8x1024xf32, #tpu.memory_space<vmem>>, vector<16xf32>,
        %get3A_543 = arith.constant 7 : i32
        %get3A_544 = arith.index_cast %get3A_543 : i32 to index
        %get3A_545 = arith.index_cast %mul3A_480 : i32 to index
        %get3A_546 = tpu.vector_load %arg16[%get3A_544, %get3A_545] {strides = array<i32>} : memref<8x1024xf32, #tpu.memory_space<vmem>>, vector<16xf32>,
        %mul3A_547 = arith.mulf %get3A_546, %gather3A_222 : vector<16xf32>
        %swap3A_548 = arith.constant 7 : i32
        %swap3A_549 = arith.index_cast %swap3A_548 : i32 to index
        %swap3A_550 = arith.index_cast %mul3A_480 : i32 to index
        %swap3A_551 = tpu.vector_load %arg18[%swap3A_549, %swap3A_550] {strides = array<i32>} : memref<8x1024xf32, #tpu.memory_space<vmem>>, vector<16xf32>,
        tpu.vector_store %arg18[%swap3A_549, %swap3A_550], %mul3A_547 {strides = array<i32>} : memref<8x1024xf32, #tpu.memory_space<vmem>>, vector<16xf32>,
        %scan3A_552 = arith.constant 0 : i32
        scf.yield %scan3A_552 : i32
      }
      %scan3A_229 = arith.constant 64 : i32
      %add3A_230 = arith.constant 8 : i32
      %add3A_231 = arith.addi %mul3A_2, %add3A_230 : i32
      %dma_start3A_232 = arith.constant 0 : i32
      %dma_start3A_233 = tpu.memref_slice %arg7[%scan3A_24, %add3A_231, %dma_start3A_232] : memref<4x1026x1024xf32, #tpu.memory_space<hbm>> -> memref<1x8x1024xf32, #tpu.memory_space<hbm>>
      %dma_start3A_234 = tpu.memref_squeeze %dma_start3A_233 : memref<1x8x1024xf32, #tpu.memory_space<hbm>> -> memref<8x1024xf32, #tpu.memory_space<hbm>>
      %dma_start3A_235 = arith.constant 0 : i32
      %dma_start3A_236 = tpu.memref_slice %arg7[%scan3A_24, %add3A_231, %dma_start3A_235] : memref<4x1026x1024xf32, #tpu.memory_space<hbm>> -> memref<1x8x1024xf32, #tpu.memory_space<hbm>>
      %dma_start3A_237 = tpu.memref_squeeze %dma_start3A_236 : memref<1x8x1024xf32, #tpu.memory_space<hbm>> -> memref<8x1024xf32, #tpu.memory_space<hbm>>
      tpu.enqueue_dma source(%arg18 : memref<8x1024xf32, #tpu.memory_space<vmem>>) target(%dma_start3A_237 : memref<8x1024xf32, #tpu.memory_space<hbm>>) target_semaphore(%arg30 : memref<!tpu.dma_semaphore, #tpu.memory_space<semaphore_mem>>)
      %add3A_238 = arith.constant 24 : i32
      %add3A_239 = arith.addi %mul3A_2, %add3A_238 : i32
      %dma_start3A_240 = tpu.memref_slice %arg8[%add3A_239] : memref<2048xi32, #tpu.memory_space<vmem>> -> memref<8xi32, #tpu.memory_space<vmem>>
      %dma_start3A_241 = arith.constant 0 : i32
      %dma_start3A_242 = arith.constant 0 : i32
      %dma_start3A_243 = tpu.memref_slice %arg2[%dma_start3A_241, %dma_start3A_242] : memref<8192x2048xf32, #tpu.memory_space<hbm>> -> memref<8192x2048xf32, #tpu.memory_space<hbm>>
      tpu.enqueue_indirect_dma source(%dma_start3A_243 : memref<8192x2048xf32, #tpu.memory_space<hbm>>) target(%arg12 : memref<8x2048xf32, #tpu.memory_space<vmem>>) offsets(%dma_start3A_240 : memref<8xi32, #tpu.memory_space<vmem>>) semaphore(%arg24 : memref<!tpu.dma_semaphore, #tpu.memory_space<semaphore_mem>>)
      %dma_wait3A_244 = tpu.memref_slice %arg8[%add3A_139] : memref<2048xi32, #tpu.memory_space<vmem>> -> memref<8xi32, #tpu.memory_space<vmem>>
      %dma_wait3A_245 = arith.constant 0 : i32
      %dma_wait3A_246 = arith.constant 0 : i32
      %dma_wait3A_247 = tpu.memref_slice %arg2[%dma_wait3A_245, %dma_wait3A_246] : memref<8192x2048xf32, #tpu.memory_space<hbm>> -> memref<8192x2048xf32, #tpu.memory_space<hbm>>
      tpu.wait_indirect_dma semaphore(%arg23 : memref<!tpu.dma_semaphore, #tpu.memory_space<semaphore_mem>>) src(%dma_wait3A_247 : memref<8192x2048xf32, #tpu.memory_space<hbm>>) dst(%arg11 : memref<8x2048xf32, #tpu.memory_space<vmem>>)
      %dma_wait3A_248 = arith.constant 0 : i32
      %dma_wait3A_249 = tpu.memref_slice %arg6[%scan3A_24, %add3A_72, %dma_wait3A_248] : memref<4x1026x1026xf32, #tpu.memory_space<hbm>> -> memref<1x8x1026xf32, #tpu.memory_space<hbm>>
      %dma_wait3A_250 = tpu.memref_squeeze %dma_wait3A_249 : memref<1x8x1026xf32, #tpu.memory_space<hbm>> -> memref<8x1026xf32, #tpu.memory_space<hbm>>
      %dma_wait3A_251 = arith.constant 0 : i32
      %dma_wait3A_252 = tpu.memref_slice %arg6[%scan3A_24, %add3A_72, %dma_wait3A_251] : memref<4x1026x1026xf32, #tpu.memory_space<hbm>> -> memref<1x8x1026xf32, #tpu.memory_space<hbm>>
      %dma_wait3A_253 = tpu.memref_squeeze %dma_wait3A_252 : memref<1x8x1026xf32, #tpu.memory_space<hbm>> -> memref<8x1026xf32, #tpu.memory_space<hbm>>
      tpu.wait_dma2 semaphore(%arg27 : memref<!tpu.dma_semaphore, #tpu.memory_space<semaphore_mem>>) src(%arg13 : memref<8x1026xf32, #tpu.memory_space<vmem>>) dst(%dma_wait3A_253 : memref<8x1026xf32, #tpu.memory_space<hbm>>)
      %scan3A_254 = arith.constant 0 : i32
      %scan3A_255 = arith.constant 0 : i32
      %scan3A_256 = arith.constant 64 : i32
      %scan3A_257 = arith.addi %scan3A_255, %scan3A_256 : i32
      %scan3A_258 = arith.constant 1 : i32
      %scan3A_259 = scf.for %scan3A_477 = %scan3A_255 to %scan3A_257 step %scan3A_258 iter_args(%scan3A_478 = %scan3A_254) -> (i32)  : i32 {
        %mul3A_479 = arith.constant 16 : i32
        %mul3A_480 = arith.muli %scan3A_477, %mul3A_479 : i32
        %get3A_481 = arith.index_cast %mul3A_480 : i32 to index
        %get3A_482 = tpu.vector_load %arg9[%get3A_481] {strides = array<i32>} : memref<1040xi32, #tpu.memory_space<vmem>>, vector<16xi32>,
        %gather3A_483 = tpu.vector_load_idx %arg11[%broadcast_in_dim3A_3, %get3A_482] : memref<8x2048xf32, #tpu.memory_space<vmem>>[vector<16xi32>, vector<16xi32>], vector<16xf32>,
        %swap3A = arith.constant 0 : i32
        %swap3A_484 = arith.index_cast %swap3A : i32 to index
        %swap3A_485 = arith.index_cast %mul3A_480 : i32 to index
        %swap3A_486 = tpu.vector_load %arg13[%swap3A_484, %swap3A_485] {strides = array<i32>} : memref<8x1026xf32, #tpu.memory_space<vmem>>, vector<16xf32>,
        tpu.vector_store %arg13[%swap3A_484, %swap3A_485], %gather3A_483 {strides = array<i32>} : memref<8x1026xf32, #tpu.memory_space<vmem>>, vector<16xf32>,
        %gather3A_487 = tpu.vector_load_idx %arg11[%broadcast_in_dim3A_5, %get3A_482] : memref<8x2048xf32, #tpu.memory_space<vmem>>[vector<16xi32>, vector<16xi32>], vector<16xf32>,
        %swap3A_488 = arith.constant 1 : i32
        %swap3A_489 = arith.index_cast %swap3A_488 : i32 to index
        %swap3A_490 = arith.index_cast %mul3A_480 : i32 to index
        %swap3A_491 = tpu.vector_load %arg13[%swap3A_489, %swap3A_490] {strides = array<i32>} : memref<8x1026xf32, #tpu.memory_space<vmem>>, vector<16xf32>,
        tpu.vector_store %arg13[%swap3A_489, %swap3A_490], %gather3A_487 {strides = array<i32>} : memref<8x1026xf32, #tpu.memory_space<vmem>>, vector<16xf32>,
        %gather3A_492 = tpu.vector_load_idx %arg11[%broadcast_in_dim3A_7, %get3A_482] : memref<8x2048xf32, #tpu.memory_space<vmem>>[vector<16xi32>, vector<16xi32>], vector<16xf32>,
        %swap3A_493 = arith.constant 2 : i32
        %swap3A_494 = arith.index_cast %swap3A_493 : i32 to index
        %swap3A_495 = arith.index_cast %mul3A_480 : i32 to index
        %swap3A_496 = tpu.vector_load %arg13[%swap3A_494, %swap3A_495] {strides = array<i32>} : memref<8x1026xf32, #tpu.memory_space<vmem>>, vector<16xf32>,
        tpu.vector_store %arg13[%swap3A_494, %swap3A_495], %gather3A_492 {strides = array<i32>} : memref<8x1026xf32, #tpu.memory_space<vmem>>, vector<16xf32>,
        %gather3A_497 = tpu.vector_load_idx %arg11[%broadcast_in_dim3A_9, %get3A_482] : memref<8x2048xf32, #tpu.memory_space<vmem>>[vector<16xi32>, vector<16xi32>], vector<16xf32>,
        %swap3A_498 = arith.constant 3 : i32
        %swap3A_499 = arith.index_cast %swap3A_498 : i32 to index
        %swap3A_500 = arith.index_cast %mul3A_480 : i32 to index
        %swap3A_501 = tpu.vector_load %arg13[%swap3A_499, %swap3A_500] {strides = array<i32>} : memref<8x1026xf32, #tpu.memory_space<vmem>>, vector<16xf32>,
        tpu.vector_store %arg13[%swap3A_499, %swap3A_500], %gather3A_497 {strides = array<i32>} : memref<8x1026xf32, #tpu.memory_space<vmem>>, vector<16xf32>,
        %gather3A_502 = tpu.vector_load_idx %arg11[%broadcast_in_dim3A_11, %get3A_482] : memref<8x2048xf32, #tpu.memory_space<vmem>>[vector<16xi32>, vector<16xi32>], vector<16xf32>,
        %swap3A_503 = arith.constant 4 : i32
        %swap3A_504 = arith.index_cast %swap3A_503 : i32 to index
        %swap3A_505 = arith.index_cast %mul3A_480 : i32 to index
        %swap3A_506 = tpu.vector_load %arg13[%swap3A_504, %swap3A_505] {strides = array<i32>} : memref<8x1026xf32, #tpu.memory_space<vmem>>, vector<16xf32>,
        tpu.vector_store %arg13[%swap3A_504, %swap3A_505], %gather3A_502 {strides = array<i32>} : memref<8x1026xf32, #tpu.memory_space<vmem>>, vector<16xf32>,
        %gather3A_507 = tpu.vector_load_idx %arg11[%broadcast_in_dim3A_13, %get3A_482] : memref<8x2048xf32, #tpu.memory_space<vmem>>[vector<16xi32>, vector<16xi32>], vector<16xf32>,
        %swap3A_508 = arith.constant 5 : i32
        %swap3A_509 = arith.index_cast %swap3A_508 : i32 to index
        %swap3A_510 = arith.index_cast %mul3A_480 : i32 to index
        %swap3A_511 = tpu.vector_load %arg13[%swap3A_509, %swap3A_510] {strides = array<i32>} : memref<8x1026xf32, #tpu.memory_space<vmem>>, vector<16xf32>,
        tpu.vector_store %arg13[%swap3A_509, %swap3A_510], %gather3A_507 {strides = array<i32>} : memref<8x1026xf32, #tpu.memory_space<vmem>>, vector<16xf32>,
        %gather3A_512 = tpu.vector_load_idx %arg11[%broadcast_in_dim3A_15, %get3A_482] : memref<8x2048xf32, #tpu.memory_space<vmem>>[vector<16xi32>, vector<16xi32>], vector<16xf32>,
        %swap3A_513 = arith.constant 6 : i32
        %swap3A_514 = arith.index_cast %swap3A_513 : i32 to index
        %swap3A_515 = arith.index_cast %mul3A_480 : i32 to index
        %swap3A_516 = tpu.vector_load %arg13[%swap3A_514, %swap3A_515] {strides = array<i32>} : memref<8x1026xf32, #tpu.memory_space<vmem>>, vector<16xf32>,
        tpu.vector_store %arg13[%swap3A_514, %swap3A_515], %gather3A_512 {strides = array<i32>} : memref<8x1026xf32, #tpu.memory_space<vmem>>, vector<16xf32>,
        %gather3A_517 = tpu.vector_load_idx %arg11[%broadcast_in_dim3A_17, %get3A_482] : memref<8x2048xf32, #tpu.memory_space<vmem>>[vector<16xi32>, vector<16xi32>], vector<16xf32>,
        %swap3A_518 = arith.constant 7 : i32
        %swap3A_519 = arith.index_cast %swap3A_518 : i32 to index
        %swap3A_520 = arith.index_cast %mul3A_480 : i32 to index
        %swap3A_521 = tpu.vector_load %arg13[%swap3A_519, %swap3A_520] {strides = array<i32>} : memref<8x1026xf32, #tpu.memory_space<vmem>>, vector<16xf32>,
        tpu.vector_store %arg13[%swap3A_519, %swap3A_520], %gather3A_517 {strides = array<i32>} : memref<8x1026xf32, #tpu.memory_space<vmem>>, vector<16xf32>,
        %scan3A_522 = arith.constant 0 : i32
        scf.yield %scan3A_522 : i32
      }
      %scan3A_260 = arith.constant 64 : i32
      %add3A_261 = arith.constant 1024 : i32
      %add3A_262 = vector.broadcast %add3A_261 : i32 to vector<16xi32>
      %add3A_263 = arith.addi %add3A_262, %iota3A : vector<16xi32>
      %get3A_264 = arith.constant 1024 : index
      %get3A_265 = tpu.vector_load %arg9[%get3A_264] {strides = array<i32>} : memref<1040xi32, #tpu.memory_space<vmem>>, vector<16xi32>,
      %lt3A_266 = arith.constant 1026 : i32
      %lt3A_267 = vector.broadcast %lt3A_266 : i32 to vector<16xi32>
      %lt3A_268 = arith.cmpi slt, %add3A_263, %lt3A_267 : vector<16xi32>
      %gather3A_269 = tpu.vector_load_idx %arg11[%broadcast_in_dim3A_3, %get3A_265] : memref<8x2048xf32, #tpu.memory_space<vmem>>[vector<16xi32>, vector<16xi32>], vector<16xf32>,
      tpu.vector_store_idx %arg13[%broadcast_in_dim3A_3, %add3A_263], %gather3A_269 masked %lt3A_268 : memref<8x1026xf32, #tpu.memory_space<vmem>>[vector<16xi32>, vector<16xi32>], vector<16xf32>, vector<16xi1>
      %gather3A_270 = tpu.vector_load_idx %arg11[%broadcast_in_dim3A_5, %get3A_265] : memref<8x2048xf32, #tpu.memory_space<vmem>>[vector<16xi32>, vector<16xi32>], vector<16xf32>,
      tpu.vector_store_idx %arg13[%broadcast_in_dim3A_5, %add3A_263], %gather3A_270 masked %lt3A_268 : memref<8x1026xf32, #tpu.memory_space<vmem>>[vector<16xi32>, vector<16xi32>], vector<16xf32>, vector<16xi1>
      %gather3A_271 = tpu.vector_load_idx %arg11[%broadcast_in_dim3A_7, %get3A_265] : memref<8x2048xf32, #tpu.memory_space<vmem>>[vector<16xi32>, vector<16xi32>], vector<16xf32>,
      tpu.vector_store_idx %arg13[%broadcast_in_dim3A_7, %add3A_263], %gather3A_271 masked %lt3A_268 : memref<8x1026xf32, #tpu.memory_space<vmem>>[vector<16xi32>, vector<16xi32>], vector<16xf32>, vector<16xi1>
      %gather3A_272 = tpu.vector_load_idx %arg11[%broadcast_in_dim3A_9, %get3A_265] : memref<8x2048xf32, #tpu.memory_space<vmem>>[vector<16xi32>, vector<16xi32>], vector<16xf32>,
      tpu.vector_store_idx %arg13[%broadcast_in_dim3A_9, %add3A_263], %gather3A_272 masked %lt3A_268 : memref<8x1026xf32, #tpu.memory_space<vmem>>[vector<16xi32>, vector<16xi32>], vector<16xf32>, vector<16xi1>
      %gather3A_273 = tpu.vector_load_idx %arg11[%broadcast_in_dim3A_11, %get3A_265] : memref<8x2048xf32, #tpu.memory_space<vmem>>[vector<16xi32>, vector<16xi32>], vector<16xf32>,
      tpu.vector_store_idx %arg13[%broadcast_in_dim3A_11, %add3A_263], %gather3A_273 masked %lt3A_268 : memref<8x1026xf32, #tpu.memory_space<vmem>>[vector<16xi32>, vector<16xi32>], vector<16xf32>, vector<16xi1>
      %gather3A_274 = tpu.vector_load_idx %arg11[%broadcast_in_dim3A_13, %get3A_265] : memref<8x2048xf32, #tpu.memory_space<vmem>>[vector<16xi32>, vector<16xi32>], vector<16xf32>,
      tpu.vector_store_idx %arg13[%broadcast_in_dim3A_13, %add3A_263], %gather3A_274 masked %lt3A_268 : memref<8x1026xf32, #tpu.memory_space<vmem>>[vector<16xi32>, vector<16xi32>], vector<16xf32>, vector<16xi1>
      %gather3A_275 = tpu.vector_load_idx %arg11[%broadcast_in_dim3A_15, %get3A_265] : memref<8x2048xf32, #tpu.memory_space<vmem>>[vector<16xi32>, vector<16xi32>], vector<16xf32>,
      tpu.vector_store_idx %arg13[%broadcast_in_dim3A_15, %add3A_263], %gather3A_275 masked %lt3A_268 : memref<8x1026xf32, #tpu.memory_space<vmem>>[vector<16xi32>, vector<16xi32>], vector<16xf32>, vector<16xi1>
      %gather3A_276 = tpu.vector_load_idx %arg11[%broadcast_in_dim3A_17, %get3A_265] : memref<8x2048xf32, #tpu.memory_space<vmem>>[vector<16xi32>, vector<16xi32>], vector<16xf32>,
      tpu.vector_store_idx %arg13[%broadcast_in_dim3A_17, %add3A_263], %gather3A_276 masked %lt3A_268 : memref<8x1026xf32, #tpu.memory_space<vmem>>[vector<16xi32>, vector<16xi32>], vector<16xf32>, vector<16xi1>
      %add3A_277 = arith.constant 16 : i32
      %add3A_278 = arith.addi %mul3A_2, %add3A_277 : i32
      %dma_start3A_279 = arith.constant 0 : i32
      %dma_start3A_280 = tpu.memref_slice %arg6[%scan3A_24, %add3A_278, %dma_start3A_279] : memref<4x1026x1026xf32, #tpu.memory_space<hbm>> -> memref<1x8x1026xf32, #tpu.memory_space<hbm>>
      %dma_start3A_281 = tpu.memref_squeeze %dma_start3A_280 : memref<1x8x1026xf32, #tpu.memory_space<hbm>> -> memref<8x1026xf32, #tpu.memory_space<hbm>>
      %dma_start3A_282 = arith.constant 0 : i32
      %dma_start3A_283 = tpu.memref_slice %arg6[%scan3A_24, %add3A_278, %dma_start3A_282] : memref<4x1026x1026xf32, #tpu.memory_space<hbm>> -> memref<1x8x1026xf32, #tpu.memory_space<hbm>>
      %dma_start3A_284 = tpu.memref_squeeze %dma_start3A_283 : memref<1x8x1026xf32, #tpu.memory_space<hbm>> -> memref<8x1026xf32, #tpu.memory_space<hbm>>
      tpu.enqueue_dma source(%arg13 : memref<8x1026xf32, #tpu.memory_space<vmem>>) target(%dma_start3A_284 : memref<8x1026xf32, #tpu.memory_space<hbm>>) target_semaphore(%arg27 : memref<!tpu.dma_semaphore, #tpu.memory_space<semaphore_mem>>)
      %add3A_285 = arith.constant 24 : i32
      %add3A_286 = arith.addi %mul3A_2, %add3A_285 : i32
      %dma_start3A_287 = tpu.memref_slice %arg8[%add3A_286] : memref<2048xi32, #tpu.memory_space<vmem>> -> memref<8xi32, #tpu.memory_space<vmem>>
      %dma_start3A_288 = arith.constant 0 : i32
      %dma_start3A_289 = arith.constant 0 : i32
      %dma_start3A_290 = tpu.memref_slice %arg3[%dma_start3A_288, %dma_start3A_289] : memref<8192x1024xf32, #tpu.memory_space<hbm>> -> memref<8192x1024xf32, #tpu.memory_space<hbm>>
      tpu.enqueue_indirect_dma source(%dma_start3A_290 : memref<8192x1024xf32, #tpu.memory_space<hbm>>) target(%arg16 : memref<8x1024xf32, #tpu.memory_space<vmem>>) offsets(%dma_start3A_287 : memref<8xi32, #tpu.memory_space<vmem>>) semaphore(%arg26 : memref<!tpu.dma_semaphore, #tpu.memory_space<semaphore_mem>>)
      %dma_wait3A_291 = tpu.memref_slice %arg8[%add3A_180] : memref<2048xi32, #tpu.memory_space<vmem>> -> memref<8xi32, #tpu.memory_space<vmem>>
      %dma_wait3A_292 = arith.constant 0 : i32
      %dma_wait3A_293 = arith.constant 0 : i32
      %dma_wait3A_294 = tpu.memref_slice %arg3[%dma_wait3A_292, %dma_wait3A_293] : memref<8192x1024xf32, #tpu.memory_space<hbm>> -> memref<8192x1024xf32, #tpu.memory_space<hbm>>
      tpu.wait_indirect_dma semaphore(%arg25 : memref<!tpu.dma_semaphore, #tpu.memory_space<semaphore_mem>>) src(%dma_wait3A_294 : memref<8192x1024xf32, #tpu.memory_space<hbm>>) dst(%arg15 : memref<8x1024xf32, #tpu.memory_space<vmem>>)
      %dma_wait3A_295 = arith.constant 0 : i32
      %dma_wait3A_296 = tpu.memref_slice %arg7[%scan3A_24, %add3A_131, %dma_wait3A_295] : memref<4x1026x1024xf32, #tpu.memory_space<hbm>> -> memref<1x8x1024xf32, #tpu.memory_space<hbm>>
      %dma_wait3A_297 = tpu.memref_squeeze %dma_wait3A_296 : memref<1x8x1024xf32, #tpu.memory_space<hbm>> -> memref<8x1024xf32, #tpu.memory_space<hbm>>
      %dma_wait3A_298 = arith.constant 0 : i32
      %dma_wait3A_299 = tpu.memref_slice %arg7[%scan3A_24, %add3A_131, %dma_wait3A_298] : memref<4x1026x1024xf32, #tpu.memory_space<hbm>> -> memref<1x8x1024xf32, #tpu.memory_space<hbm>>
      %dma_wait3A_300 = tpu.memref_squeeze %dma_wait3A_299 : memref<1x8x1024xf32, #tpu.memory_space<hbm>> -> memref<8x1024xf32, #tpu.memory_space<hbm>>
      tpu.wait_dma2 semaphore(%arg29 : memref<!tpu.dma_semaphore, #tpu.memory_space<semaphore_mem>>) src(%arg17 : memref<8x1024xf32, #tpu.memory_space<vmem>>) dst(%dma_wait3A_300 : memref<8x1024xf32, #tpu.memory_space<hbm>>)
      %add3A_301 = arith.constant 16 : i32
      %add3A_302 = arith.addi %mul3A_2, %add3A_301 : i32
      %add3A_303 = arith.constant 0 : i32
      %add3A_304 = arith.addi %add3A_302, %add3A_303 : i32
      %broadcast_in_dim3A_305 = vector.broadcast %add3A_304 : i32 to vector<16xi32>
      %gather3A_306 = tpu.vector_load_idx %arg10[%broadcast_in_dim3A_305] : memref<2048xf32, #tpu.memory_space<vmem>>[vector<16xi32>], vector<16xf32>,
      %add3A_307 = arith.constant 1 : i32
      %add3A_308 = arith.addi %add3A_302, %add3A_307 : i32
      %broadcast_in_dim3A_309 = vector.broadcast %add3A_308 : i32 to vector<16xi32>
      %gather3A_310 = tpu.vector_load_idx %arg10[%broadcast_in_dim3A_309] : memref<2048xf32, #tpu.memory_space<vmem>>[vector<16xi32>], vector<16xf32>,
      %add3A_311 = arith.constant 2 : i32
      %add3A_312 = arith.addi %add3A_302, %add3A_311 : i32
      %broadcast_in_dim3A_313 = vector.broadcast %add3A_312 : i32 to vector<16xi32>
      %gather3A_314 = tpu.vector_load_idx %arg10[%broadcast_in_dim3A_313] : memref<2048xf32, #tpu.memory_space<vmem>>[vector<16xi32>], vector<16xf32>,
      %add3A_315 = arith.constant 3 : i32
      %add3A_316 = arith.addi %add3A_302, %add3A_315 : i32
      %broadcast_in_dim3A_317 = vector.broadcast %add3A_316 : i32 to vector<16xi32>
      %gather3A_318 = tpu.vector_load_idx %arg10[%broadcast_in_dim3A_317] : memref<2048xf32, #tpu.memory_space<vmem>>[vector<16xi32>], vector<16xf32>,
      %add3A_319 = arith.constant 4 : i32
      %add3A_320 = arith.addi %add3A_302, %add3A_319 : i32
      %broadcast_in_dim3A_321 = vector.broadcast %add3A_320 : i32 to vector<16xi32>
      %gather3A_322 = tpu.vector_load_idx %arg10[%broadcast_in_dim3A_321] : memref<2048xf32, #tpu.memory_space<vmem>>[vector<16xi32>], vector<16xf32>,
      %add3A_323 = arith.constant 5 : i32
      %add3A_324 = arith.addi %add3A_302, %add3A_323 : i32
      %broadcast_in_dim3A_325 = vector.broadcast %add3A_324 : i32 to vector<16xi32>
      %gather3A_326 = tpu.vector_load_idx %arg10[%broadcast_in_dim3A_325] : memref<2048xf32, #tpu.memory_space<vmem>>[vector<16xi32>], vector<16xf32>,
      %add3A_327 = arith.constant 6 : i32
      %add3A_328 = arith.addi %add3A_302, %add3A_327 : i32
      %broadcast_in_dim3A_329 = vector.broadcast %add3A_328 : i32 to vector<16xi32>
      %gather3A_330 = tpu.vector_load_idx %arg10[%broadcast_in_dim3A_329] : memref<2048xf32, #tpu.memory_space<vmem>>[vector<16xi32>], vector<16xf32>,
      %add3A_331 = arith.constant 7 : i32
      %add3A_332 = arith.addi %add3A_302, %add3A_331 : i32
      %broadcast_in_dim3A_333 = vector.broadcast %add3A_332 : i32 to vector<16xi32>
      %gather3A_334 = tpu.vector_load_idx %arg10[%broadcast_in_dim3A_333] : memref<2048xf32, #tpu.memory_space<vmem>>[vector<16xi32>], vector<16xf32>,
      %scan3A_335 = arith.constant 0 : i32
      %scan3A_336 = arith.constant 0 : i32
      %scan3A_337 = arith.constant 64 : i32
      %scan3A_338 = arith.addi %scan3A_336, %scan3A_337 : i32
      %scan3A_339 = arith.constant 1 : i32
      %scan3A_340 = scf.for %scan3A_477 = %scan3A_336 to %scan3A_338 step %scan3A_339 iter_args(%scan3A_478 = %scan3A_335) -> (i32)  : i32 {
        %mul3A_479 = arith.constant 16 : i32
        %mul3A_480 = arith.muli %scan3A_477, %mul3A_479 : i32
        %get3A_481 = arith.constant 0 : i32
        %get3A_482 = arith.index_cast %get3A_481 : i32 to index
        %get3A_483 = arith.index_cast %mul3A_480 : i32 to index
        %get3A_484 = tpu.vector_load %arg15[%get3A_482, %get3A_483] {strides = array<i32>} : memref<8x1024xf32, #tpu.memory_space<vmem>>, vector<16xf32>,
        %mul3A_485 = arith.mulf %get3A_484, %gather3A_306 : vector<16xf32>
        %swap3A = arith.constant 0 : i32
        %swap3A_486 = arith.index_cast %swap3A : i32 to index
        %swap3A_487 = arith.index_cast %mul3A_480 : i32 to index
        %swap3A_488 = tpu.vector_load %arg17[%swap3A_486, %swap3A_487] {strides = array<i32>} : memref<8x1024xf32, #tpu.memory_space<vmem>>, vector<16xf32>,
        tpu.vector_store %arg17[%swap3A_486, %swap3A_487], %mul3A_485 {strides = array<i32>} : memref<8x1024xf32, #tpu.memory_space<vmem>>, vector<16xf32>,
        %get3A_489 = arith.constant 1 : i32
        %get3A_490 = arith.index_cast %get3A_489 : i32 to index
        %get3A_491 = arith.index_cast %mul3A_480 : i32 to index
        %get3A_492 = tpu.vector_load %arg15[%get3A_490, %get3A_491] {strides = array<i32>} : memref<8x1024xf32, #tpu.memory_space<vmem>>, vector<16xf32>,
        %mul3A_493 = arith.mulf %get3A_492, %gather3A_310 : vector<16xf32>
        %swap3A_494 = arith.constant 1 : i32
        %swap3A_495 = arith.index_cast %swap3A_494 : i32 to index
        %swap3A_496 = arith.index_cast %mul3A_480 : i32 to index
        %swap3A_497 = tpu.vector_load %arg17[%swap3A_495, %swap3A_496] {strides = array<i32>} : memref<8x1024xf32, #tpu.memory_space<vmem>>, vector<16xf32>,
        tpu.vector_store %arg17[%swap3A_495, %swap3A_496], %mul3A_493 {strides = array<i32>} : memref<8x1024xf32, #tpu.memory_space<vmem>>, vector<16xf32>,
        %get3A_498 = arith.constant 2 : i32
        %get3A_499 = arith.index_cast %get3A_498 : i32 to index
        %get3A_500 = arith.index_cast %mul3A_480 : i32 to index
        %get3A_501 = tpu.vector_load %arg15[%get3A_499, %get3A_500] {strides = array<i32>} : memref<8x1024xf32, #tpu.memory_space<vmem>>, vector<16xf32>,
        %mul3A_502 = arith.mulf %get3A_501, %gather3A_314 : vector<16xf32>
        %swap3A_503 = arith.constant 2 : i32
        %swap3A_504 = arith.index_cast %swap3A_503 : i32 to index
        %swap3A_505 = arith.index_cast %mul3A_480 : i32 to index
        %swap3A_506 = tpu.vector_load %arg17[%swap3A_504, %swap3A_505] {strides = array<i32>} : memref<8x1024xf32, #tpu.memory_space<vmem>>, vector<16xf32>,
        tpu.vector_store %arg17[%swap3A_504, %swap3A_505], %mul3A_502 {strides = array<i32>} : memref<8x1024xf32, #tpu.memory_space<vmem>>, vector<16xf32>,
        %get3A_507 = arith.constant 3 : i32
        %get3A_508 = arith.index_cast %get3A_507 : i32 to index
        %get3A_509 = arith.index_cast %mul3A_480 : i32 to index
        %get3A_510 = tpu.vector_load %arg15[%get3A_508, %get3A_509] {strides = array<i32>} : memref<8x1024xf32, #tpu.memory_space<vmem>>, vector<16xf32>,
        %mul3A_511 = arith.mulf %get3A_510, %gather3A_318 : vector<16xf32>
        %swap3A_512 = arith.constant 3 : i32
        %swap3A_513 = arith.index_cast %swap3A_512 : i32 to index
        %swap3A_514 = arith.index_cast %mul3A_480 : i32 to index
        %swap3A_515 = tpu.vector_load %arg17[%swap3A_513, %swap3A_514] {strides = array<i32>} : memref<8x1024xf32, #tpu.memory_space<vmem>>, vector<16xf32>,
        tpu.vector_store %arg17[%swap3A_513, %swap3A_514], %mul3A_511 {strides = array<i32>} : memref<8x1024xf32, #tpu.memory_space<vmem>>, vector<16xf32>,
        %get3A_516 = arith.constant 4 : i32
        %get3A_517 = arith.index_cast %get3A_516 : i32 to index
        %get3A_518 = arith.index_cast %mul3A_480 : i32 to index
        %get3A_519 = tpu.vector_load %arg15[%get3A_517, %get3A_518] {strides = array<i32>} : memref<8x1024xf32, #tpu.memory_space<vmem>>, vector<16xf32>,
        %mul3A_520 = arith.mulf %get3A_519, %gather3A_322 : vector<16xf32>
        %swap3A_521 = arith.constant 4 : i32
        %swap3A_522 = arith.index_cast %swap3A_521 : i32 to index
        %swap3A_523 = arith.index_cast %mul3A_480 : i32 to index
        %swap3A_524 = tpu.vector_load %arg17[%swap3A_522, %swap3A_523] {strides = array<i32>} : memref<8x1024xf32, #tpu.memory_space<vmem>>, vector<16xf32>,
        tpu.vector_store %arg17[%swap3A_522, %swap3A_523], %mul3A_520 {strides = array<i32>} : memref<8x1024xf32, #tpu.memory_space<vmem>>, vector<16xf32>,
        %get3A_525 = arith.constant 5 : i32
        %get3A_526 = arith.index_cast %get3A_525 : i32 to index
        %get3A_527 = arith.index_cast %mul3A_480 : i32 to index
        %get3A_528 = tpu.vector_load %arg15[%get3A_526, %get3A_527] {strides = array<i32>} : memref<8x1024xf32, #tpu.memory_space<vmem>>, vector<16xf32>,
        %mul3A_529 = arith.mulf %get3A_528, %gather3A_326 : vector<16xf32>
        %swap3A_530 = arith.constant 5 : i32
        %swap3A_531 = arith.index_cast %swap3A_530 : i32 to index
        %swap3A_532 = arith.index_cast %mul3A_480 : i32 to index
        %swap3A_533 = tpu.vector_load %arg17[%swap3A_531, %swap3A_532] {strides = array<i32>} : memref<8x1024xf32, #tpu.memory_space<vmem>>, vector<16xf32>,
        tpu.vector_store %arg17[%swap3A_531, %swap3A_532], %mul3A_529 {strides = array<i32>} : memref<8x1024xf32, #tpu.memory_space<vmem>>, vector<16xf32>,
        %get3A_534 = arith.constant 6 : i32
        %get3A_535 = arith.index_cast %get3A_534 : i32 to index
        %get3A_536 = arith.index_cast %mul3A_480 : i32 to index
        %get3A_537 = tpu.vector_load %arg15[%get3A_535, %get3A_536] {strides = array<i32>} : memref<8x1024xf32, #tpu.memory_space<vmem>>, vector<16xf32>,
        %mul3A_538 = arith.mulf %get3A_537, %gather3A_330 : vector<16xf32>
        %swap3A_539 = arith.constant 6 : i32
        %swap3A_540 = arith.index_cast %swap3A_539 : i32 to index
        %swap3A_541 = arith.index_cast %mul3A_480 : i32 to index
        %swap3A_542 = tpu.vector_load %arg17[%swap3A_540, %swap3A_541] {strides = array<i32>} : memref<8x1024xf32, #tpu.memory_space<vmem>>, vector<16xf32>,
        tpu.vector_store %arg17[%swap3A_540, %swap3A_541], %mul3A_538 {strides = array<i32>} : memref<8x1024xf32, #tpu.memory_space<vmem>>, vector<16xf32>,
        %get3A_543 = arith.constant 7 : i32
        %get3A_544 = arith.index_cast %get3A_543 : i32 to index
        %get3A_545 = arith.index_cast %mul3A_480 : i32 to index
        %get3A_546 = tpu.vector_load %arg15[%get3A_544, %get3A_545] {strides = array<i32>} : memref<8x1024xf32, #tpu.memory_space<vmem>>, vector<16xf32>,
        %mul3A_547 = arith.mulf %get3A_546, %gather3A_334 : vector<16xf32>
        %swap3A_548 = arith.constant 7 : i32
        %swap3A_549 = arith.index_cast %swap3A_548 : i32 to index
        %swap3A_550 = arith.index_cast %mul3A_480 : i32 to index
        %swap3A_551 = tpu.vector_load %arg17[%swap3A_549, %swap3A_550] {strides = array<i32>} : memref<8x1024xf32, #tpu.memory_space<vmem>>, vector<16xf32>,
        tpu.vector_store %arg17[%swap3A_549, %swap3A_550], %mul3A_547 {strides = array<i32>} : memref<8x1024xf32, #tpu.memory_space<vmem>>, vector<16xf32>,
        %scan3A_552 = arith.constant 0 : i32
        scf.yield %scan3A_552 : i32
      }
      %scan3A_341 = arith.constant 64 : i32
      %add3A_342 = arith.constant 16 : i32
      %add3A_343 = arith.addi %mul3A_2, %add3A_342 : i32
      %dma_start3A_344 = arith.constant 0 : i32
      %dma_start3A_345 = tpu.memref_slice %arg7[%scan3A_24, %add3A_343, %dma_start3A_344] : memref<4x1026x1024xf32, #tpu.memory_space<hbm>> -> memref<1x8x1024xf32, #tpu.memory_space<hbm>>
      %dma_start3A_346 = tpu.memref_squeeze %dma_start3A_345 : memref<1x8x1024xf32, #tpu.memory_space<hbm>> -> memref<8x1024xf32, #tpu.memory_space<hbm>>
      %dma_start3A_347 = arith.constant 0 : i32
      %dma_start3A_348 = tpu.memref_slice %arg7[%scan3A_24, %add3A_343, %dma_start3A_347] : memref<4x1026x1024xf32, #tpu.memory_space<hbm>> -> memref<1x8x1024xf32, #tpu.memory_space<hbm>>
      %dma_start3A_349 = tpu.memref_squeeze %dma_start3A_348 : memref<1x8x1024xf32, #tpu.memory_space<hbm>> -> memref<8x1024xf32, #tpu.memory_space<hbm>>
      tpu.enqueue_dma source(%arg17 : memref<8x1024xf32, #tpu.memory_space<vmem>>) target(%dma_start3A_349 : memref<8x1024xf32, #tpu.memory_space<hbm>>) target_semaphore(%arg29 : memref<!tpu.dma_semaphore, #tpu.memory_space<semaphore_mem>>)
      %dma_wait3A_350 = tpu.memref_slice %arg8[%add3A_239] : memref<2048xi32, #tpu.memory_space<vmem>> -> memref<8xi32, #tpu.memory_space<vmem>>
      %dma_wait3A_351 = arith.constant 0 : i32
      %dma_wait3A_352 = arith.constant 0 : i32
      %dma_wait3A_353 = tpu.memref_slice %arg2[%dma_wait3A_351, %dma_wait3A_352] : memref<8192x2048xf32, #tpu.memory_space<hbm>> -> memref<8192x2048xf32, #tpu.memory_space<hbm>>
      tpu.wait_indirect_dma semaphore(%arg24 : memref<!tpu.dma_semaphore, #tpu.memory_space<semaphore_mem>>) src(%dma_wait3A_353 : memref<8192x2048xf32, #tpu.memory_space<hbm>>) dst(%arg12 : memref<8x2048xf32, #tpu.memory_space<vmem>>)
      %dma_wait3A_354 = arith.constant 0 : i32
      %dma_wait3A_355 = tpu.memref_slice %arg6[%scan3A_24, %add3A_172, %dma_wait3A_354] : memref<4x1026x1026xf32, #tpu.memory_space<hbm>> -> memref<1x8x1026xf32, #tpu.memory_space<hbm>>
      %dma_wait3A_356 = tpu.memref_squeeze %dma_wait3A_355 : memref<1x8x1026xf32, #tpu.memory_space<hbm>> -> memref<8x1026xf32, #tpu.memory_space<hbm>>
      %dma_wait3A_357 = arith.constant 0 : i32
      %dma_wait3A_358 = tpu.memref_slice %arg6[%scan3A_24, %add3A_172, %dma_wait3A_357] : memref<4x1026x1026xf32, #tpu.memory_space<hbm>> -> memref<1x8x1026xf32, #tpu.memory_space<hbm>>
      %dma_wait3A_359 = tpu.memref_squeeze %dma_wait3A_358 : memref<1x8x1026xf32, #tpu.memory_space<hbm>> -> memref<8x1026xf32, #tpu.memory_space<hbm>>
      tpu.wait_dma2 semaphore(%arg28 : memref<!tpu.dma_semaphore, #tpu.memory_space<semaphore_mem>>) src(%arg14 : memref<8x1026xf32, #tpu.memory_space<vmem>>) dst(%dma_wait3A_359 : memref<8x1026xf32, #tpu.memory_space<hbm>>)
      %scan3A_360 = arith.constant 0 : i32
      %scan3A_361 = arith.constant 0 : i32
      %scan3A_362 = arith.constant 64 : i32
      %scan3A_363 = arith.addi %scan3A_361, %scan3A_362 : i32
      %scan3A_364 = arith.constant 1 : i32
      %scan3A_365 = scf.for %scan3A_477 = %scan3A_361 to %scan3A_363 step %scan3A_364 iter_args(%scan3A_478 = %scan3A_360) -> (i32)  : i32 {
        %mul3A_479 = arith.constant 16 : i32
        %mul3A_480 = arith.muli %scan3A_477, %mul3A_479 : i32
        %get3A_481 = arith.index_cast %mul3A_480 : i32 to index
        %get3A_482 = tpu.vector_load %arg9[%get3A_481] {strides = array<i32>} : memref<1040xi32, #tpu.memory_space<vmem>>, vector<16xi32>,
        %gather3A_483 = tpu.vector_load_idx %arg12[%broadcast_in_dim3A_3, %get3A_482] : memref<8x2048xf32, #tpu.memory_space<vmem>>[vector<16xi32>, vector<16xi32>], vector<16xf32>,
        %swap3A = arith.constant 0 : i32
        %swap3A_484 = arith.index_cast %swap3A : i32 to index
        %swap3A_485 = arith.index_cast %mul3A_480 : i32 to index
        %swap3A_486 = tpu.vector_load %arg14[%swap3A_484, %swap3A_485] {strides = array<i32>} : memref<8x1026xf32, #tpu.memory_space<vmem>>, vector<16xf32>,
        tpu.vector_store %arg14[%swap3A_484, %swap3A_485], %gather3A_483 {strides = array<i32>} : memref<8x1026xf32, #tpu.memory_space<vmem>>, vector<16xf32>,
        %gather3A_487 = tpu.vector_load_idx %arg12[%broadcast_in_dim3A_5, %get3A_482] : memref<8x2048xf32, #tpu.memory_space<vmem>>[vector<16xi32>, vector<16xi32>], vector<16xf32>,
        %swap3A_488 = arith.constant 1 : i32
        %swap3A_489 = arith.index_cast %swap3A_488 : i32 to index
        %swap3A_490 = arith.index_cast %mul3A_480 : i32 to index
        %swap3A_491 = tpu.vector_load %arg14[%swap3A_489, %swap3A_490] {strides = array<i32>} : memref<8x1026xf32, #tpu.memory_space<vmem>>, vector<16xf32>,
        tpu.vector_store %arg14[%swap3A_489, %swap3A_490], %gather3A_487 {strides = array<i32>} : memref<8x1026xf32, #tpu.memory_space<vmem>>, vector<16xf32>,
        %gather3A_492 = tpu.vector_load_idx %arg12[%broadcast_in_dim3A_7, %get3A_482] : memref<8x2048xf32, #tpu.memory_space<vmem>>[vector<16xi32>, vector<16xi32>], vector<16xf32>,
        %swap3A_493 = arith.constant 2 : i32
        %swap3A_494 = arith.index_cast %swap3A_493 : i32 to index
        %swap3A_495 = arith.index_cast %mul3A_480 : i32 to index
        %swap3A_496 = tpu.vector_load %arg14[%swap3A_494, %swap3A_495] {strides = array<i32>} : memref<8x1026xf32, #tpu.memory_space<vmem>>, vector<16xf32>,
        tpu.vector_store %arg14[%swap3A_494, %swap3A_495], %gather3A_492 {strides = array<i32>} : memref<8x1026xf32, #tpu.memory_space<vmem>>, vector<16xf32>,
        %gather3A_497 = tpu.vector_load_idx %arg12[%broadcast_in_dim3A_9, %get3A_482] : memref<8x2048xf32, #tpu.memory_space<vmem>>[vector<16xi32>, vector<16xi32>], vector<16xf32>,
        %swap3A_498 = arith.constant 3 : i32
        %swap3A_499 = arith.index_cast %swap3A_498 : i32 to index
        %swap3A_500 = arith.index_cast %mul3A_480 : i32 to index
        %swap3A_501 = tpu.vector_load %arg14[%swap3A_499, %swap3A_500] {strides = array<i32>} : memref<8x1026xf32, #tpu.memory_space<vmem>>, vector<16xf32>,
        tpu.vector_store %arg14[%swap3A_499, %swap3A_500], %gather3A_497 {strides = array<i32>} : memref<8x1026xf32, #tpu.memory_space<vmem>>, vector<16xf32>,
        %gather3A_502 = tpu.vector_load_idx %arg12[%broadcast_in_dim3A_11, %get3A_482] : memref<8x2048xf32, #tpu.memory_space<vmem>>[vector<16xi32>, vector<16xi32>], vector<16xf32>,
        %swap3A_503 = arith.constant 4 : i32
        %swap3A_504 = arith.index_cast %swap3A_503 : i32 to index
        %swap3A_505 = arith.index_cast %mul3A_480 : i32 to index
        %swap3A_506 = tpu.vector_load %arg14[%swap3A_504, %swap3A_505] {strides = array<i32>} : memref<8x1026xf32, #tpu.memory_space<vmem>>, vector<16xf32>,
        tpu.vector_store %arg14[%swap3A_504, %swap3A_505], %gather3A_502 {strides = array<i32>} : memref<8x1026xf32, #tpu.memory_space<vmem>>, vector<16xf32>,
        %gather3A_507 = tpu.vector_load_idx %arg12[%broadcast_in_dim3A_13, %get3A_482] : memref<8x2048xf32, #tpu.memory_space<vmem>>[vector<16xi32>, vector<16xi32>], vector<16xf32>,
        %swap3A_508 = arith.constant 5 : i32
        %swap3A_509 = arith.index_cast %swap3A_508 : i32 to index
        %swap3A_510 = arith.index_cast %mul3A_480 : i32 to index
        %swap3A_511 = tpu.vector_load %arg14[%swap3A_509, %swap3A_510] {strides = array<i32>} : memref<8x1026xf32, #tpu.memory_space<vmem>>, vector<16xf32>,
        tpu.vector_store %arg14[%swap3A_509, %swap3A_510], %gather3A_507 {strides = array<i32>} : memref<8x1026xf32, #tpu.memory_space<vmem>>, vector<16xf32>,
        %gather3A_512 = tpu.vector_load_idx %arg12[%broadcast_in_dim3A_15, %get3A_482] : memref<8x2048xf32, #tpu.memory_space<vmem>>[vector<16xi32>, vector<16xi32>], vector<16xf32>,
        %swap3A_513 = arith.constant 6 : i32
        %swap3A_514 = arith.index_cast %swap3A_513 : i32 to index
        %swap3A_515 = arith.index_cast %mul3A_480 : i32 to index
        %swap3A_516 = tpu.vector_load %arg14[%swap3A_514, %swap3A_515] {strides = array<i32>} : memref<8x1026xf32, #tpu.memory_space<vmem>>, vector<16xf32>,
        tpu.vector_store %arg14[%swap3A_514, %swap3A_515], %gather3A_512 {strides = array<i32>} : memref<8x1026xf32, #tpu.memory_space<vmem>>, vector<16xf32>,
        %gather3A_517 = tpu.vector_load_idx %arg12[%broadcast_in_dim3A_17, %get3A_482] : memref<8x2048xf32, #tpu.memory_space<vmem>>[vector<16xi32>, vector<16xi32>], vector<16xf32>,
        %swap3A_518 = arith.constant 7 : i32
        %swap3A_519 = arith.index_cast %swap3A_518 : i32 to index
        %swap3A_520 = arith.index_cast %mul3A_480 : i32 to index
        %swap3A_521 = tpu.vector_load %arg14[%swap3A_519, %swap3A_520] {strides = array<i32>} : memref<8x1026xf32, #tpu.memory_space<vmem>>, vector<16xf32>,
        tpu.vector_store %arg14[%swap3A_519, %swap3A_520], %gather3A_517 {strides = array<i32>} : memref<8x1026xf32, #tpu.memory_space<vmem>>, vector<16xf32>,
        %scan3A_522 = arith.constant 0 : i32
        scf.yield %scan3A_522 : i32
      }
      %scan3A_366 = arith.constant 64 : i32
      %add3A_367 = arith.constant 1024 : i32
      %add3A_368 = vector.broadcast %add3A_367 : i32 to vector<16xi32>
      %add3A_369 = arith.addi %add3A_368, %iota3A : vector<16xi32>
      %get3A_370 = arith.constant 1024 : index
      %get3A_371 = tpu.vector_load %arg9[%get3A_370] {strides = array<i32>} : memref<1040xi32, #tpu.memory_space<vmem>>, vector<16xi32>,
      %lt3A_372 = arith.constant 1026 : i32
      %lt3A_373 = vector.broadcast %lt3A_372 : i32 to vector<16xi32>
      %lt3A_374 = arith.cmpi slt, %add3A_369, %lt3A_373 : vector<16xi32>
      %gather3A_375 = tpu.vector_load_idx %arg12[%broadcast_in_dim3A_3, %get3A_371] : memref<8x2048xf32, #tpu.memory_space<vmem>>[vector<16xi32>, vector<16xi32>], vector<16xf32>,
      tpu.vector_store_idx %arg14[%broadcast_in_dim3A_3, %add3A_369], %gather3A_375 masked %lt3A_374 : memref<8x1026xf32, #tpu.memory_space<vmem>>[vector<16xi32>, vector<16xi32>], vector<16xf32>, vector<16xi1>
      %gather3A_376 = tpu.vector_load_idx %arg12[%broadcast_in_dim3A_5, %get3A_371] : memref<8x2048xf32, #tpu.memory_space<vmem>>[vector<16xi32>, vector<16xi32>], vector<16xf32>,
      tpu.vector_store_idx %arg14[%broadcast_in_dim3A_5, %add3A_369], %gather3A_376 masked %lt3A_374 : memref<8x1026xf32, #tpu.memory_space<vmem>>[vector<16xi32>, vector<16xi32>], vector<16xf32>, vector<16xi1>
      %gather3A_377 = tpu.vector_load_idx %arg12[%broadcast_in_dim3A_7, %get3A_371] : memref<8x2048xf32, #tpu.memory_space<vmem>>[vector<16xi32>, vector<16xi32>], vector<16xf32>,
      tpu.vector_store_idx %arg14[%broadcast_in_dim3A_7, %add3A_369], %gather3A_377 masked %lt3A_374 : memref<8x1026xf32, #tpu.memory_space<vmem>>[vector<16xi32>, vector<16xi32>], vector<16xf32>, vector<16xi1>
      %gather3A_378 = tpu.vector_load_idx %arg12[%broadcast_in_dim3A_9, %get3A_371] : memref<8x2048xf32, #tpu.memory_space<vmem>>[vector<16xi32>, vector<16xi32>], vector<16xf32>,
      tpu.vector_store_idx %arg14[%broadcast_in_dim3A_9, %add3A_369], %gather3A_378 masked %lt3A_374 : memref<8x1026xf32, #tpu.memory_space<vmem>>[vector<16xi32>, vector<16xi32>], vector<16xf32>, vector<16xi1>
      %gather3A_379 = tpu.vector_load_idx %arg12[%broadcast_in_dim3A_11, %get3A_371] : memref<8x2048xf32, #tpu.memory_space<vmem>>[vector<16xi32>, vector<16xi32>], vector<16xf32>,
      tpu.vector_store_idx %arg14[%broadcast_in_dim3A_11, %add3A_369], %gather3A_379 masked %lt3A_374 : memref<8x1026xf32, #tpu.memory_space<vmem>>[vector<16xi32>, vector<16xi32>], vector<16xf32>, vector<16xi1>
      %gather3A_380 = tpu.vector_load_idx %arg12[%broadcast_in_dim3A_13, %get3A_371] : memref<8x2048xf32, #tpu.memory_space<vmem>>[vector<16xi32>, vector<16xi32>], vector<16xf32>,
      tpu.vector_store_idx %arg14[%broadcast_in_dim3A_13, %add3A_369], %gather3A_380 masked %lt3A_374 : memref<8x1026xf32, #tpu.memory_space<vmem>>[vector<16xi32>, vector<16xi32>], vector<16xf32>, vector<16xi1>
      %gather3A_381 = tpu.vector_load_idx %arg12[%broadcast_in_dim3A_15, %get3A_371] : memref<8x2048xf32, #tpu.memory_space<vmem>>[vector<16xi32>, vector<16xi32>], vector<16xf32>,
      tpu.vector_store_idx %arg14[%broadcast_in_dim3A_15, %add3A_369], %gather3A_381 masked %lt3A_374 : memref<8x1026xf32, #tpu.memory_space<vmem>>[vector<16xi32>, vector<16xi32>], vector<16xf32>, vector<16xi1>
      %gather3A_382 = tpu.vector_load_idx %arg12[%broadcast_in_dim3A_17, %get3A_371] : memref<8x2048xf32, #tpu.memory_space<vmem>>[vector<16xi32>, vector<16xi32>], vector<16xf32>,
      tpu.vector_store_idx %arg14[%broadcast_in_dim3A_17, %add3A_369], %gather3A_382 masked %lt3A_374 : memref<8x1026xf32, #tpu.memory_space<vmem>>[vector<16xi32>, vector<16xi32>], vector<16xf32>, vector<16xi1>
      %add3A_383 = arith.constant 24 : i32
      %add3A_384 = arith.addi %mul3A_2, %add3A_383 : i32
      %dma_start3A_385 = arith.constant 0 : i32
      %dma_start3A_386 = tpu.memref_slice %arg6[%scan3A_24, %add3A_384, %dma_start3A_385] : memref<4x1026x1026xf32, #tpu.memory_space<hbm>> -> memref<1x8x1026xf32, #tpu.memory_space<hbm>>
      %dma_start3A_387 = tpu.memref_squeeze %dma_start3A_386 : memref<1x8x1026xf32, #tpu.memory_space<hbm>> -> memref<8x1026xf32, #tpu.memory_space<hbm>>
      %dma_start3A_388 = arith.constant 0 : i32
      %dma_start3A_389 = tpu.memref_slice %arg6[%scan3A_24, %add3A_384, %dma_start3A_388] : memref<4x1026x1026xf32, #tpu.memory_space<hbm>> -> memref<1x8x1026xf32, #tpu.memory_space<hbm>>
      %dma_start3A_390 = tpu.memref_squeeze %dma_start3A_389 : memref<1x8x1026xf32, #tpu.memory_space<hbm>> -> memref<8x1026xf32, #tpu.memory_space<hbm>>
      tpu.enqueue_dma source(%arg14 : memref<8x1026xf32, #tpu.memory_space<vmem>>) target(%dma_start3A_390 : memref<8x1026xf32, #tpu.memory_space<hbm>>) target_semaphore(%arg28 : memref<!tpu.dma_semaphore, #tpu.memory_space<semaphore_mem>>)
      %dma_wait3A_391 = tpu.memref_slice %arg8[%add3A_286] : memref<2048xi32, #tpu.memory_space<vmem>> -> memref<8xi32, #tpu.memory_space<vmem>>
      %dma_wait3A_392 = arith.constant 0 : i32
      %dma_wait3A_393 = arith.constant 0 : i32
      %dma_wait3A_394 = tpu.memref_slice %arg3[%dma_wait3A_392, %dma_wait3A_393] : memref<8192x1024xf32, #tpu.memory_space<hbm>> -> memref<8192x1024xf32, #tpu.memory_space<hbm>>
      tpu.wait_indirect_dma semaphore(%arg26 : memref<!tpu.dma_semaphore, #tpu.memory_space<semaphore_mem>>) src(%dma_wait3A_394 : memref<8192x1024xf32, #tpu.memory_space<hbm>>) dst(%arg16 : memref<8x1024xf32, #tpu.memory_space<vmem>>)
      %dma_wait3A_395 = arith.constant 0 : i32
      %dma_wait3A_396 = tpu.memref_slice %arg7[%scan3A_24, %add3A_231, %dma_wait3A_395] : memref<4x1026x1024xf32, #tpu.memory_space<hbm>> -> memref<1x8x1024xf32, #tpu.memory_space<hbm>>
      %dma_wait3A_397 = tpu.memref_squeeze %dma_wait3A_396 : memref<1x8x1024xf32, #tpu.memory_space<hbm>> -> memref<8x1024xf32, #tpu.memory_space<hbm>>
      %dma_wait3A_398 = arith.constant 0 : i32
      %dma_wait3A_399 = tpu.memref_slice %arg7[%scan3A_24, %add3A_231, %dma_wait3A_398] : memref<4x1026x1024xf32, #tpu.memory_space<hbm>> -> memref<1x8x1024xf32, #tpu.memory_space<hbm>>
      %dma_wait3A_400 = tpu.memref_squeeze %dma_wait3A_399 : memref<1x8x1024xf32, #tpu.memory_space<hbm>> -> memref<8x1024xf32, #tpu.memory_space<hbm>>
      tpu.wait_dma2 semaphore(%arg30 : memref<!tpu.dma_semaphore, #tpu.memory_space<semaphore_mem>>) src(%arg18 : memref<8x1024xf32, #tpu.memory_space<vmem>>) dst(%dma_wait3A_400 : memref<8x1024xf32, #tpu.memory_space<hbm>>)
      %add3A_401 = arith.constant 24 : i32
      %add3A_402 = arith.addi %mul3A_2, %add3A_401 : i32
      %add3A_403 = arith.constant 0 : i32
      %add3A_404 = arith.addi %add3A_402, %add3A_403 : i32
      %broadcast_in_dim3A_405 = vector.broadcast %add3A_404 : i32 to vector<16xi32>
      %gather3A_406 = tpu.vector_load_idx %arg10[%broadcast_in_dim3A_405] : memref<2048xf32, #tpu.memory_space<vmem>>[vector<16xi32>], vector<16xf32>,
      %add3A_407 = arith.constant 1 : i32
      %add3A_408 = arith.addi %add3A_402, %add3A_407 : i32
      %broadcast_in_dim3A_409 = vector.broadcast %add3A_408 : i32 to vector<16xi32>
      %gather3A_410 = tpu.vector_load_idx %arg10[%broadcast_in_dim3A_409] : memref<2048xf32, #tpu.memory_space<vmem>>[vector<16xi32>], vector<16xf32>,
      %add3A_411 = arith.constant 2 : i32
      %add3A_412 = arith.addi %add3A_402, %add3A_411 : i32
      %broadcast_in_dim3A_413 = vector.broadcast %add3A_412 : i32 to vector<16xi32>
      %gather3A_414 = tpu.vector_load_idx %arg10[%broadcast_in_dim3A_413] : memref<2048xf32, #tpu.memory_space<vmem>>[vector<16xi32>], vector<16xf32>,
      %add3A_415 = arith.constant 3 : i32
      %add3A_416 = arith.addi %add3A_402, %add3A_415 : i32
      %broadcast_in_dim3A_417 = vector.broadcast %add3A_416 : i32 to vector<16xi32>
      %gather3A_418 = tpu.vector_load_idx %arg10[%broadcast_in_dim3A_417] : memref<2048xf32, #tpu.memory_space<vmem>>[vector<16xi32>], vector<16xf32>,
      %add3A_419 = arith.constant 4 : i32
      %add3A_420 = arith.addi %add3A_402, %add3A_419 : i32
      %broadcast_in_dim3A_421 = vector.broadcast %add3A_420 : i32 to vector<16xi32>
      %gather3A_422 = tpu.vector_load_idx %arg10[%broadcast_in_dim3A_421] : memref<2048xf32, #tpu.memory_space<vmem>>[vector<16xi32>], vector<16xf32>,
      %add3A_423 = arith.constant 5 : i32
      %add3A_424 = arith.addi %add3A_402, %add3A_423 : i32
      %broadcast_in_dim3A_425 = vector.broadcast %add3A_424 : i32 to vector<16xi32>
      %gather3A_426 = tpu.vector_load_idx %arg10[%broadcast_in_dim3A_425] : memref<2048xf32, #tpu.memory_space<vmem>>[vector<16xi32>], vector<16xf32>,
      %add3A_427 = arith.constant 6 : i32
      %add3A_428 = arith.addi %add3A_402, %add3A_427 : i32
      %broadcast_in_dim3A_429 = vector.broadcast %add3A_428 : i32 to vector<16xi32>
      %gather3A_430 = tpu.vector_load_idx %arg10[%broadcast_in_dim3A_429] : memref<2048xf32, #tpu.memory_space<vmem>>[vector<16xi32>], vector<16xf32>,
      %add3A_431 = arith.constant 7 : i32
      %add3A_432 = arith.addi %add3A_402, %add3A_431 : i32
      %broadcast_in_dim3A_433 = vector.broadcast %add3A_432 : i32 to vector<16xi32>
      %gather3A_434 = tpu.vector_load_idx %arg10[%broadcast_in_dim3A_433] : memref<2048xf32, #tpu.memory_space<vmem>>[vector<16xi32>], vector<16xf32>,
      %scan3A_435 = arith.constant 0 : i32
      %scan3A_436 = arith.constant 0 : i32
      %scan3A_437 = arith.constant 64 : i32
      %scan3A_438 = arith.addi %scan3A_436, %scan3A_437 : i32
      %scan3A_439 = arith.constant 1 : i32
      %scan3A_440 = scf.for %scan3A_477 = %scan3A_436 to %scan3A_438 step %scan3A_439 iter_args(%scan3A_478 = %scan3A_435) -> (i32)  : i32 {
        %mul3A_479 = arith.constant 16 : i32
        %mul3A_480 = arith.muli %scan3A_477, %mul3A_479 : i32
        %get3A_481 = arith.constant 0 : i32
        %get3A_482 = arith.index_cast %get3A_481 : i32 to index
        %get3A_483 = arith.index_cast %mul3A_480 : i32 to index
        %get3A_484 = tpu.vector_load %arg16[%get3A_482, %get3A_483] {strides = array<i32>} : memref<8x1024xf32, #tpu.memory_space<vmem>>, vector<16xf32>,
        %mul3A_485 = arith.mulf %get3A_484, %gather3A_406 : vector<16xf32>
        %swap3A = arith.constant 0 : i32
        %swap3A_486 = arith.index_cast %swap3A : i32 to index
        %swap3A_487 = arith.index_cast %mul3A_480 : i32 to index
        %swap3A_488 = tpu.vector_load %arg18[%swap3A_486, %swap3A_487] {strides = array<i32>} : memref<8x1024xf32, #tpu.memory_space<vmem>>, vector<16xf32>,
        tpu.vector_store %arg18[%swap3A_486, %swap3A_487], %mul3A_485 {strides = array<i32>} : memref<8x1024xf32, #tpu.memory_space<vmem>>, vector<16xf32>,
        %get3A_489 = arith.constant 1 : i32
        %get3A_490 = arith.index_cast %get3A_489 : i32 to index
        %get3A_491 = arith.index_cast %mul3A_480 : i32 to index
        %get3A_492 = tpu.vector_load %arg16[%get3A_490, %get3A_491] {strides = array<i32>} : memref<8x1024xf32, #tpu.memory_space<vmem>>, vector<16xf32>,
        %mul3A_493 = arith.mulf %get3A_492, %gather3A_410 : vector<16xf32>
        %swap3A_494 = arith.constant 1 : i32
        %swap3A_495 = arith.index_cast %swap3A_494 : i32 to index
        %swap3A_496 = arith.index_cast %mul3A_480 : i32 to index
        %swap3A_497 = tpu.vector_load %arg18[%swap3A_495, %swap3A_496] {strides = array<i32>} : memref<8x1024xf32, #tpu.memory_space<vmem>>, vector<16xf32>,
        tpu.vector_store %arg18[%swap3A_495, %swap3A_496], %mul3A_493 {strides = array<i32>} : memref<8x1024xf32, #tpu.memory_space<vmem>>, vector<16xf32>,
        %get3A_498 = arith.constant 2 : i32
        %get3A_499 = arith.index_cast %get3A_498 : i32 to index
        %get3A_500 = arith.index_cast %mul3A_480 : i32 to index
        %get3A_501 = tpu.vector_load %arg16[%get3A_499, %get3A_500] {strides = array<i32>} : memref<8x1024xf32, #tpu.memory_space<vmem>>, vector<16xf32>,
        %mul3A_502 = arith.mulf %get3A_501, %gather3A_414 : vector<16xf32>
        %swap3A_503 = arith.constant 2 : i32
        %swap3A_504 = arith.index_cast %swap3A_503 : i32 to index
        %swap3A_505 = arith.index_cast %mul3A_480 : i32 to index
        %swap3A_506 = tpu.vector_load %arg18[%swap3A_504, %swap3A_505] {strides = array<i32>} : memref<8x1024xf32, #tpu.memory_space<vmem>>, vector<16xf32>,
        tpu.vector_store %arg18[%swap3A_504, %swap3A_505], %mul3A_502 {strides = array<i32>} : memref<8x1024xf32, #tpu.memory_space<vmem>>, vector<16xf32>,
        %get3A_507 = arith.constant 3 : i32
        %get3A_508 = arith.index_cast %get3A_507 : i32 to index
        %get3A_509 = arith.index_cast %mul3A_480 : i32 to index
        %get3A_510 = tpu.vector_load %arg16[%get3A_508, %get3A_509] {strides = array<i32>} : memref<8x1024xf32, #tpu.memory_space<vmem>>, vector<16xf32>,
        %mul3A_511 = arith.mulf %get3A_510, %gather3A_418 : vector<16xf32>
        %swap3A_512 = arith.constant 3 : i32
        %swap3A_513 = arith.index_cast %swap3A_512 : i32 to index
        %swap3A_514 = arith.index_cast %mul3A_480 : i32 to index
        %swap3A_515 = tpu.vector_load %arg18[%swap3A_513, %swap3A_514] {strides = array<i32>} : memref<8x1024xf32, #tpu.memory_space<vmem>>, vector<16xf32>,
        tpu.vector_store %arg18[%swap3A_513, %swap3A_514], %mul3A_511 {strides = array<i32>} : memref<8x1024xf32, #tpu.memory_space<vmem>>, vector<16xf32>,
        %get3A_516 = arith.constant 4 : i32
        %get3A_517 = arith.index_cast %get3A_516 : i32 to index
        %get3A_518 = arith.index_cast %mul3A_480 : i32 to index
        %get3A_519 = tpu.vector_load %arg16[%get3A_517, %get3A_518] {strides = array<i32>} : memref<8x1024xf32, #tpu.memory_space<vmem>>, vector<16xf32>,
        %mul3A_520 = arith.mulf %get3A_519, %gather3A_422 : vector<16xf32>
        %swap3A_521 = arith.constant 4 : i32
        %swap3A_522 = arith.index_cast %swap3A_521 : i32 to index
        %swap3A_523 = arith.index_cast %mul3A_480 : i32 to index
        %swap3A_524 = tpu.vector_load %arg18[%swap3A_522, %swap3A_523] {strides = array<i32>} : memref<8x1024xf32, #tpu.memory_space<vmem>>, vector<16xf32>,
        tpu.vector_store %arg18[%swap3A_522, %swap3A_523], %mul3A_520 {strides = array<i32>} : memref<8x1024xf32, #tpu.memory_space<vmem>>, vector<16xf32>,
        %get3A_525 = arith.constant 5 : i32
        %get3A_526 = arith.index_cast %get3A_525 : i32 to index
        %get3A_527 = arith.index_cast %mul3A_480 : i32 to index
        %get3A_528 = tpu.vector_load %arg16[%get3A_526, %get3A_527] {strides = array<i32>} : memref<8x1024xf32, #tpu.memory_space<vmem>>, vector<16xf32>,
        %mul3A_529 = arith.mulf %get3A_528, %gather3A_426 : vector<16xf32>
        %swap3A_530 = arith.constant 5 : i32
        %swap3A_531 = arith.index_cast %swap3A_530 : i32 to index
        %swap3A_532 = arith.index_cast %mul3A_480 : i32 to index
        %swap3A_533 = tpu.vector_load %arg18[%swap3A_531, %swap3A_532] {strides = array<i32>} : memref<8x1024xf32, #tpu.memory_space<vmem>>, vector<16xf32>,
        tpu.vector_store %arg18[%swap3A_531, %swap3A_532], %mul3A_529 {strides = array<i32>} : memref<8x1024xf32, #tpu.memory_space<vmem>>, vector<16xf32>,
        %get3A_534 = arith.constant 6 : i32
        %get3A_535 = arith.index_cast %get3A_534 : i32 to index
        %get3A_536 = arith.index_cast %mul3A_480 : i32 to index
        %get3A_537 = tpu.vector_load %arg16[%get3A_535, %get3A_536] {strides = array<i32>} : memref<8x1024xf32, #tpu.memory_space<vmem>>, vector<16xf32>,
        %mul3A_538 = arith.mulf %get3A_537, %gather3A_430 : vector<16xf32>
        %swap3A_539 = arith.constant 6 : i32
        %swap3A_540 = arith.index_cast %swap3A_539 : i32 to index
        %swap3A_541 = arith.index_cast %mul3A_480 : i32 to index
        %swap3A_542 = tpu.vector_load %arg18[%swap3A_540, %swap3A_541] {strides = array<i32>} : memref<8x1024xf32, #tpu.memory_space<vmem>>, vector<16xf32>,
        tpu.vector_store %arg18[%swap3A_540, %swap3A_541], %mul3A_538 {strides = array<i32>} : memref<8x1024xf32, #tpu.memory_space<vmem>>, vector<16xf32>,
        %get3A_543 = arith.constant 7 : i32
        %get3A_544 = arith.index_cast %get3A_543 : i32 to index
        %get3A_545 = arith.index_cast %mul3A_480 : i32 to index
        %get3A_546 = tpu.vector_load %arg16[%get3A_544, %get3A_545] {strides = array<i32>} : memref<8x1024xf32, #tpu.memory_space<vmem>>, vector<16xf32>,
        %mul3A_547 = arith.mulf %get3A_546, %gather3A_434 : vector<16xf32>
        %swap3A_548 = arith.constant 7 : i32
        %swap3A_549 = arith.index_cast %swap3A_548 : i32 to index
        %swap3A_550 = arith.index_cast %mul3A_480 : i32 to index
        %swap3A_551 = tpu.vector_load %arg18[%swap3A_549, %swap3A_550] {strides = array<i32>} : memref<8x1024xf32, #tpu.memory_space<vmem>>, vector<16xf32>,
        tpu.vector_store %arg18[%swap3A_549, %swap3A_550], %mul3A_547 {strides = array<i32>} : memref<8x1024xf32, #tpu.memory_space<vmem>>, vector<16xf32>,
        %scan3A_552 = arith.constant 0 : i32
        scf.yield %scan3A_552 : i32
      }
      %scan3A_441 = arith.constant 64 : i32
      %add3A_442 = arith.constant 24 : i32
      %add3A_443 = arith.addi %mul3A_2, %add3A_442 : i32
      %dma_start3A_444 = arith.constant 0 : i32
      %dma_start3A_445 = tpu.memref_slice %arg7[%scan3A_24, %add3A_443, %dma_start3A_444] : memref<4x1026x1024xf32, #tpu.memory_space<hbm>> -> memref<1x8x1024xf32, #tpu.memory_space<hbm>>
      %dma_start3A_446 = tpu.memref_squeeze %dma_start3A_445 : memref<1x8x1024xf32, #tpu.memory_space<hbm>> -> memref<8x1024xf32, #tpu.memory_space<hbm>>
      %dma_start3A_447 = arith.constant 0 : i32
      %dma_start3A_448 = tpu.memref_slice %arg7[%scan3A_24, %add3A_443, %dma_start3A_447] : memref<4x1026x1024xf32, #tpu.memory_space<hbm>> -> memref<1x8x1024xf32, #tpu.memory_space<hbm>>
      %dma_start3A_449 = tpu.memref_squeeze %dma_start3A_448 : memref<1x8x1024xf32, #tpu.memory_space<hbm>> -> memref<8x1024xf32, #tpu.memory_space<hbm>>
      tpu.enqueue_dma source(%arg18 : memref<8x1024xf32, #tpu.memory_space<vmem>>) target(%dma_start3A_449 : memref<8x1024xf32, #tpu.memory_space<hbm>>) target_semaphore(%arg30 : memref<!tpu.dma_semaphore, #tpu.memory_space<semaphore_mem>>)
      %dma_wait3A_450 = arith.constant 0 : i32
      %dma_wait3A_451 = tpu.memref_slice %arg6[%scan3A_24, %add3A_278, %dma_wait3A_450] : memref<4x1026x1026xf32, #tpu.memory_space<hbm>> -> memref<1x8x1026xf32, #tpu.memory_space<hbm>>
      %dma_wait3A_452 = tpu.memref_squeeze %dma_wait3A_451 : memref<1x8x1026xf32, #tpu.memory_space<hbm>> -> memref<8x1026xf32, #tpu.memory_space<hbm>>
      %dma_wait3A_453 = arith.constant 0 : i32
      %dma_wait3A_454 = tpu.memref_slice %arg6[%scan3A_24, %add3A_278, %dma_wait3A_453] : memref<4x1026x1026xf32, #tpu.memory_space<hbm>> -> memref<1x8x1026xf32, #tpu.memory_space<hbm>>
      %dma_wait3A_455 = tpu.memref_squeeze %dma_wait3A_454 : memref<1x8x1026xf32, #tpu.memory_space<hbm>> -> memref<8x1026xf32, #tpu.memory_space<hbm>>
      tpu.wait_dma2 semaphore(%arg27 : memref<!tpu.dma_semaphore, #tpu.memory_space<semaphore_mem>>) src(%arg13 : memref<8x1026xf32, #tpu.memory_space<vmem>>) dst(%dma_wait3A_455 : memref<8x1026xf32, #tpu.memory_space<hbm>>)
      %dma_wait3A_456 = arith.constant 0 : i32
      %dma_wait3A_457 = tpu.memref_slice %arg6[%scan3A_24, %add3A_384, %dma_wait3A_456] : memref<4x1026x1026xf32, #tpu.memory_space<hbm>> -> memref<1x8x1026xf32, #tpu.memory_space<hbm>>
      %dma_wait3A_458 = tpu.memref_squeeze %dma_wait3A_457 : memref<1x8x1026xf32, #tpu.memory_space<hbm>> -> memref<8x1026xf32, #tpu.memory_space<hbm>>
      %dma_wait3A_459 = arith.constant 0 : i32
      %dma_wait3A_460 = tpu.memref_slice %arg6[%scan3A_24, %add3A_384, %dma_wait3A_459] : memref<4x1026x1026xf32, #tpu.memory_space<hbm>> -> memref<1x8x1026xf32, #tpu.memory_space<hbm>>
      %dma_wait3A_461 = tpu.memref_squeeze %dma_wait3A_460 : memref<1x8x1026xf32, #tpu.memory_space<hbm>> -> memref<8x1026xf32, #tpu.memory_space<hbm>>
      tpu.wait_dma2 semaphore(%arg28 : memref<!tpu.dma_semaphore, #tpu.memory_space<semaphore_mem>>) src(%arg14 : memref<8x1026xf32, #tpu.memory_space<vmem>>) dst(%dma_wait3A_461 : memref<8x1026xf32, #tpu.memory_space<hbm>>)
      %dma_wait3A_462 = arith.constant 0 : i32
      %dma_wait3A_463 = tpu.memref_slice %arg7[%scan3A_24, %add3A_343, %dma_wait3A_462] : memref<4x1026x1024xf32, #tpu.memory_space<hbm>> -> memref<1x8x1024xf32, #tpu.memory_space<hbm>>
      %dma_wait3A_464 = tpu.memref_squeeze %dma_wait3A_463 : memref<1x8x1024xf32, #tpu.memory_space<hbm>> -> memref<8x1024xf32, #tpu.memory_space<hbm>>
      %dma_wait3A_465 = arith.constant 0 : i32
      %dma_wait3A_466 = tpu.memref_slice %arg7[%scan3A_24, %add3A_343, %dma_wait3A_465] : memref<4x1026x1024xf32, #tpu.memory_space<hbm>> -> memref<1x8x1024xf32, #tpu.memory_space<hbm>>
      %dma_wait3A_467 = tpu.memref_squeeze %dma_wait3A_466 : memref<1x8x1024xf32, #tpu.memory_space<hbm>> -> memref<8x1024xf32, #tpu.memory_space<hbm>>
      tpu.wait_dma2 semaphore(%arg29 : memref<!tpu.dma_semaphore, #tpu.memory_space<semaphore_mem>>) src(%arg17 : memref<8x1024xf32, #tpu.memory_space<vmem>>) dst(%dma_wait3A_467 : memref<8x1024xf32, #tpu.memory_space<hbm>>)
      %dma_wait3A_468 = arith.constant 0 : i32
      %dma_wait3A_469 = tpu.memref_slice %arg7[%scan3A_24, %add3A_443, %dma_wait3A_468] : memref<4x1026x1024xf32, #tpu.memory_space<hbm>> -> memref<1x8x1024xf32, #tpu.memory_space<hbm>>
      %dma_wait3A_470 = tpu.memref_squeeze %dma_wait3A_469 : memref<1x8x1024xf32, #tpu.memory_space<hbm>> -> memref<8x1024xf32, #tpu.memory_space<hbm>>
      %dma_wait3A_471 = arith.constant 0 : i32
      %dma_wait3A_472 = tpu.memref_slice %arg7[%scan3A_24, %add3A_443, %dma_wait3A_471] : memref<4x1026x1024xf32, #tpu.memory_space<hbm>> -> memref<1x8x1024xf32, #tpu.memory_space<hbm>>
      %dma_wait3A_473 = tpu.memref_squeeze %dma_wait3A_472 : memref<1x8x1024xf32, #tpu.memory_space<hbm>> -> memref<8x1024xf32, #tpu.memory_space<hbm>>
      tpu.wait_dma2 semaphore(%arg30 : memref<!tpu.dma_semaphore, #tpu.memory_space<semaphore_mem>>) src(%arg18 : memref<8x1024xf32, #tpu.memory_space<vmem>>) dst(%dma_wait3A_473 : memref<8x1024xf32, #tpu.memory_space<hbm>>)
      %eq3A = arith.constant 31 : i32
      %eq3A_474 = arith.cmpi eq, %add3A, %eq3A : i32
      %convert_element_type3A = arith.extui %eq3A_474 : i1 to i32
      %cond3A = arith.constant 0 : i32
      %cond3A_475 = arith.cmpi ne, %convert_element_type3A, %cond3A : i32
      scf.if %cond3A_475 {
        %dma_start3A_477 = arith.constant 1024 : i32
        %dma_start3A_478 = tpu.memref_slice %arg8[%dma_start3A_477] : memref<2048xi32, #tpu.memory_space<vmem>> -> memref<2xi32, #tpu.memory_space<vmem>>
        %dma_start3A_479 = arith.constant 0 : i32
        %dma_start3A_480 = arith.constant 0 : i32
        %dma_start3A_481 = tpu.memref_slice %arg2[%dma_start3A_479, %dma_start3A_480] : memref<8192x2048xf32, #tpu.memory_space<hbm>> -> memref<8192x2048xf32, #tpu.memory_space<hbm>>
        tpu.enqueue_indirect_dma source(%dma_start3A_481 : memref<8192x2048xf32, #tpu.memory_space<hbm>>) target(%arg19 : memref<2x2048xf32, #tpu.memory_space<vmem>>) offsets(%dma_start3A_478 : memref<2xi32, #tpu.memory_space<vmem>>) semaphore(%arg23 : memref<!tpu.dma_semaphore, #tpu.memory_space<semaphore_mem>>)
        %dma_start3A_482 = arith.constant 1024 : i32
        %dma_start3A_483 = tpu.memref_slice %arg8[%dma_start3A_482] : memref<2048xi32, #tpu.memory_space<vmem>> -> memref<2xi32, #tpu.memory_space<vmem>>
        %dma_start3A_484 = arith.constant 0 : i32
        %dma_start3A_485 = arith.constant 0 : i32
        %dma_start3A_486 = tpu.memref_slice %arg3[%dma_start3A_484, %dma_start3A_485] : memref<8192x1024xf32, #tpu.memory_space<hbm>> -> memref<8192x1024xf32, #tpu.memory_space<hbm>>
        tpu.enqueue_indirect_dma source(%dma_start3A_486 : memref<8192x1024xf32, #tpu.memory_space<hbm>>) target(%arg21 : memref<2x1024xf32, #tpu.memory_space<vmem>>) offsets(%dma_start3A_483 : memref<2xi32, #tpu.memory_space<vmem>>) semaphore(%arg25 : memref<!tpu.dma_semaphore, #tpu.memory_space<semaphore_mem>>)
        %dma_wait3A_487 = arith.constant 1024 : i32
        %dma_wait3A_488 = tpu.memref_slice %arg8[%dma_wait3A_487] : memref<2048xi32, #tpu.memory_space<vmem>> -> memref<2xi32, #tpu.memory_space<vmem>>
        %dma_wait3A_489 = arith.constant 0 : i32
        %dma_wait3A_490 = arith.constant 0 : i32
        %dma_wait3A_491 = tpu.memref_slice %arg2[%dma_wait3A_489, %dma_wait3A_490] : memref<8192x2048xf32, #tpu.memory_space<hbm>> -> memref<8192x2048xf32, #tpu.memory_space<hbm>>
        tpu.wait_indirect_dma semaphore(%arg23 : memref<!tpu.dma_semaphore, #tpu.memory_space<semaphore_mem>>) src(%dma_wait3A_491 : memref<8192x2048xf32, #tpu.memory_space<hbm>>) dst(%arg19 : memref<2x2048xf32, #tpu.memory_space<vmem>>)
        %scan3A_492 = arith.constant 0 : i32
        %scan3A_493 = arith.constant 0 : i32
        %scan3A_494 = arith.constant 64 : i32
        %scan3A_495 = arith.addi %scan3A_493, %scan3A_494 : i32
        %scan3A_496 = arith.constant 1 : i32
        %scan3A_497 = scf.for %scan3A_559 = %scan3A_493 to %scan3A_495 step %scan3A_496 iter_args(%scan3A_560 = %scan3A_492) -> (i32)  : i32 {
          %mul3A_561 = arith.constant 16 : i32
          %mul3A_562 = arith.muli %scan3A_559, %mul3A_561 : i32
          %get3A_563 = arith.index_cast %mul3A_562 : i32 to index
          %get3A_564 = tpu.vector_load %arg9[%get3A_563] {strides = array<i32>} : memref<1040xi32, #tpu.memory_space<vmem>>, vector<16xi32>,
          %gather3A_565 = tpu.vector_load_idx %arg19[%broadcast_in_dim3A_3, %get3A_564] : memref<2x2048xf32, #tpu.memory_space<vmem>>[vector<16xi32>, vector<16xi32>], vector<16xf32>,
          %swap3A = arith.constant 0 : i32
          %swap3A_566 = arith.index_cast %swap3A : i32 to index
          %swap3A_567 = arith.index_cast %mul3A_562 : i32 to index
          %swap3A_568 = tpu.vector_load %arg20[%swap3A_566, %swap3A_567] {strides = array<i32>} : memref<2x1026xf32, #tpu.memory_space<vmem>>, vector<16xf32>,
          tpu.vector_store %arg20[%swap3A_566, %swap3A_567], %gather3A_565 {strides = array<i32>} : memref<2x1026xf32, #tpu.memory_space<vmem>>, vector<16xf32>,
          %gather3A_569 = tpu.vector_load_idx %arg19[%broadcast_in_dim3A_5, %get3A_564] : memref<2x2048xf32, #tpu.memory_space<vmem>>[vector<16xi32>, vector<16xi32>], vector<16xf32>,
          %swap3A_570 = arith.constant 1 : i32
          %swap3A_571 = arith.index_cast %swap3A_570 : i32 to index
          %swap3A_572 = arith.index_cast %mul3A_562 : i32 to index
          %swap3A_573 = tpu.vector_load %arg20[%swap3A_571, %swap3A_572] {strides = array<i32>} : memref<2x1026xf32, #tpu.memory_space<vmem>>, vector<16xf32>,
          tpu.vector_store %arg20[%swap3A_571, %swap3A_572], %gather3A_569 {strides = array<i32>} : memref<2x1026xf32, #tpu.memory_space<vmem>>, vector<16xf32>,
          %scan3A_574 = arith.constant 0 : i32
          scf.yield %scan3A_574 : i32
        }
        %scan3A_498 = arith.constant 64 : i32
        %add3A_499 = arith.constant 1024 : i32
        %add3A_500 = vector.broadcast %add3A_499 : i32 to vector<16xi32>
        %add3A_501 = arith.addi %add3A_500, %iota3A : vector<16xi32>
        %get3A_502 = arith.constant 1024 : index
        %get3A_503 = tpu.vector_load %arg9[%get3A_502] {strides = array<i32>} : memref<1040xi32, #tpu.memory_space<vmem>>, vector<16xi32>,
        %lt3A_504 = arith.constant 1026 : i32
        %lt3A_505 = vector.broadcast %lt3A_504 : i32 to vector<16xi32>
        %lt3A_506 = arith.cmpi slt, %add3A_501, %lt3A_505 : vector<16xi32>
        %gather3A_507 = tpu.vector_load_idx %arg19[%broadcast_in_dim3A_3, %get3A_503] : memref<2x2048xf32, #tpu.memory_space<vmem>>[vector<16xi32>, vector<16xi32>], vector<16xf32>,
        tpu.vector_store_idx %arg20[%broadcast_in_dim3A_3, %add3A_501], %gather3A_507 masked %lt3A_506 : memref<2x1026xf32, #tpu.memory_space<vmem>>[vector<16xi32>, vector<16xi32>], vector<16xf32>, vector<16xi1>
        %gather3A_508 = tpu.vector_load_idx %arg19[%broadcast_in_dim3A_5, %get3A_503] : memref<2x2048xf32, #tpu.memory_space<vmem>>[vector<16xi32>, vector<16xi32>], vector<16xf32>,
        tpu.vector_store_idx %arg20[%broadcast_in_dim3A_5, %add3A_501], %gather3A_508 masked %lt3A_506 : memref<2x1026xf32, #tpu.memory_space<vmem>>[vector<16xi32>, vector<16xi32>], vector<16xf32>, vector<16xi1>
        %dma_start3A_509 = arith.constant 1024 : i32
        %dma_start3A_510 = arith.constant 0 : i32
        %dma_start3A_511 = tpu.memref_slice %arg6[%scan3A_24, %dma_start3A_509, %dma_start3A_510] : memref<4x1026x1026xf32, #tpu.memory_space<hbm>> -> memref<1x2x1026xf32, #tpu.memory_space<hbm>>
        %dma_start3A_512 = tpu.memref_squeeze %dma_start3A_511 : memref<1x2x1026xf32, #tpu.memory_space<hbm>> -> memref<2x1026xf32, #tpu.memory_space<hbm>>
        %dma_start3A_513 = arith.constant 1024 : i32
        %dma_start3A_514 = arith.constant 0 : i32
        %dma_start3A_515 = tpu.memref_slice %arg6[%scan3A_24, %dma_start3A_513, %dma_start3A_514] : memref<4x1026x1026xf32, #tpu.memory_space<hbm>> -> memref<1x2x1026xf32, #tpu.memory_space<hbm>>
        %dma_start3A_516 = tpu.memref_squeeze %dma_start3A_515 : memref<1x2x1026xf32, #tpu.memory_space<hbm>> -> memref<2x1026xf32, #tpu.memory_space<hbm>>
        tpu.enqueue_dma source(%arg20 : memref<2x1026xf32, #tpu.memory_space<vmem>>) target(%dma_start3A_516 : memref<2x1026xf32, #tpu.memory_space<hbm>>) target_semaphore(%arg27 : memref<!tpu.dma_semaphore, #tpu.memory_space<semaphore_mem>>)
        %dma_wait3A_517 = arith.constant 1024 : i32
        %dma_wait3A_518 = tpu.memref_slice %arg8[%dma_wait3A_517] : memref<2048xi32, #tpu.memory_space<vmem>> -> memref<2xi32, #tpu.memory_space<vmem>>
        %dma_wait3A_519 = arith.constant 0 : i32
        %dma_wait3A_520 = arith.constant 0 : i32
        %dma_wait3A_521 = tpu.memref_slice %arg3[%dma_wait3A_519, %dma_wait3A_520] : memref<8192x1024xf32, #tpu.memory_space<hbm>> -> memref<8192x1024xf32, #tpu.memory_space<hbm>>
        tpu.wait_indirect_dma semaphore(%arg25 : memref<!tpu.dma_semaphore, #tpu.memory_space<semaphore_mem>>) src(%dma_wait3A_521 : memref<8192x1024xf32, #tpu.memory_space<hbm>>) dst(%arg21 : memref<2x1024xf32, #tpu.memory_space<vmem>>)
        %broadcast_in_dim3A_522 = arith.constant 1024 : i32
        %broadcast_in_dim3A_523 = vector.broadcast %broadcast_in_dim3A_522 : i32 to vector<16xi32>
        %gather3A_524 = tpu.vector_load_idx %arg10[%broadcast_in_dim3A_523] : memref<2048xf32, #tpu.memory_space<vmem>>[vector<16xi32>], vector<16xf32>,
        %broadcast_in_dim3A_525 = arith.constant 1025 : i32
        %broadcast_in_dim3A_526 = vector.broadcast %broadcast_in_dim3A_525 : i32 to vector<16xi32>
        %gather3A_527 = tpu.vector_load_idx %arg10[%broadcast_in_dim3A_526] : memref<2048xf32, #tpu.memory_space<vmem>>[vector<16xi32>], vector<16xf32>,
        %scan3A_528 = arith.constant 0 : i32
        %scan3A_529 = arith.constant 0 : i32
        %scan3A_530 = arith.constant 64 : i32
        %scan3A_531 = arith.addi %scan3A_529, %scan3A_530 : i32
        %scan3A_532 = arith.constant 1 : i32
        %scan3A_533 = scf.for %scan3A_559 = %scan3A_529 to %scan3A_531 step %scan3A_532 iter_args(%scan3A_560 = %scan3A_528) -> (i32)  : i32 {
          %mul3A_561 = arith.constant 16 : i32
          %mul3A_562 = arith.muli %scan3A_559, %mul3A_561 : i32
          %get3A_563 = arith.constant 0 : i32
          %get3A_564 = arith.index_cast %get3A_563 : i32 to index
          %get3A_565 = arith.index_cast %mul3A_562 : i32 to index
          %get3A_566 = tpu.vector_load %arg21[%get3A_564, %get3A_565] {strides = array<i32>} : memref<2x1024xf32, #tpu.memory_space<vmem>>, vector<16xf32>,
          %mul3A_567 = arith.mulf %get3A_566, %gather3A_524 : vector<16xf32>
          %swap3A = arith.constant 0 : i32
          %swap3A_568 = arith.index_cast %swap3A : i32 to index
          %swap3A_569 = arith.index_cast %mul3A_562 : i32 to index
          %swap3A_570 = tpu.vector_load %arg22[%swap3A_568, %swap3A_569] {strides = array<i32>} : memref<2x1024xf32, #tpu.memory_space<vmem>>, vector<16xf32>,
          tpu.vector_store %arg22[%swap3A_568, %swap3A_569], %mul3A_567 {strides = array<i32>} : memref<2x1024xf32, #tpu.memory_space<vmem>>, vector<16xf32>,
          %get3A_571 = arith.constant 1 : i32
          %get3A_572 = arith.index_cast %get3A_571 : i32 to index
          %get3A_573 = arith.index_cast %mul3A_562 : i32 to index
          %get3A_574 = tpu.vector_load %arg21[%get3A_572, %get3A_573] {strides = array<i32>} : memref<2x1024xf32, #tpu.memory_space<vmem>>, vector<16xf32>,
          %mul3A_575 = arith.mulf %get3A_574, %gather3A_527 : vector<16xf32>
          %swap3A_576 = arith.constant 1 : i32
          %swap3A_577 = arith.index_cast %swap3A_576 : i32 to index
          %swap3A_578 = arith.index_cast %mul3A_562 : i32 to index
          %swap3A_579 = tpu.vector_load %arg22[%swap3A_577, %swap3A_578] {strides = array<i32>} : memref<2x1024xf32, #tpu.memory_space<vmem>>, vector<16xf32>,
          tpu.vector_store %arg22[%swap3A_577, %swap3A_578], %mul3A_575 {strides = array<i32>} : memref<2x1024xf32, #tpu.memory_space<vmem>>, vector<16xf32>,
          %scan3A_580 = arith.constant 0 : i32
          scf.yield %scan3A_580 : i32
        }
        %scan3A_534 = arith.constant 64 : i32
        %dma_start3A_535 = arith.constant 1024 : i32
        %dma_start3A_536 = arith.constant 0 : i32
        %dma_start3A_537 = tpu.memref_slice %arg7[%scan3A_24, %dma_start3A_535, %dma_start3A_536] : memref<4x1026x1024xf32, #tpu.memory_space<hbm>> -> memref<1x2x1024xf32, #tpu.memory_space<hbm>>
        %dma_start3A_538 = tpu.memref_squeeze %dma_start3A_537 : memref<1x2x1024xf32, #tpu.memory_space<hbm>> -> memref<2x1024xf32, #tpu.memory_space<hbm>>
        %dma_start3A_539 = arith.constant 1024 : i32
        %dma_start3A_540 = arith.constant 0 : i32
        %dma_start3A_541 = tpu.memref_slice %arg7[%scan3A_24, %dma_start3A_539, %dma_start3A_540] : memref<4x1026x1024xf32, #tpu.memory_space<hbm>> -> memref<1x2x1024xf32, #tpu.memory_space<hbm>>
        %dma_start3A_542 = tpu.memref_squeeze %dma_start3A_541 : memref<1x2x1024xf32, #tpu.memory_space<hbm>> -> memref<2x1024xf32, #tpu.memory_space<hbm>>
        tpu.enqueue_dma source(%arg22 : memref<2x1024xf32, #tpu.memory_space<vmem>>) target(%dma_start3A_542 : memref<2x1024xf32, #tpu.memory_space<hbm>>) target_semaphore(%arg29 : memref<!tpu.dma_semaphore, #tpu.memory_space<semaphore_mem>>)
        %dma_wait3A_543 = arith.constant 1024 : i32
        %dma_wait3A_544 = arith.constant 0 : i32
        %dma_wait3A_545 = tpu.memref_slice %arg7[%scan3A_24, %dma_wait3A_543, %dma_wait3A_544] : memref<4x1026x1024xf32, #tpu.memory_space<hbm>> -> memref<1x2x1024xf32, #tpu.memory_space<hbm>>
        %dma_wait3A_546 = tpu.memref_squeeze %dma_wait3A_545 : memref<1x2x1024xf32, #tpu.memory_space<hbm>> -> memref<2x1024xf32, #tpu.memory_space<hbm>>
        %dma_wait3A_547 = arith.constant 1024 : i32
        %dma_wait3A_548 = arith.constant 0 : i32
        %dma_wait3A_549 = tpu.memref_slice %arg7[%scan3A_24, %dma_wait3A_547, %dma_wait3A_548] : memref<4x1026x1024xf32, #tpu.memory_space<hbm>> -> memref<1x2x1024xf32, #tpu.memory_space<hbm>>
        %dma_wait3A_550 = tpu.memref_squeeze %dma_wait3A_549 : memref<1x2x1024xf32, #tpu.memory_space<hbm>> -> memref<2x1024xf32, #tpu.memory_space<hbm>>
        tpu.wait_dma2 semaphore(%arg29 : memref<!tpu.dma_semaphore, #tpu.memory_space<semaphore_mem>>) src(%arg22 : memref<2x1024xf32, #tpu.memory_space<vmem>>) dst(%dma_wait3A_550 : memref<2x1024xf32, #tpu.memory_space<hbm>>)
        %dma_wait3A_551 = arith.constant 1024 : i32
        %dma_wait3A_552 = arith.constant 0 : i32
        %dma_wait3A_553 = tpu.memref_slice %arg6[%scan3A_24, %dma_wait3A_551, %dma_wait3A_552] : memref<4x1026x1026xf32, #tpu.memory_space<hbm>> -> memref<1x2x1026xf32, #tpu.memory_space<hbm>>
        %dma_wait3A_554 = tpu.memref_squeeze %dma_wait3A_553 : memref<1x2x1026xf32, #tpu.memory_space<hbm>> -> memref<2x1026xf32, #tpu.memory_space<hbm>>
        %dma_wait3A_555 = arith.constant 1024 : i32
        %dma_wait3A_556 = arith.constant 0 : i32
        %dma_wait3A_557 = tpu.memref_slice %arg6[%scan3A_24, %dma_wait3A_555, %dma_wait3A_556] : memref<4x1026x1026xf32, #tpu.memory_space<hbm>> -> memref<1x2x1026xf32, #tpu.memory_space<hbm>>
        %dma_wait3A_558 = tpu.memref_squeeze %dma_wait3A_557 : memref<1x2x1026xf32, #tpu.memory_space<hbm>> -> memref<2x1026xf32, #tpu.memory_space<hbm>>
        tpu.wait_dma2 semaphore(%arg27 : memref<!tpu.dma_semaphore, #tpu.memory_space<semaphore_mem>>) src(%arg20 : memref<2x1026xf32, #tpu.memory_space<vmem>>) dst(%dma_wait3A_558 : memref<2x1026xf32, #tpu.memory_space<hbm>>)
      } else {
      }
      %scan3A_476 = arith.constant 0 : i32
      scf.yield %scan3A_476 : i32
    }
    %scan3A_23 = arith.constant 4 : i32
    return
  }
}

module attributes {stable_mosaic.version = 14 : i64} {
  func.func @_ranksel_body(%arg0: i32, %arg1: memref<1x1x2048xf32, #tpu.memory_space<vmem>>, %arg2: memref<1x2048x1xf32, #tpu.memory_space<vmem>>, %arg3: memref<1x1x2048xi32, #tpu.memory_space<vmem>>, %arg4: memref<1x1x2048xf32, #tpu.memory_space<vmem>>, %arg5: memref<1x1x2048xi32, #tpu.memory_space<vmem>>, %arg6: memref<2048x1xf32, #tpu.memory_space<vmem>>) attributes {dimension_semantics = [#tpu.dimension_semantics<arbitrary>], iteration_bounds = array<i64: 4>, scalar_prefetch = 0 : i64, scratch_operands = 1 : i64, tpu.core_type = #tpu.core_type<tc>, window_params = [{transform_indices = @transform_0, window_bounds = array<i64: 1, 1, 2048>}, {transform_indices = @transform_1, window_bounds = array<i64: 1, 2048, 1>}, {transform_indices = @transform_2, window_bounds = array<i64: 1, 1, 2048>}, {transform_indices = @transform_3, window_bounds = array<i64: 1, 1, 2048>}, {transform_indices = @transform_4, window_bounds = array<i64: 1, 1, 2048>}]} {
    %mul3A = arith.constant 2048 : i32
    %mul3A_0 = arith.muli %arg0, %mul3A : i32
    %get3A = arith.constant 0 : index
    %get3A_1 = arith.constant 0 : index
    %get3A_2 = arith.constant 0 : index
    %get3A_3 = vector.load %arg1[%get3A, %get3A_1, %get3A_2] : memref<1x1x2048xf32, #tpu.memory_space<vmem>>, vector<1x1x2048xf32>
    %get3A_4 = vector.shape_cast %get3A_3 : vector<1x1x2048xf32> to vector<1x2048xf32>
    %iota3A = tpu.iota {dimensions = array<i32: 1>} : vector<1x2048xi32>
    %lt3A = arith.constant 2043 : i32
    %lt3A_5 = vector.broadcast %lt3A : i32 to vector<1x2048xi32>
    %lt3A_6 = arith.cmpi slt, %iota3A, %lt3A_5 : vector<1x2048xi32>
    %jit3A = arith.constant 0xFF800000 : f32
    %broadcast_in_dim3A = vector.broadcast %jit3A : f32 to vector<1x2048xf32>
    %select_n3A = arith.select %lt3A_6, %get3A_4, %broadcast_in_dim3A : vector<1x2048xi1>, vector<1x2048xf32>
    %scan3A = arith.constant 0 : i32
    %scan3A_7 = arith.constant 8 : i32
    %scan3A_8 = arith.addi %scan3A, %scan3A_7 : i32
    %scan3A_9 = arith.constant 1 : i32
    scf.for %scan3A_41 = %scan3A to %scan3A_8 step %scan3A_9  : i32 {
      %mul3A_42 = arith.constant 256 : i32
      %mul3A_43 = arith.muli %scan3A_41, %mul3A_42 : i32
      %get3A_44 = arith.constant 0 : index
      %get3A_45 = arith.index_cast %mul3A_43 : i32 to index
      %get3A_46 = arith.constant 0 : index
      %get3A_47 = vector.load %arg2[%get3A_44, %get3A_45, %get3A_46] : memref<1x2048x1xf32, #tpu.memory_space<vmem>>, vector<1x256x1xf32>
      %get3A_48 = vector.shape_cast %get3A_47 : vector<1x256x1xf32> to vector<256x1xf32>
      %iota3A_49 = tpu.iota {dimensions = array<i32: 0>} : vector<256x1xi32>
      %add3A_50 = vector.broadcast %mul3A_43 : i32 to vector<256x1xi32>
      %add3A_51 = arith.addi %add3A_50, %iota3A_49 : vector<256x1xi32>
      %gt3A = vector.broadcast %select_n3A : vector<1x2048xf32> to vector<256x2048xf32>
      %gt3A_52 = vector.broadcast %get3A_48 : vector<256x1xf32> to vector<256x2048xf32>
      %gt3A_53 = arith.cmpf ogt, %gt3A, %gt3A_52 : vector<256x2048xf32>
      %eq3A = vector.broadcast %select_n3A : vector<1x2048xf32> to vector<256x2048xf32>
      %eq3A_54 = vector.broadcast %get3A_48 : vector<256x1xf32> to vector<256x2048xf32>
      %eq3A_55 = arith.cmpf oeq, %eq3A, %eq3A_54 : vector<256x2048xf32>
      %lt3A_56 = vector.broadcast %iota3A : vector<1x2048xi32> to vector<256x2048xi32>
      %lt3A_57 = vector.broadcast %add3A_51 : vector<256x1xi32> to vector<256x2048xi32>
      %lt3A_58 = arith.cmpi slt, %lt3A_56, %lt3A_57 : vector<256x2048xi32>
      %and3A = arith.andi %eq3A_55, %lt3A_58 : vector<256x2048xi1>
      %or3A_59 = arith.ori %gt3A_53, %and3A : vector<256x2048xi1>
      %jit3A_60 = arith.constant 1.000000e+00 : f32
      %jit3A_61 = arith.constant 0.000000e+00 : f32
      %broadcast_in_dim3A_62 = vector.broadcast %jit3A_60 : f32 to vector<256x2048xf32>
      %broadcast_in_dim3A_63 = vector.broadcast %jit3A_61 : f32 to vector<256x2048xf32>
      %select_n3A_64 = arith.select %or3A_59, %broadcast_in_dim3A_62, %broadcast_in_dim3A_63 : vector<256x2048xi1>, vector<256x2048xf32>
      %reduce_sum3A = arith.constant dense<0.000000e+00> : vector<256xf32>
      %reduce_sum3A_65 = vector.multi_reduction <add>, %select_n3A_64, %reduce_sum3A [1] : vector<256x2048xf32> to vector<256xf32>
      %broadcast_in_dim3A_66 = vector.shape_cast %reduce_sum3A_65 : vector<256xf32> to vector<256x1xf32>
      %swap3A = arith.index_cast %mul3A_43 : i32 to index
      %swap3A_67 = arith.constant 0 : index
      %swap3A_68 = vector.load %arg6[%swap3A, %swap3A_67] : memref<2048x1xf32, #tpu.memory_space<vmem>>, vector<256x1xf32>
      tpu.vector_store %arg6[%swap3A, %swap3A_67], %broadcast_in_dim3A_66 {strides = array<i32>} : memref<2048x1xf32, #tpu.memory_space<vmem>>, vector<256x1xf32>,
    }
    %scan3A_10 = arith.constant 8 : i32
    %get3A_11 = arith.constant 0 : index
    %get3A_12 = arith.constant 0 : index
    %get3A_13 = vector.load %arg6[%get3A_11, %get3A_12] : memref<2048x1xf32, #tpu.memory_space<vmem>>, vector<2048x1xf32>
    %iota3A_14 = tpu.iota {dimensions = array<i32: 0>} : vector<2048x1xi32>
    %lt3A_15 = arith.constant 2043 : i32
    %lt3A_16 = vector.broadcast %lt3A_15 : i32 to vector<2048x1xi32>
    %lt3A_17 = arith.cmpi slt, %iota3A_14, %lt3A_16 : vector<2048x1xi32>
    %not3A = arith.constant dense<true> : vector<2048x1xi1>
    %not3A_18 = arith.xori %lt3A_17, %not3A : vector<2048x1xi1>
    %lt3A_19 = arith.constant 1.021000e+03 : f32
    %lt3A_20 = vector.broadcast %lt3A_19 : f32 to vector<2048x1xf32>
    %lt3A_21 = arith.cmpf olt, %get3A_13, %lt3A_20 : vector<2048x1xf32>
    %or3A = arith.ori %not3A_18, %lt3A_21 : vector<2048x1xi1>
    %add3A = arith.constant 1021 : i32
    %add3A_22 = vector.broadcast %add3A : i32 to vector<2048x1xi32>
    %add3A_23 = arith.addi %add3A_22, %iota3A_14 : vector<2048x1xi32>
    %sub3A = arith.constant 2043 : i32
    %sub3A_24 = vector.broadcast %sub3A : i32 to vector<2048x1xi32>
    %sub3A_25 = arith.subi %add3A_23, %sub3A_24 : vector<2048x1xi32>
    %convert_element_type3A = arith.sitofp %sub3A_25 : vector<2048x1xi32> to vector<2048x1xf32>
    %select_n3A_26 = arith.select %lt3A_17, %get3A_13, %convert_element_type3A : vector<2048x1xi1>, vector<2048x1xf32>
    %jit3A_27 = arith.constant 4.096000e+03 : f32
    %broadcast_in_dim3A_28 = vector.broadcast %jit3A_27 : f32 to vector<2048x1xf32>
    %select_n3A_29 = arith.select %or3A, %select_n3A_26, %broadcast_in_dim3A_28 : vector<2048x1xi1>, vector<2048x1xf32>
    %get3A_30 = arith.constant 0 : index
    %get3A_31 = arith.constant 0 : index
    %get3A_32 = arith.constant 0 : index
    %get3A_33 = vector.load %arg2[%get3A_30, %get3A_31, %get3A_32] : memref<1x2048x1xf32, #tpu.memory_space<vmem>>, vector<1x2048x1xf32>
    %get3A_34 = vector.shape_cast %get3A_33 : vector<1x2048x1xf32> to vector<2048x1xf32>
    %convert_element_type3A_35 = arith.sitofp %iota3A_14 : vector<2048x1xi32> to vector<2048x1xf32>
    %scan3A_36 = arith.constant 0 : i32
    %scan3A_37 = arith.constant 8 : i32
    %scan3A_38 = arith.addi %scan3A_36, %scan3A_37 : i32
    %scan3A_39 = arith.constant 1 : i32
    scf.for %scan3A_41 = %scan3A_36 to %scan3A_38 step %scan3A_39  : i32 {
      %mul3A_42 = arith.constant 256 : i32
      %mul3A_43 = arith.muli %scan3A_41, %mul3A_42 : i32
      %iota3A_44 = tpu.iota {dimensions = array<i32: 1>} : vector<1x256xi32>
      %add3A_45 = vector.broadcast %mul3A_43 : i32 to vector<1x256xi32>
      %add3A_46 = arith.addi %add3A_45, %iota3A_44 : vector<1x256xi32>
      %convert_element_type3A_47 = arith.sitofp %add3A_46 : vector<1x256xi32> to vector<1x256xf32>
      %eq3A = vector.broadcast %select_n3A_29 : vector<2048x1xf32> to vector<2048x256xf32>
      %eq3A_48 = vector.broadcast %convert_element_type3A_47 : vector<1x256xf32> to vector<2048x256xf32>
      %eq3A_49 = arith.cmpf oeq, %eq3A, %eq3A_48 : vector<2048x256xf32>
      %jit3A_50 = arith.constant 0.000000e+00 : f32
      %broadcast_in_dim3A_51 = vector.shape_cast %convert_element_type3A_35 : vector<2048x1xf32> to vector<2048x1xf32>
      %broadcast_in_dim3A_52 = vector.broadcast %broadcast_in_dim3A_51 : vector<2048x1xf32> to vector<2048x256xf32>
      %broadcast_in_dim3A_53 = vector.broadcast %jit3A_50 : f32 to vector<2048x256xf32>
      %select_n3A_54 = arith.select %eq3A_49, %broadcast_in_dim3A_52, %broadcast_in_dim3A_53 : vector<2048x256xi1>, vector<2048x256xf32>
      %reduce_sum3A = arith.constant dense<0.000000e+00> : vector<256xf32>
      %reduce_sum3A_55 = vector.multi_reduction <add>, %select_n3A_54, %reduce_sum3A [0] : vector<2048x256xf32> to vector<256xf32>
      %broadcast_in_dim3A_56 = vector.shape_cast %reduce_sum3A_55 : vector<256xf32> to vector<1x256xf32>
      %jit3A_57 = arith.constant 0.000000e+00 : f32
      %broadcast_in_dim3A_58 = vector.shape_cast %get3A_34 : vector<2048x1xf32> to vector<2048x1xf32>
      %broadcast_in_dim3A_59 = vector.broadcast %broadcast_in_dim3A_58 : vector<2048x1xf32> to vector<2048x256xf32>
      %broadcast_in_dim3A_60 = vector.broadcast %jit3A_57 : f32 to vector<2048x256xf32>
      %select_n3A_61 = arith.select %eq3A_49, %broadcast_in_dim3A_59, %broadcast_in_dim3A_60 : vector<2048x256xi1>, vector<2048x256xf32>
      %reduce_sum3A_62 = arith.constant dense<0.000000e+00> : vector<256xf32>
      %reduce_sum3A_63 = vector.multi_reduction <add>, %select_n3A_61, %reduce_sum3A_62 [0] : vector<2048x256xf32> to vector<256xf32>
      %broadcast_in_dim3A_64 = vector.shape_cast %reduce_sum3A_63 : vector<256xf32> to vector<1x256xf32>
      %convert_element_type3A_65 = arith.fptosi %broadcast_in_dim3A_56 : vector<1x256xf32> to vector<1x256xi32>
      %swap3A = arith.constant 0 : index
      %swap3A_66 = arith.constant 0 : index
      %swap3A_67 = arith.index_cast %mul3A_43 : i32 to index
      %swap3A_68 = vector.load %arg3[%swap3A, %swap3A_66, %swap3A_67] : memref<1x1x2048xi32, #tpu.memory_space<vmem>>, vector<1x1x256xi32>
      %swap3A_69 = vector.shape_cast %swap3A_68 : vector<1x1x256xi32> to vector<1x256xi32>
      %swap3A_70 = vector.shape_cast %convert_element_type3A_65 : vector<1x256xi32> to vector<1x1x256xi32>
      tpu.vector_store %arg3[%swap3A, %swap3A_66, %swap3A_67], %swap3A_70 {strides = array<i32>} : memref<1x1x2048xi32, #tpu.memory_space<vmem>>, vector<1x1x256xi32>,
      %swap3A_71 = arith.constant 0 : index
      %swap3A_72 = arith.constant 0 : index
      %swap3A_73 = arith.index_cast %mul3A_43 : i32 to index
      %swap3A_74 = vector.load %arg4[%swap3A_71, %swap3A_72, %swap3A_73] : memref<1x1x2048xf32, #tpu.memory_space<vmem>>, vector<1x1x256xf32>
      %swap3A_75 = vector.shape_cast %swap3A_74 : vector<1x1x256xf32> to vector<1x256xf32>
      %swap3A_76 = vector.shape_cast %broadcast_in_dim3A_64 : vector<1x256xf32> to vector<1x1x256xf32>
      tpu.vector_store %arg4[%swap3A_71, %swap3A_72, %swap3A_73], %swap3A_76 {strides = array<i32>} : memref<1x1x2048xf32, #tpu.memory_space<vmem>>, vector<1x1x256xf32>,
      %convert_element_type3A_77 = arith.fptosi %broadcast_in_dim3A_56 : vector<1x256xf32> to vector<1x256xi32>
      %add3A_78 = vector.broadcast %mul3A_0 : i32 to vector<1x256xi32>
      %add3A_79 = arith.addi %convert_element_type3A_77, %add3A_78 : vector<1x256xi32>
      %swap3A_80 = arith.constant 0 : index
      %swap3A_81 = arith.constant 0 : index
      %swap3A_82 = arith.index_cast %mul3A_43 : i32 to index
      %swap3A_83 = vector.load %arg5[%swap3A_80, %swap3A_81, %swap3A_82] : memref<1x1x2048xi32, #tpu.memory_space<vmem>>, vector<1x1x256xi32>
      %swap3A_84 = vector.shape_cast %swap3A_83 : vector<1x1x256xi32> to vector<1x256xi32>
      %swap3A_85 = vector.shape_cast %add3A_79 : vector<1x256xi32> to vector<1x1x256xi32>
      tpu.vector_store %arg5[%swap3A_80, %swap3A_81, %swap3A_82], %swap3A_85 {strides = array<i32>} : memref<1x1x2048xi32, #tpu.memory_space<vmem>>, vector<1x1x256xi32>,
    }
    %scan3A_40 = arith.constant 8 : i32
    return
  }
  func.func @transform_0(%arg0: i32) -> (i32, i32, i32) {
    %c0_i32 = arith.constant 0 : i32
    %c0_i32_0 = arith.constant 0 : i32
    %c0_i32_1 = arith.constant 0 : i32
    return %arg0, %c0_i32, %c0_i32_0 : i32, i32, i32
  }
  func.func @transform_1(%arg0: i32) -> (i32, i32, i32) {
    %c0_i32 = arith.constant 0 : i32
    %c0_i32_0 = arith.constant 0 : i32
    %c0_i32_1 = arith.constant 0 : i32
    return %arg0, %c0_i32, %c0_i32_0 : i32, i32, i32
  }
  func.func @transform_2(%arg0: i32) -> (i32, i32, i32) {
    %c0_i32 = arith.constant 0 : i32
    %c0_i32_0 = arith.constant 0 : i32
    %c0_i32_1 = arith.constant 0 : i32
    return %arg0, %c0_i32, %c0_i32_0 : i32, i32, i32
  }
  func.func @transform_3(%arg0: i32) -> (i32, i32, i32) {
    %c0_i32 = arith.constant 0 : i32
    %c0_i32_0 = arith.constant 0 : i32
    %c0_i32_1 = arith.constant 0 : i32
    return %arg0, %c0_i32, %c0_i32_0 : i32, i32, i32
  }
  func.func @transform_4(%arg0: i32) -> (i32, i32, i32) {
    %c0_i32 = arith.constant 0 : i32
    %c0_i32_0 = arith.constant 0 : i32
    %c0_i32_1 = arith.constant 0 : i32
    return %arg0, %c0_i32, %c0_i32_0 : i32, i32, i32
  }
}

</mosaic_0001>

<sc_bundles>
// kernel: kernel.4.cloned.1.call-start
scs
__scs_entry_jumppad:
0x0: {  	(pc) =	sbr.rel $0x88, $3  }
0x1: {  	(tag) =	ssettag $0x0;
	lr =	simm.s32 $0x1  }
0x2: {  	[smem:$0x3F9D] =	sst lr;
	_ =	strace $0xD0000000  }
0x3: {  	_ = 	snop  }
0x4: {  	_ = 	snop  }
0x5: {  	_ = 	snop  }
0x6: {  	_ = 	snop  }
0x7: {  	_ = 	snop  }
__scs_overlays_trampoline_lowered:
0x8: {  	[smem:$0x3FAC] =	sst s0  }
0x9: {  	[smem:$0x3FAD] =	sst s1  }
0xa: {  	[smem:$0x3FAE] =	sst s2  }
0xb: {  	[smem:$0x3FAF] =	sst s3  }
0xc: {  	[smem:$0x3FB0] =	sst s4  }
0xd: {  	[smem:$0x3FB1] =	sst s5  }
0xe: {  	[smem:$0x3FB2] =	sst s6  }
0xf: {  	[smem:$0x3FB3] =	sst s7  }
0x10: {  	[smem:$0x3FB4] =	sst s8  }
0x11: {  	[smem:$0x3FB5] =	sst s9;
	s0 =	simm.s32 @!p0 $0x0  }
0x12: {  	s1 =	sld [smem:$0x3F9B];
	s0 =	simm.s32 @p0 $0x1  }
0x13: {  	[smem:$0x3FB6] =	sst s0;
	s0 =	simm.s32 @!p1 $0x0  }
0x14: {  	s2 =	sld [smem:$0x3F9A];
	s0 =	simm.s32 @p1 $0x1  }
0x15: {  	[smem:$0x3FB7] =	sst s0;
	s0 =	simm.s32 @!p2 $0x0  }
0x16: {  	s3 =	sld [smem:$0x3FDB];
	s0 =	simm.s32 @p2 $0x1  }
0x17: {  	s4 =	simm.s32 $0x1BF5;
	[smem:$0x3FB9] =	sst s0  }
0x18: {  	s0 =	sld [smem:$0x3F9C];
	_ =	swait.ge [sflag:s4], $0x0  }
0x19: {  	s7 =	sld [smem:$0x3F9D]  }
0x1a: {  	s8 =	sadd.s32 $0xFFFFE003, lr  }
0x1b: {  	s9 =	sadd.s32 $0xFFFFFEF7, lr;
	s5 =	simm.s32 $0xFFFFFFFF;
	p2 =	slt.u32 s8, $0xFFFFF086  }
0x1c: {  	p1 =	slt.u32 s9, $0xF7A;
	s5 =	simm.s32 @!p2 $0x0  }
0x1d: {  	s5 =	simm.s32 @p1 $0x1;
	p0 =	seq.s32 s7, s2  }
0x1e: {  	s7 =	smul.u32 @!p0 $0xF7A, s2;
	p2 =	seq.s32 @!p0 s5, $0x0  }
0x1f: {  	s9 =	smul.u32 $0xF7A, s1;
	s8 =	simm.s32 @!p0 $0x1BF5;
	p2 =	por !p2, p0  }
0x20: {  	[sflag:s8] =	ssyncset.s32 @!p0 $0xFFFFF086;
	s6 =	sadd.s32 @!p0 s3, s7;
	s7 =	simm.s32 @!p0 $0x108  }
0x21: {  	s3 =	sadd.s32 s3, s9;
	s6 =	sadd.s32 @!p0 $0x88, s6;
	s7 =	simm.s32 @p2 $0x1082  }
0x22: {  	[simem:s7], [sflag:s8] =	dma.local @!p0 [hbm:s6], $0xF7A  }
0x23: {  	s9 =	sor.u32 $0xD0000000, s2;
	s6 =	simm.s32 $0x108;
	_ =	swait.ge @!p0 [sflag:s8], $0x0  }
0x24: {  	s3 =	sadd.s32 $0x88, s3;
	s6 =	simm.s32 @!p1 $0x1082;
	[sflag:s4] =	ssyncset.s32 $0xFFFFF086  }
0x25: {  	[simem:s6], [sflag:s4] =	dma.local [hbm:s3], $0xF7A  }
0x26: {  	[smem:$0x3F9D] =	sst s1;
	(tag) =	ssettag s2;
	_ =	strace s9  }
0x27: {  	s1 =	sld [smem:$0x3FAD]  }
0x28: {  	s2 =	sld [smem:$0x3FAE]  }
0x29: {  	s4 =	sld [smem:$0x3FB0]  }
0x2a: {  	p0 =	seq.s32 s5, $0x0;
	s5 =	sld [smem:$0x3FB1]  }
0x2b: {  	s6 =	sld [smem:$0x3FB2]  }
0x2c: {  	s7 =	sld [smem:$0x3FB3]  }
0x2d: {  	s3 =	simm.s32 $0x108;
	s8 =	sld [smem:$0x3FB4]  }
0x2e: {  	s3 =	simm.s32 @!p0 $0x1082;
	s9 =	sld [smem:$0x3FB5]  }
0x2f: {  	lr =	sadd.s32 s0, s3;
	s0 =	sld [smem:$0x3FAC]  }
0x30: {  	s3 =	sld [smem:$0x3FAF]  }
0x31: {  	[smem:$0x3FB8] =	sst s10  }
0x32: {  	s10 =	sld [smem:$0x3FB6];
	_ =	sdelay $0x3  }
0x33: {  	p0 =	seq.s32 s10, $0x1;
	s10 =	sld [smem:$0x3FB8];
	_ =	sdelay $0x3  }
0x34: {  	[smem:$0x3FB8] =	sst s10  }
0x35: {  	s10 =	sld [smem:$0x3FB7];
	_ =	sdelay $0x3  }
0x36: {  	p1 =	seq.s32 s10, $0x1;
	s10 =	sld [smem:$0x3FB8];
	_ =	sdelay $0x3  }
0x37: {  	[smem:$0x3FB8] =	sst s10  }
0x38: {  	s10 =	sld [smem:$0x3FB9]  }
0x39: {  	_ = 	snop;
	(pc) =	sbr.ind lr, $3  }
0x3a: {  	_ = 	snop  }
0x3b: {  	_ = 	snop  }
0x3c: {  	p2 =	seq.s32 s10, $0x1;
	s10 =	sld [smem:$0x3FB8]  }
0x3d: {  	_ =	shalt  }
0x3e: {  	_ =	shalt  }
0x3f: {  	_ =	shalt  }
0x40: {  	_ =	shalt  }
0x41: {  	_ =	shalt  }
0x42: {  	_ =	shalt  }
0x43: {  	_ =	shalt  }
0x44: {  	_ =	shalt  }
0x45: {  	_ =	shalt  }
0x46: {  	_ =	shalt  }
0x47: {  	_ =	shalt  }
0x48: {  	_ =	shalt  }
0x49: {  	_ =	shalt  }
0x4a: {  	_ =	shalt  }
0x4b: {  	_ =	shalt  }
0x4c: {  	_ =	shalt  }
0x4d: {  	_ =	shalt  }
0x4e: {  	_ =	shalt  }
0x4f: {  	_ =	shalt  }
0x50: {  	_ =	shalt  }
0x51: {  	_ =	shalt  }
0x52: {  	_ =	shalt  }
0x53: {  	_ =	shalt  }
0x54: {  	_ =	shalt  }
0x55: {  	_ =	shalt  }
0x56: {  	_ =	shalt  }
0x57: {  	_ =	shalt  }
0x58: {  	_ =	shalt  }
0x59: {  	_ =	shalt  }
0x5a: {  	_ =	shalt  }
0x5b: {  	_ =	shalt  }
0x5c: {  	_ =	shalt  }
0x5d: {  	_ =	shalt  }
0x5e: {  	_ =	shalt  }
0x5f: {  	_ =	shalt  }
0x60: {  	_ =	shalt  }
0x61: {  	_ =	shalt  }
0x62: {  	_ =	shalt  }
0x63: {  	_ =	shalt  }
0x64: {  	_ =	shalt  }
0x65: {  	_ =	shalt  }
0x66: {  	_ =	shalt  }
0x67: {  	_ =	shalt  }
0x68: {  	_ =	shalt  }
0x69: {  	_ =	shalt  }
0x6a: {  	_ =	shalt  }
0x6b: {  	_ =	shalt  }
0x6c: {  	_ =	shalt  }
0x6d: {  	_ =	shalt  }
0x6e: {  	_ =	shalt  }
0x6f: {  	_ =	shalt  }
0x70: {  	_ =	shalt  }
0x71: {  	_ =	shalt  }
0x72: {  	_ =	shalt  }
0x73: {  	_ =	shalt  }
0x74: {  	_ =	shalt  }
0x75: {  	_ =	shalt  }
0x76: {  	_ =	shalt  }
0x77: {  	_ =	shalt  }
0x78: {  	_ =	shalt  }
0x79: {  	_ =	shalt  }
0x7a: {  	_ =	shalt  }
0x7b: {  	_ =	shalt  }
0x7c: {  	_ =	shalt  }
0x7d: {  	_ =	shalt  }
0x7e: {  	_ =	shalt  }
0x7f: {  	_ =	shalt  }
0x80: {  	_ =	shalt  }
0x81: {  	_ =	shalt  }
0x82: {  	_ =	shalt  }
0x83: {  	_ =	shalt  }
0x84: {  	_ =	shalt  }
0x85: {  	_ =	shalt  }
0x86: {  	_ =	shalt  }
0x87: {  	_ =	shalt  }
.Lfunc_end0:
.L_simem_size_0:
called_computation_lowered:
.L_overlay_start_0:
0x88: {  	s2 =	sld [smem:$0x3FD9]  }
0x89: {  	s3 =	sld [smem:$0x3FFE];
	_ =	sdelay $0x1  }
0x8a: {  	s1 =	srdreg.scid  }
0x8b: {  	s0 =	sand.u32 $0x1, s1  }
0x8c: {  	s14 =	sshll.u32 s0, $0xA;
	s2 =	sadd.s32 s3, s2  }
0x8d: {  	s2 =	sadd.s32 s2, s14  }
0x8e: {  	[smem:$0x3FC4] =	sst s2  }
0x8f: {  	_ = 	snop  }
0x90: {  	s2 =	sld [smem:$0x3FD0];
	_ =	sdelay $0x1  }
0x91: {  	s15 =	sld [smem:$0x3FC9]  }
0x92: {  	s5 =	simm.s32 $0xA;
	s6 =	simm.s32 $0x10;
	s4 =	sld [smem:$0x3FC8]  }
0x93: {  	[smem:s6], [sflag:s5] =	dma.local [hbm:s2], $0x1  }
0x94: {  	_ =	swait.eq [sflag:s5], $0x1  }
0x95: {  	[sflag:s5] =	ssyncset.done $0x0  }
0x96: {  	s16 =	sld [smem:$0x10];
	[sflag:s5] =	ssyncadd.s32 $0xFFFFFFFF  }
0x97: {  	s17 =	sld [smem:$0x11];
	(tm) =	ssettm $0x1  }
0x98: {  	s18 =	sld [smem:$0x3FFB];
	_ =	sdelay $0x3  }
0x99: {  	_ =	strace s18  }
0x9a: {  	s6 =	sld [smem:$0x3FFC];
	_ =	sdelay $0x3  }
0x9b: {  	_ =	strace s6  }
0x9c: {  	s6 =	sld [smem:$0x3FFD];
	_ =	sdelay $0x3  }
0x9d: {  	_ =	strace s6  }
0x9e: {  	_ =	strace $0x8FFFFFFF  }
0x9f: {  	s19 =	sld [smem:$0x3FDB];
	_ =	sdelay $0x1  }
0xa0: {  	s7 =	simm.s32 $_scs_section_size  }
0xa1: {  	s8 =	simm.s32 $_size__tile_overlayer_lowered;
	s9 =	simm.s32 $_tile_overlayer_lowered  }
0xa2: {  	s22 =	simm.s32 $0x1BFF;
	s21 =	sshll.u32 s9, $0x1;
	s6 =	sadd.s32 s7, s19  }
0xa3: {  	s10 =	simm.s32 $0x0;
	s20 =	sshll.u32 s8, $0x1;
	s8 =	sadd.s32 s21, s6  }
0xa4: {  	[timem:s10], [sflag:s22] =	dma.local [hbm:s8], s20  }
0xa5: {  	_ =	swait.ge [sflag:s22], s20  }
0xa6: {  	s7 =	ssub.s32 $0x0, s20;
	[sflag:s22] =	ssyncset.done $0x0  }
0xa7: {  	[sflag:s22] =	ssyncadd.s32 s7;
	_ =	sdelay $0x1  }
0xa8: {  	s23 =	simm.s32 $0x1B8B  }
0xa9: {  	_ =	swait.ge [sflag:s23], $0x1  }
0xaa: {  	[sflag:s23] =	ssyncset.done $0x0  }
0xab: {  	s25 =	simm.s32 $0x1B8E;
	s24 =	sld [smem:$0x3FFE];
	[sflag:s23] =	ssyncadd.s32 $0xFFFFFFFF  }
0xac: {  	s26 =	simm.s32 $execute0_lowered;
	[smem:$0x3FD2] =	sst s25  }
0xad: {  	s8 =	sshll.u32 s26, $0x1;
	_ =	strace $0x80000046;
	[dreg:$0x1] =	wrdreg $0xFFFFFFFF  }
0xae: {  	s28 =	simm.s32 $_size_execute0_lowered;
	s6 =	sadd.s32 s6, s8;
	[dreg:$0x0] =	wrdreg $0x0  }
0xaf: {  	s8 =	sshll.u32 s28, $0x1;
	[dreg:$0x2] =	wrdreg s6  }
0xb0: {  	[dreg:$0x3] =	wrdreg s8  }
0xb1: {  	[dreg:$0x4] =	wrdreg $0xC0  }
0xb2: {  	_ =	task [dreg:s10], $0x5FFFF  }
0xb3: {  	[dreg:$0x1] =	wrdreg $0xFFFFFFFF  }
0xb4: {  	[dreg:$0x0] =	wrdreg $0x60  }
0xb5: {  	[dreg:$0x2] =	wrdreg s15  }
0xb6: {  	[dreg:$0x3] =	wrdreg s4  }
0xb7: {  	[dreg:$0x4] =	wrdreg s17  }
0xb8: {  	[dreg:$0x5] =	wrdreg s16  }
0xb9: {  	[dreg:$0x6] =	wrdreg s24  }
0xba: {  	[dreg:$0x7] =	wrdreg $0x9  }
0xbb: {  	_ =	task.clear_ibuf [dreg:s10], $0x8FFFF;
	_ =	strace $0x90000046  }
0xbc: {  	s29 =	simm.s32 $0x9;
	_ =	strace $0x80000048  }
0xbd: {  	_ =	swait.ge [sflag:s29], $0x1  }
0xbe: {  	[sflag:s29] =	ssyncadd.s32 $0xFFFFFFFF  }
0xbf: {  	_ =	strace $0x90000048  }
0xc0: {  	_ =	sfence  }
0xc1: {  	s30 =	sld [smem:$0x0];
	_ =	sdelay $0x2  }
0xc2: {  	s31 =	sshll.u32 s1, $0xD;
	s1 =	sshrl.u32 s1, $0x2  }
0xc3: {  	s3 =	sand.u32 $0x4000, s31;
	s1 =	sadd.s32 s1, s30  }
0xc4: {  	s0 =	sor.u32 s3, s0;
	s1 =	sshll.u32 s1, $0x11  }
0xc5: {  	s0 =	sor.u32 s1, s0  }
0xc6: {  	s0 =	sadd.s32 $0x8F2B, s0  }
0xc7: {  	[sflag:s0] =	ssyncadd.remote.s32 $0x1  }
0xc8: {  	_ =	sfence.sel $0xFFFF  }
0xc9: {  	[dreg:$0x0] =	wrdreg $0xFFFFFFFF;
	(pc) =	sbr.abs _section_cstart, $3  }
0xca: {  	[dreg:$0x1] =	wrdreg $0xFFFFFFFF  }
0xcb: {  	_ =	task.clear_ibuf [dreg:s10], $0x2FFFF;
	_ =	strace $0x9FFFFFFF  }
0xcc: {  	(tm) =	ssettm $0x7FFFFFFF  }
0xcd: {  	_ =	shalt  }
tec
execute0_lowered:
.L_overlay_start_1:
0x0: {  	(tag) =	ssettag $0x1  }
0x1: {  	s9 =	rddreg [dreg:$0x0]  }
0x2: {  	s16 =	rddreg [dreg:$0x1]  }
0x3: {  	s0 =	rddreg [dreg:$0x4]  }
0x4: {  	s2 =	simm.s32 $0x0;
	s1 =	srdreg.scid;
	s3 =	stileid.u32  }
0x5: {  	s31 =	simm.s32 $0x3;
	s30 =	simm.s32 $0x5;
	[smem:$0x7FF] =	sst s2  }
0x6: {  	s1 =	sand.u32 $0x1, s1;
	s3 =	sshll.u32 s3, $0x1;
	s7 =	sadd.s32 $0x2200, s0  }
0x7: {  	v45 =	vlaneseq.u32;
	vm0 =	vmmov $0xffff;
	s8 =	sadd.s32 $0x93400, s0;
	s10 =	sadd.s32 $0x100, s9;
	s11 =	sadd.s32 $0x200, s9  }
0x8: {  	v46 =	vimm.s32 $0x400;
	v47 =	vimm.s32 $0x401;
	s12 =	sadd.s32 $0x300, s9;
	s13 =	sadd.s32 $0x400, s9;
	s14 =	sadd.s32 $0x500, s9;
	v33 =	vshrl.u32 v45, $0x3  }
0x9: {  	s15 =	sadd.s32 $0x600, s9;
	s28 =	sadd.s32 $0x200, s16;
	s29 =	sadd.s32 $0x300, s16;
	v32 =	vand.u32 $0x7, v45;
	v34 =	vor.u32 $0x2000, v45;
	v35 =	vor.u32 $0x2080, v45  }
0xa: {  	v36 =	vor.u32 $0x2100, v45;
	v37 =	vor.u32 $0x2180, v45;
	v38 =	vor.u32 $0x2200, v45;
	_ =	strace $0x80000047;
	s17 =	ssub.s32 $0x2, s1;
	s1 =	sor.u32 s1, s3  }
0xb: {  	v39 =	vor.u32 $0x2280, v45;
	v40 =	vor.u32 $0x2300, v45;
	v41 =	vor.u32 $0x2380, v45;
	s4 =	sshrl.u32 s17, $0x1;
	s18 =	smul.u32 $0x9000, s1;
	p0 =	sne.s32 s1, $0x1F  }
0xc: {  	v43 =	vshrl.u32 v45, $0x1;
	v42 =	vand.u32 $0x1, v45;
	v44 =	vor.u32 $0x800, v45;
	s0 =	sshllo.u32 s1, $0x5;
	s2 =	ssub.s32 s17, s4;
	s17 =	sshll.u32 s1, $0x5  }
0xd: {  	v45 =	vor.u32 $0x880, v45;
	v33 =	vmul.u32 $0x8, v33;
	v25 =	vmov s0;
	s0 =	simm.s32 $0x7;
	s19 =	sor.u32 $0x1, s17;
	s20 =	sor.u32 $0x2, s17  }
0xe: {  	s5 =	sor.u32 $0x3, s17;
	s24 =	sor.u32 $0x4, s17;
	s6 =	sor.u32 $0x5, s17;
	v0 =	vmov s17;
	v1 =	vmov s19;
	v2 =	vmov s20  }
0xf: {  	s23 =	sor.u32 $0x8, s17;
	s25 =	sor.u32 $0x6, s17;
	s26 =	sor.u32 $0x7, s17;
	v3 =	vmov s5;
	v4 =	vmov s24;
	v5 =	vmov s6  }
0x10: {  	[dreg:$0x8] =	wrdreg s18;
	s18 =	sor.u32 $0x10, s17;
	s5 =	sor.u32 $0x9, s17;
	v6 =	vmov s25;
	v7 =	vmov s26;
	v0 =	vbroadcast v0, $0x0  }
0x11: {  	[dreg:$0x6] =	wrdreg s17;
	s21 =	sshrl.u32 s23, $0x3;
	s6 =	sor.u32 $0xA, s17;
	v8 =	vmov s23;
	v16 =	vmov s18;
	v9 =	vmov s5  }
0x12: {  	s22 =	sshrl.u32 s18, $0x3;
	s19 =	sshll.u32 s1, $0xF;
	s20 =	sor.u32 $0xB, s17;
	v10 =	vmov s6;
	v1 =	vbroadcast v1, $0x0;
	v2 =	vbroadcast v2, $0x0  }
0x13: {  	s24 =	sor.u32 $0xE, s17;
	s25 =	sor.u32 $0xF, s17;
	[dreg:$0x9] =	wrdreg s18;
	v11 =	vmov s20;
	v3 =	vbroadcast v3, $0x0;
	v4 =	vbroadcast v4, $0x0  }
0x14: {  	s3 =	sshll.u32 s23, $0xA;
	[dreg:$0x7] =	wrdreg s23;
	s4 =	smul.u32 $0x2400, s21;
	v14 =	vmov s24;
	v5 =	vbroadcast v5, $0x0;
	v6 =	vbroadcast v6, $0x0  }
0x15: {  	[dreg:$0xc] =	wrdreg s19;
	s21 =	sor.u32 $0xC, s17;
	v15 =	vmov s25;
	s20 =	sor.u32 $0x11, s17;
	v7 =	vbroadcast v7, $0x0;
	v8 =	vbroadcast v8, $0x0  }
0x16: {  	s19 =	sor.u32 $0x18, s17;
	s24 =	sor.u32 $0x14, s17;
	s25 =	smax.u32 s2, $0x1;
	v16 =	vbroadcast v16, $0x0;
	v12 =	vmov s21;
	v17 =	vmov s20  }
0x17: {  	s2 =	sor.u32 $0x16, s17;
	[dreg:$0x10] =	wrdreg s3;
	s5 =	sshll.u32 s18, $0xA;
	v20 =	vmov s24;
	v9 =	vbroadcast v9, $0x0;
	v10 =	vbroadcast v10, $0x0  }
0x18: {  	s18 =	simm.s32 $0x15C80;
	s26 =	sshrl.u32 s19, $0x3;
	s21 =	sor.u32 $0x12, s17;
	v22 =	vmov s2;
	v11 =	vbroadcast v11, $0x0;
	v14 =	vbroadcast v14, $0x0  }
0x19: {  	[dreg:$0xf] =	wrdreg s25;
	s25 =	sadd.s32 $0x700, s9;
	s9 =	sor.u32 $0x1A, s17;
	v15 =	vbroadcast v15, $0x0;
	v24 =	vmov s19;
	v18 =	vmov s21  }
0x1a: {  	s20 =	sor.u32 $0x1C, s17;
	[dreg:$0xa] =	wrdreg s4;
	s4 =	smul.u32 $0x2400, s22;
	v27 =	vmov s9;
	v12 =	vbroadcast v12, $0x0;
	v17 =	vbroadcast v17, $0x0  }
0x1b: {  	s22 =	sor.u32 $0xD, s17;
	s6 =	smul.u32 $0x2400, s26;
	s26 =	sor.u32 $0x15, s17;
	v29 =	vmov s20;
	v20 =	vbroadcast v20, $0x0;
	v22 =	vbroadcast v22, $0x0  }
0x1c: {  	[dreg:$0x11] =	wrdreg s5;
	s24 =	sshll.u32 s19, $0xA;
	s21 =	sor.u32 $0x1D, s17;
	v24 =	vbroadcast v24, $0x0;
	v13 =	vmov s22;
	v21 =	vmov s26  }
0x1d: {  	[dreg:$0xd] =	wrdreg s19;
	s22 =	sor.u32 $0x13, s17;
	s26 =	sadd.s32 $0x100, s16;
	v18 =	vbroadcast v18, $0x0;
	v30 =	vmov s21;
	v27 =	vbroadcast v27, $0x0  }
.Ltmp0:
0x1e: {  	s16 =	sor.u32 $0x1B, s17;
	v29 =	vbroadcast v29, $0x0;
	[dreg:$0xb] =	wrdreg s4;
	v19 =	vmov s22;
	v13 =	vbroadcast v13, $0x0;
	(pc) =	sbr.rel .LBB2_1-.Ltmp0, $4  }
0x1f: {  	[dreg:$0xe] =	wrdreg s6;
	s4 =	sor.u32 $0x17, s17;
	s6 =	sor.u32 $0x19, s17;
	v28 =	vmov s16;
	v21 =	vbroadcast v21, $0x0;
	v30 =	vbroadcast v30, $0x0  }
0x20: {  	s19 =	simm.s32 $0x5480;
	s2 =	simm.s32 $0x0;
	s22 =	sor.u32 $0x1E, s17;
	v23 =	vmov s4;
	v26 =	vmov s6;
	v19 =	vbroadcast v19, $0x0  }
0x21: {  	[dreg:$0x12] =	wrdreg s24;
	s24 =	simm.s32 $0x1;
	s20 =	simm.s32 $0xB880;
	v31 =	vmov s22;
	v28 =	vbroadcast v28, $0x0;
	v23 =	vbroadcast v23, $0x0  }
0x22: {  	v43 =	vmul.u32 $0x8, v43;
	s17 =	simm.s32 $0x9480;
	s4 =	simm.s32 $0xC80;
	s6 =	simm.s32 $0x1480;
	v26 =	vbroadcast v26, $0x0;
	v31 =	vbroadcast v31, $0x0  }
.LBB2_27:
0x23: {  	s2 =	rddreg [dreg:$0x13]  }
0x24: {  	s1 =	rddreg [dreg:$0xf];
	s2 =	sadd.s32 $0x1, s2  }
0x25: {  	p1 =	sne.s32 s2, s1  }
.Ltmp1:
0x26: {  	_ = 	snop;
	(pc) =	sbr.rel @!p1 .LBB2_28-.Ltmp1, $1  }
0x27: {  	_ =	sdelay $0x3  }
.LBB2_1:
.Ltmp2:
0x28: {  	(pc) =	sbr.rel .LBB2_2-.Ltmp2, $2  }
0x29: {  	_ =	sdelay $0x2  }
0x2a: {  	[dreg:$0x13] =	wrdreg s2;
	s9 =	simm.s32 $0x0  }
.LBB2_26:
0x2b: {  	s9 =	sadd.s32 $0x1, s9  }
0x2c: {  	p1 =	sne.s32 s9, $0x4  }
.Ltmp3:
0x2d: {  	_ = 	snop;
	(pc) =	sbr.rel @!p1 .LBB2_27-.Ltmp3, $2  }
0x2e: {  	_ =	sdelay $0x2  }
0x2f: {  	s23 =	rddreg [dreg:$0x7]  }
.LBB2_2:
0x30: {  	s1 =	sshll.u32 s9, $0x4  }
0x31: {  	s2 =	rddreg [dreg:$0x2];
	s3 =	simm.s32 $0x0;
	s5 =	simm.s32 $0x80  }
0x32: {  	s16 =	simm.s32 $0x200;
	s22 =	simm.s32 $0x9;
	s2 =	sadd.s32 s2, s1  }
0x33: {  	[tilespmem:s3], [sflag:$0x9] =	stream.strided.gather [hbm4b:s2+s5], $0x800, s16, s5, $0x38;
	[tilespmem:$0x18580] =	vst v63  }
0x34: {  	_ =	swait.ge [sflag:s22], $0x800  }
0x35: {  	[sflag:s22] =	ssyncset.done $0x0  }
0x36: {  	[sflag:s22] =	ssyncadd.s32 $0xFFFFF800  }
0x37: {  	s21 =	rddreg [dreg:$0x3]  }
0x38: {  	s1 =	sadd.s32 s21, s1  }
0x39: {  	[tilespmem:s4], [sflag:$0x9] =	stream.strided.gather [hbm4b:s1+s5], $0x800, s16, s5, $0x38;
	[tilespmem:$0x18580] =	vst v63  }
0x3a: {  	_ =	swait.ge [sflag:s22], $0x800  }
0x3b: {  	[sflag:s22] =	ssyncset.done $0x0  }
0x3c: {  	s1 =	simm.s32 $0x0;
	[sflag:s22] =	ssyncadd.s32 $0xFFFFF800;
	s22 =	sshll.u32 s9, $0xB  }
0x3d: {  	s2 =	simm.s32 $0x40;
	v48 =	vmov s22;
	v49 =	vld [tilespmem:s1+$0x0]  }
.LBB2_3:
0x3e: {  	p1 =	sne.s32 s2, $0x1000  }
.Ltmp4:
0x3f: {  	_ = 	snop;
	(pc) =	sbr.rel @p1 .LBB2_3-.Ltmp4, $3  }
0x40: {  	_ =	sdelay $0x1  }
0x41: {  	s3 =	sshra.s32 s2, $0x2;
	s2 =	sadd.s32 $0x40, s2;
	v50 =	vsub.s32 v49, v48  }
0x42: {  	v49 =	vld [tilespmem:s3+$0x0];
	[tilespmem:s1+$0x800] =	vst v50;
	s1 =	smov.u32 s3  }
0x43: {  	_ =	sdelay $0x3  }
0x44: {  	v48 =	vsub.s32 v49, v48  }
0x45: {  	s3 =	rddreg [dreg:$0x6];
	[tilespmem:s1+$0x800] =	vst v48  }
0x46: {  	v48 =	vld.msk [tilespmem:s3+$0x0], $0xff;
	_ =	sdelay $0x4  }
0x47: {  	v54 =	vshll.u32 v48, $0x4  }
0x48: {  	v48 =	vand.u32 $0x7, v48;
	v49 =	vand.u32 $0xFFFFFF80, v54  }
0x49: {  	v48 =	vor.u32 v48, v49  }
0x4a: {  	v48 =	vperm.xlane v48, v32;
	_ =	sdelay $0x1  }
0x4b: {  	v48 =	vadd.s32 v33, v48;
	_ =	sdelay $0x3  }
0x4c: {  	s2 =	simm.s32 $0x0;
	s1 =	rddreg [dreg:$0x0]  }
0x4d: {  	[tilespmem:s6], [sflag:$0x1] =	stream.indirect_vreg.gather [hbm4b:s1+s2], $0x80, v48, vm0, $0xb8;
	[tilespmem:$0x18580] =	vst v63  }
0x4e: {  	s5 =	simm.s32 $0x1C80  }
0x4f: {  	[tilespmem:s5], [sflag:$0x1] =	stream.indirect_vreg.gather [hbm4b:s10+s2], $0x80, v48, vm0, $0xb8;
	[tilespmem:$0x18580] =	vst v63  }
0x50: {  	s21 =	simm.s32 $0x2480  }
0x51: {  	[tilespmem:s21], [sflag:$0x1] =	stream.indirect_vreg.gather [hbm4b:s11+s2], $0x80, v48, vm0, $0xb8;
	[tilespmem:$0x18580] =	vst v63  }
0x52: {  	s22 =	simm.s32 $0x2C80  }
0x53: {  	[tilespmem:s22], [sflag:$0x1] =	stream.indirect_vreg.gather [hbm4b:s12+s2], $0x80, v48, vm0, $0xb8;
	[tilespmem:$0x18580] =	vst v63  }
0x54: {  	s16 =	simm.s32 $0x3480  }
0x55: {  	[tilespmem:s16], [sflag:$0x1] =	stream.indirect_vreg.gather [hbm4b:s13+s2], $0x80, v48, vm0, $0xb8;
	[tilespmem:$0x18580] =	vst v63  }
0x56: {  	s21 =	simm.s32 $0x3C80  }
0x57: {  	[tilespmem:s21], [sflag:$0x1] =	stream.indirect_vreg.gather [hbm4b:s14+s2], $0x80, v48, vm0, $0xb8;
	[tilespmem:$0x18580] =	vst v63  }
0x58: {  	s22 =	simm.s32 $0x4480  }
0x59: {  	[tilespmem:s22], [sflag:$0x1] =	stream.indirect_vreg.gather [hbm4b:s15+s2], $0x80, v48, vm0, $0xb8;
	[tilespmem:$0x18580] =	vst v63  }
0x5a: {  	s16 =	simm.s32 $0x4C80  }
0x5b: {  	[tilespmem:s16], [sflag:$0x1] =	stream.indirect_vreg.gather [hbm4b:s25+s2], $0x80, v48, vm0, $0xb8;
	[tilespmem:$0x18580] =	vst v63  }
0x5c: {  	v48 =	vld.msk [tilespmem:s3+$0x0], $0xff;
	_ =	sdelay $0x4  }
0x5d: {  	v55 =	vshll.u32 v48, $0x3  }
0x5e: {  	v48 =	vand.u32 $0x7, v48;
	v49 =	vand.u32 $0xFFFFFFC0, v55  }
0x5f: {  	v48 =	vor.u32 v48, v49  }
0x60: {  	v48 =	vperm.xlane v48, v32;
	_ =	sdelay $0x1  }
0x61: {  	v48 =	vadd.s32 v33, v48;
	_ =	sdelay $0x3  }
0x62: {  	s21 =	rddreg [dreg:$0x1];
	s22 =	simm.s32 $0xDC80  }
0x63: {  	[tilespmem:s22], [sflag:$0x3] =	stream.indirect_vreg.gather [hbm4b:s21+s2], $0x80, v48, vm0, $0xb8;
	[tilespmem:$0x18580] =	vst v63  }
0x64: {  	s16 =	simm.s32 $0xE480  }
0x65: {  	[tilespmem:s16], [sflag:$0x3] =	stream.indirect_vreg.gather [hbm4b:s26+s2], $0x80, v48, vm0, $0xb8;
	[tilespmem:$0x18580] =	vst v63  }
0x66: {  	s21 =	simm.s32 $0xEC80  }
0x67: {  	[tilespmem:s21], [sflag:$0x3] =	stream.indirect_vreg.gather [hbm4b:s28+s2], $0x80, v48, vm0, $0xb8;
	[tilespmem:$0x18580] =	vst v63  }
0x68: {  	s22 =	simm.s32 $0xF480  }
0x69: {  	[tilespmem:s22], [sflag:$0x3] =	stream.indirect_vreg.gather [hbm4b:s29+s2], $0x80, v48, vm0, $0xb8;
	[tilespmem:$0x18580] =	vst v63  }
0x6a: {  	v48 =	vld.msk [tilespmem:s23+$0x0], $0xff;
	_ =	sdelay $0x4  }
0x6b: {  	v56 =	vshll.u32 v48, $0x4  }
0x6c: {  	v48 =	vand.u32 $0x7, v48;
	v49 =	vand.u32 $0xFFFFFF80, v56  }
0x6d: {  	v48 =	vor.u32 v48, v49  }
0x6e: {  	v48 =	vperm.xlane v48, v32;
	_ =	sdelay $0x1  }
0x6f: {  	v48 =	vadd.s32 v33, v48;
	_ =	sdelay $0x4  }
0x70: {  	[tilespmem:s19], [sflag:$0x2] =	stream.indirect_vreg.gather [hbm4b:s1+s2], $0x80, v48, vm0, $0xb8;
	[tilespmem:$0x18580] =	vst v63  }
0x71: {  	s3 =	simm.s32 $0x5C80  }
0x72: {  	[tilespmem:s3], [sflag:$0x2] =	stream.indirect_vreg.gather [hbm4b:s10+s2], $0x80, v48, vm0, $0xb8;
	[tilespmem:$0x18580] =	vst v63  }
0x73: {  	s5 =	simm.s32 $0x6480  }
0x74: {  	[tilespmem:s5], [sflag:$0x2] =	stream.indirect_vreg.gather [hbm4b:s11+s2], $0x80, v48, vm0, $0xb8;
	[tilespmem:$0x18580] =	vst v63  }
0x75: {  	s16 =	simm.s32 $0x6C80  }
0x76: {  	[tilespmem:s16], [sflag:$0x2] =	stream.indirect_vreg.gather [hbm4b:s12+s2], $0x80, v48, vm0, $0xb8;
	[tilespmem:$0x18580] =	vst v63  }
0x77: {  	s21 =	simm.s32 $0x7480  }
0x78: {  	[tilespmem:s21], [sflag:$0x2] =	stream.indirect_vreg.gather [hbm4b:s13+s2], $0x80, v48, vm0, $0xb8;
	[tilespmem:$0x18580] =	vst v63  }
0x79: {  	s22 =	simm.s32 $0x7C80  }
0x7a: {  	[tilespmem:s22], [sflag:$0x2] =	stream.indirect_vreg.gather [hbm4b:s14+s2], $0x80, v48, vm0, $0xb8;
	[tilespmem:$0x18580] =	vst v63  }
0x7b: {  	s3 =	simm.s32 $0x8480  }
0x7c: {  	[tilespmem:s3], [sflag:$0x2] =	stream.indirect_vreg.gather [hbm4b:s15+s2], $0x80, v48, vm0, $0xb8;
	[tilespmem:$0x18580] =	vst v63  }
0x7d: {  	s5 =	simm.s32 $0x8C80  }
0x7e: {  	[tilespmem:s5], [sflag:$0x2] =	stream.indirect_vreg.gather [hbm4b:s25+s2], $0x80, v48, vm0, $0xb8;
	[tilespmem:$0x18580] =	vst v63  }
0x7f: {  	_ =	swait.ge [sflag:s24], $0x4000  }
0x80: {  	[sflag:s24] =	ssyncset.done $0x0  }
0x81: {  	s1 =	simm.s32 $0x800;
	[sflag:s24] =	ssyncadd.s32 $0xFFFFC000  }
0x82: {  	v57 =	vld [tilespmem:s1+$0x0];
	_ =	sdelay $0x4  }
0x83: {  	v58 =	vshll.u32 v57, $0x3  }
0x84: {  	v48 =	vand.u32 $0x7F, v57;
	v49 =	vand.u32 $0xFFFFFC00, v58  }
0x85: {  	v48 =	vor.u32 v48, v49;
	_ =	sdelay $0x4  }
0x86: {  	v49 =	vld.idx.msk [tilespmem:v48+s6+$0x0], $0xffff  }
0x87: {  	v50 =	vor.u32 $0x80, v48;
	_ =	sdelay $0x1  }
0x88: {  	s16 =	sand.u32 $0x70, s2;
	s21 =	sand.u32 $0x1C00, s2  }
0x89: {  	s3 =	sor.u32 s16, s21  }
0x8a: {  	[tilespmem:s3+$0x9480] =	vst v49  }
0x8b: {  	v49 =	vld.idx.msk [tilespmem:v50+s6+$0x0], $0xffff  }
0x8c: {  	v59 =	vor.u32 $0x100, v48;
	_ =	sdelay $0x3  }
0x8d: {  	[tilespmem:s3+$0x9500] =	vst v49  }
0x8e: {  	v49 =	vld.idx.msk [tilespmem:v59+s6+$0x0], $0xffff  }
0x8f: {  	v60 =	vor.u32 $0x180, v48;
	_ =	sdelay $0x3  }
0x90: {  	[tilespmem:s3+$0x9580] =	vst v49  }
0x91: {  	v49 =	vld.idx.msk [tilespmem:v60+s6+$0x0], $0xffff  }
0x92: {  	v61 =	vor.u32 $0x200, v48;
	_ =	sdelay $0x3  }
0x93: {  	[tilespmem:s3+$0x9600] =	vst v49  }
0x94: {  	v49 =	vld.idx.msk [tilespmem:v61+s6+$0x0], $0xffff  }
0x95: {  	v62 =	vor.u32 $0x280, v48;
	_ =	sdelay $0x3  }
0x96: {  	[tilespmem:s3+$0x9680] =	vst v49  }
0x97: {  	v49 =	vld.idx.msk [tilespmem:v62+s6+$0x0], $0xffff  }
0x98: {  	v63 =	vor.u32 $0x300, v48;
	_ =	sdelay $0x3  }
0x99: {  	[tilespmem:s3+$0x9700] =	vst v49  }
0x9a: {  	v49 =	vld.idx.msk [tilespmem:v63+s6+$0x0], $0xffff  }
0x9b: {  	v48 =	vor.u32 $0x380, v48;
	_ =	sdelay $0x3  }
0x9c: {  	[tilespmem:s3+$0x9780] =	vst v49  }
0x9d: {  	v48 =	vld.idx.msk [tilespmem:v48+s6+$0x0], $0xffff;
	_ =	sdelay $0x2  }
0x9e: {  	s22 =	sor.u32 s2, s2  }
0x9f: {  	s5 =	sor.u32 $0x380, s22;
	s3 =	simm.s32 $0x10  }
.LBB2_5:
0xa0: {  	p1 =	sne.s32 s3, $0x3F0;
	[tilespmem:s5+$0x9480] =	vst v48;
	s2 =	sadd.s32 $0x80, s2;
	s1 =	sadd.s32 $0x10, s1  }
0xa1: {  	s5 =	smov.u32 s3;
	s3 =	sadd.s32 $0x10, s3;
	v48 =	vld [tilespmem:s1+$0x0];
	_ =	sdelay $0x4  }
0xa2: {  	v49 =	vshll.u32 v48, $0x3  }
0xa3: {  	v48 =	vand.u32 $0x7F, v48;
	v49 =	vand.u32 $0xFFFFFC00, v49  }
0xa4: {  	v48 =	vor.u32 v48, v49;
	_ =	sdelay $0x4  }
0xa5: {  	v49 =	vld.idx.msk [tilespmem:v48+s6+$0x0], $0xffff;
	_ =	sdelay $0x1  }
0xa6: {  	v50 =	vor.u32 $0x80, v48;
	_ =	sdelay $0x1  }
0xa7: {  	s21 =	sand.u32 $0x70, s5;
	s22 =	sand.u32 $0x1C00, s2  }
0xa8: {  	s21 =	sor.u32 s21, s22  }
0xa9: {  	[tilespmem:s21+$0x9480] =	vst v49  }
0xaa: {  	v49 =	vld.idx.msk [tilespmem:v50+s6+$0x0], $0xffff;
	_ =	sdelay $0x1  }
0xab: {  	v50 =	vor.u32 $0x100, v48;
	_ =	sdelay $0x3  }
0xac: {  	[tilespmem:s21+$0x9500] =	vst v49  }
0xad: {  	v49 =	vld.idx.msk [tilespmem:v50+s6+$0x0], $0xffff;
	_ =	sdelay $0x1  }
0xae: {  	v50 =	vor.u32 $0x180, v48;
	_ =	sdelay $0x3  }
0xaf: {  	[tilespmem:s21+$0x9580] =	vst v49  }
0xb0: {  	v49 =	vld.idx.msk [tilespmem:v50+s6+$0x0], $0xffff;
	_ =	sdelay $0x1  }
0xb1: {  	v50 =	vor.u32 $0x200, v48;
	_ =	sdelay $0x3  }
0xb2: {  	[tilespmem:s21+$0x9600] =	vst v49  }
0xb3: {  	v49 =	vld.idx.msk [tilespmem:v50+s6+$0x0], $0xffff;
	_ =	sdelay $0x1  }
0xb4: {  	v50 =	vor.u32 $0x280, v48;
	_ =	sdelay $0x3  }
0xb5: {  	[tilespmem:s21+$0x9680] =	vst v49  }
0xb6: {  	v49 =	vld.idx.msk [tilespmem:v50+s6+$0x0], $0xffff;
	_ =	sdelay $0x1  }
0xb7: {  	v50 =	vor.u32 $0x300, v48;
	_ =	sdelay $0x3  }
0xb8: {  	[tilespmem:s21+$0x9700] =	vst v49  }
0xb9: {  	v49 =	vld.idx.msk [tilespmem:v50+s6+$0x0], $0xffff;
	_ =	sdelay $0x1  }
0xba: {  	v48 =	vor.u32 $0x380, v48;
	_ =	sdelay $0x3  }
0xbb: {  	[tilespmem:s21+$0x9780] =	vst v49  }
0xbc: {  	v48 =	vld.idx.msk [tilespmem:v48+s6+$0x0], $0xffff  }
.Ltmp5:
0xbd: {  	(pc) =	sbr.rel @p1 .LBB2_5-.Ltmp5, $3  }
0xbe: {  	_ =	sdelay $0x1  }
0xbf: {  	s5 =	sor.u32 s2, s5  }
0xc0: {  	s5 =	sor.u32 $0x380, s5  }
0xc1: {  	[tilespmem:s5+$0x9480] =	vst v48  }
0xc2: {  	v48 =	vld [tilespmem:$0xC00];
	_ =	sdelay $0x4  }
0xc3: {  	v49 =	vshll.u32 v48, $0x3  }
0xc4: {  	v48 =	vand.u32 $0x7F, v48;
	v49 =	vand.u32 $0xFFFFFC00, v49  }
0xc5: {  	v48 =	vor.u32 v48, v49;
	_ =	sdelay $0x4  }
0xc6: {  	v49 =	vld.idx.msk [tilespmem:v48+s6+$0x0], $0xffff  }
0xc7: {  	v50 =	vor.u32 $0x80, v48;
	_ =	sdelay $0x3  }
0xc8: {  	[tilespmem:v34+s17+$0x0] =	vst.idx.msk $0x3, v49  }
0xc9: {  	v49 =	vld.idx.msk [tilespmem:v50+s6+$0x0], $0xffff  }
0xca: {  	v58 =	vor.u32 $0x100, v48;
	_ =	sdelay $0x3  }
0xcb: {  	[tilespmem:v35+s17+$0x0] =	vst.idx.msk $0x3, v49  }
0xcc: {  	v49 =	vld.idx.msk [tilespmem:v58+s6+$0x0], $0xffff  }
0xcd: {  	v59 =	vor.u32 $0x180, v48;
	_ =	sdelay $0x3  }
0xce: {  	[tilespmem:v36+s17+$0x0] =	vst.idx.msk $0x3, v49  }
0xcf: {  	v49 =	vld.idx.msk [tilespmem:v59+s6+$0x0], $0xffff  }
0xd0: {  	v60 =	vor.u32 $0x200, v48;
	_ =	sdelay $0x3  }
0xd1: {  	[tilespmem:v37+s17+$0x0] =	vst.idx.msk $0x3, v49  }
0xd2: {  	v49 =	vld.idx.msk [tilespmem:v60+s6+$0x0], $0xffff  }
0xd3: {  	v61 =	vor.u32 $0x280, v48;
	_ =	sdelay $0x3  }
0xd4: {  	[tilespmem:v38+s17+$0x0] =	vst.idx.msk $0x3, v49  }
0xd5: {  	v49 =	vld.idx.msk [tilespmem:v61+s6+$0x0], $0xffff  }
0xd6: {  	v62 =	vor.u32 $0x300, v48;
	_ =	sdelay $0x3  }
0xd7: {  	[tilespmem:v39+s17+$0x0] =	vst.idx.msk $0x3, v49  }
0xd8: {  	v49 =	vld.idx.msk [tilespmem:v62+s6+$0x0], $0xffff  }
0xd9: {  	v48 =	vor.u32 $0x380, v48;
	_ =	sdelay $0x3  }
0xda: {  	[tilespmem:v40+s17+$0x0] =	vst.idx.msk $0x3, v49  }
0xdb: {  	v48 =	vld.idx.msk [tilespmem:v48+s6+$0x0], $0xffff  }
0xdc: {  	s22 =	smul.u32 $0x122400, s9  }
0xdd: {  	s1 =	rddreg [dreg:$0x8]  }
0xde: {  	s1 =	sadd.s32 s1, s22  }
0xdf: {  	s1 =	sshrl.u32 s1, $0x3  }
0xe0: {  	s2 =	sadd.s32 s7, s1;
	s1 =	simm.s32 $0x0;
	[tilespmem:v41+s17+$0x0] =	vst.idx.msk $0x3, v48  }
0xe1: {  	[hbm4b:s2+s1] =	stream.linear.scatter [tilespmem:s17], [sflag:$0x5], $0x2400, $0x38;
	[tilespmem:$0x18580] =	vst v63  }
0xe2: {  	v48 =	vld.msk [tilespmem:s23+$0x0], $0xff;
	_ =	sdelay $0x4  }
0xe3: {  	v63 =	vshll.u32 v48, $0x3  }
0xe4: {  	v48 =	vand.u32 $0x7, v48;
	v49 =	vand.u32 $0xFFFFFFC0, v63  }
0xe5: {  	v48 =	vor.u32 v48, v49  }
0xe6: {  	v48 =	vperm.xlane v48, v32;
	_ =	sdelay $0x1  }
0xe7: {  	v48 =	vadd.s32 v33, v48;
	_ =	sdelay $0x3  }
0xe8: {  	s3 =	simm.s32 $0xFC80;
	s23 =	rddreg [dreg:$0x1]  }
0xe9: {  	[tilespmem:s3], [sflag:$0x4] =	stream.indirect_vreg.gather [hbm4b:s23+s1], $0x80, v48, vm0, $0xb8;
	[tilespmem:$0x18580] =	vst v63  }
0xea: {  	s3 =	simm.s32 $0x10480  }
0xeb: {  	[tilespmem:s3], [sflag:$0x4] =	stream.indirect_vreg.gather [hbm4b:s26+s1], $0x80, v48, vm0, $0xb8;
	[tilespmem:$0x18580] =	vst v63  }
0xec: {  	s5 =	simm.s32 $0x10C80  }
0xed: {  	[tilespmem:s5], [sflag:$0x4] =	stream.indirect_vreg.gather [hbm4b:s28+s1], $0x80, v48, vm0, $0xb8;
	[tilespmem:$0x18580] =	vst v63  }
0xee: {  	s16 =	simm.s32 $0x11480  }
0xef: {  	[tilespmem:s16], [sflag:$0x4] =	stream.indirect_vreg.gather [hbm4b:s29+s1], $0x80, v48, vm0, $0xb8;
	[tilespmem:$0x18580] =	vst v63  }
0xf0: {  	_ =	swait.ge [sflag:s31], $0x2000  }
0xf1: {  	[sflag:s31] =	ssyncset.done $0x0  }
0xf2: {  	[sflag:s31] =	ssyncadd.s32 $0xFFFFE000  }
0xf3: {  	v55 =	vld.idx.msk [tilespmem:v0+s4+$0x0], $0xffff  }
0xf4: {  	v54 =	vld.idx.msk [tilespmem:v1+s4+$0x0], $0xffff  }
0xf5: {  	v53 =	vld.idx.msk [tilespmem:v2+s4+$0x0], $0xffff  }
0xf6: {  	v52 =	vld.idx.msk [tilespmem:v3+s4+$0x0], $0xffff  }
0xf7: {  	v51 =	vld.idx.msk [tilespmem:v4+s4+$0x0], $0xffff  }
0xf8: {  	v50 =	vld.idx.msk [tilespmem:v5+s4+$0x0], $0xffff  }
0xf9: {  	s21 =	sand.u32 $0x70, s1;
	s23 =	sand.u32 $0x1C00, s1;
	v49 =	vld.idx.msk [tilespmem:v6+s4+$0x0], $0xffff  }
0xfa: {  	s3 =	sor.u32 s21, s23;
	v48 =	vld.idx.msk [tilespmem:v7+s4+$0x0], $0xffff  }
0xfb: {  	v60 =	vld [tilespmem:s3+$0xDC80]  }
0xfc: {  	v59 =	vld [tilespmem:s3+$0xDD00]  }
0xfd: {  	v58 =	vld [tilespmem:s3+$0xDD80]  }
0xfe: {  	v57 =	vld [tilespmem:s3+$0xDE00]  }
0xff: {  	s2 =	simm.s32 $0x0;
	s5 =	simm.s32 $0x10;
	v56 =	vld [tilespmem:s3+$0xDE80]  }
.LBB2_7:
0x100: {  	p1 =	sne.s32 s5, $0x3F0;
	v60 =	vmul.f32 v60, v55;
	v61 =	vld [tilespmem:s3+$0xDF00]  }
0x101: {  	v59 =	vmul.f32 v59, v54;
	v62 =	vld [tilespmem:s3+$0xDF80]  }
0x102: {  	[tilespmem:s3+$0x11C80] =	vst v60;
	v58 =	vmul.f32 v58, v53  }
0x103: {  	[tilespmem:s3+$0x11D00] =	vst v59;
	v57 =	vmul.f32 v57, v52  }
0x104: {  	[tilespmem:s3+$0x11D80] =	vst v58;
	v56 =	vmul.f32 v56, v51  }
0x105: {  	[tilespmem:s3+$0x11E00] =	vst v57;
	v57 =	vmul.f32 v61, v50  }
0x106: {  	[tilespmem:s3+$0x11E80] =	vst v56;
	v56 =	vmul.f32 v62, v49  }
0x107: {  	s21 =	sor.u32 s2, s1;
	s1 =	smov.u32 s5;
	[tilespmem:s3+$0x11F00] =	vst v57  }
0x108: {  	s21 =	sor.u32 $0x380, s21;
	[tilespmem:s3+$0x11F80] =	vst v56  }
0x109: {  	v56 =	vld [tilespmem:s21+$0xDC80];
	_ =	sdelay $0x4  }
0x10a: {  	s2 =	sadd.s32 $0x80, s2;
	v56 =	vmul.f32 v56, v48  }
0x10b: {  	s23 =	sand.u32 $0x1C00, s2;
	s3 =	sand.u32 $0x70, s5  }
0x10c: {  	s3 =	sor.u32 s3, s23;
	[tilespmem:s21+$0x11C80] =	vst v56  }
.Ltmp6:
0x10d: {  	v60 =	vld [tilespmem:s3+$0xDC80];
	(pc) =	sbr.rel @p1 .LBB2_7-.Ltmp6, $4  }
0x10e: {  	v59 =	vld [tilespmem:s3+$0xDD00]  }
0x10f: {  	v58 =	vld [tilespmem:s3+$0xDD80]  }
0x110: {  	v57 =	vld [tilespmem:s3+$0xDE00]  }
0x111: {  	s5 =	sadd.s32 $0x10, s5;
	v56 =	vld [tilespmem:s3+$0xDE80]  }
0x112: {  	v55 =	vmul.f32 v60, v55;
	v60 =	vld [tilespmem:s3+$0xDF00]  }
0x113: {  	v63 =	vld [tilespmem:s3+$0xDF80];
	v54 =	vmul.f32 v59, v54  }
0x114: {  	[tilespmem:s3+$0x11C80] =	vst v55;
	v53 =	vmul.f32 v58, v53  }
0x115: {  	[tilespmem:s3+$0x11D00] =	vst v54;
	v52 =	vmul.f32 v57, v52  }
0x116: {  	[tilespmem:s3+$0x11D80] =	vst v53;
	v51 =	vmul.f32 v56, v51  }
0x117: {  	[tilespmem:s3+$0x11E00] =	vst v52;
	v50 =	vmul.f32 v60, v50  }
0x118: {  	v49 =	vmul.f32 v63, v49;
	[tilespmem:s3+$0x11E80] =	vst v51  }
0x119: {  	s1 =	sor.u32 s2, s1;
	[tilespmem:s3+$0x11F00] =	vst v50  }
0x11a: {  	s1 =	sor.u32 $0x380, s1;
	[tilespmem:s3+$0x11F80] =	vst v49  }
0x11b: {  	v49 =	vld [tilespmem:s1+$0xDC80];
	_ =	sdelay $0x2  }
0x11c: {  	s2 =	smul.u32 $0x102000, s9  }
0x11d: {  	s21 =	rddreg [dreg:$0xc]  }
0x11e: {  	s3 =	sadd.s32 s21, s2;
	v48 =	vmul.f32 v49, v48  }
0x11f: {  	s5 =	simm.s32 $0x11C80;
	s3 =	sshrl.u32 s3, $0x3  }
0x120: {  	s23 =	rddreg [dreg:$0x9];
	s3 =	sadd.s32 s8, s3;
	[tilespmem:s1+$0x11C80] =	vst v48;
	s1 =	simm.s32 $0x0  }
0x121: {  	[hbm4b:s3+s1] =	stream.linear.scatter [tilespmem:s5], [sflag:$0x7], $0x2000, $0x38;
	[tilespmem:$0x18580] =	vst v63  }
0x122: {  	v48 =	vld.msk [tilespmem:s23+$0x0], $0xff;
	_ =	sdelay $0x4  }
0x123: {  	v55 =	vshll.u32 v48, $0x4  }
0x124: {  	v48 =	vand.u32 $0x7, v48;
	v49 =	vand.u32 $0xFFFFFF80, v55  }
0x125: {  	v48 =	vor.u32 v48, v49  }
0x126: {  	v48 =	vperm.xlane v48, v32;
	_ =	sdelay $0x1  }
0x127: {  	v48 =	vadd.s32 v33, v48;
	_ =	sdelay $0x3  }
0x128: {  	s5 =	rddreg [dreg:$0x0]  }
0x129: {  	[tilespmem:s6], [sflag:$0x1] =	stream.indirect_vreg.gather [hbm4b:s5+s1], $0x80, v48, vm0, $0xb8;
	[tilespmem:$0x18580] =	vst v63  }
0x12a: {  	s16 =	simm.s32 $0x1C80  }
0x12b: {  	[tilespmem:s16], [sflag:$0x1] =	stream.indirect_vreg.gather [hbm4b:s10+s1], $0x80, v48, vm0, $0xb8;
	[tilespmem:$0x18580] =	vst v63  }
0x12c: {  	s21 =	simm.s32 $0x2480  }
0x12d: {  	[tilespmem:s21], [sflag:$0x1] =	stream.indirect_vreg.gather [hbm4b:s11+s1], $0x80, v48, vm0, $0xb8;
	[tilespmem:$0x18580] =	vst v63  }
0x12e: {  	s23 =	simm.s32 $0x2C80  }
0x12f: {  	[tilespmem:s23], [sflag:$0x1] =	stream.indirect_vreg.gather [hbm4b:s12+s1], $0x80, v48, vm0, $0xb8;
	[tilespmem:$0x18580] =	vst v63  }
0x130: {  	s5 =	simm.s32 $0x3480  }
0x131: {  	[tilespmem:s5], [sflag:$0x1] =	stream.indirect_vreg.gather [hbm4b:s13+s1], $0x80, v48, vm0, $0xb8;
	[tilespmem:$0x18580] =	vst v63  }
0x132: {  	s16 =	simm.s32 $0x3C80  }
0x133: {  	[tilespmem:s16], [sflag:$0x1] =	stream.indirect_vreg.gather [hbm4b:s14+s1], $0x80, v48, vm0, $0xb8;
	[tilespmem:$0x18580] =	vst v63  }
0x134: {  	s21 =	simm.s32 $0x4480  }
0x135: {  	[tilespmem:s21], [sflag:$0x1] =	stream.indirect_vreg.gather [hbm4b:s15+s1], $0x80, v48, vm0, $0xb8;
	[tilespmem:$0x18580] =	vst v63  }
0x136: {  	s23 =	simm.s32 $0x4C80;
	s5 =	simm.s32 $0x2  }
0x137: {  	[tilespmem:s23], [sflag:$0x1] =	stream.indirect_vreg.gather [hbm4b:s25+s1], $0x80, v48, vm0, $0xb8;
	[tilespmem:$0x18580] =	vst v63  }
0x138: {  	_ =	swait.ge [sflag:s5], $0x4000  }
0x139: {  	[sflag:s5] =	ssyncset.done $0x0  }
0x13a: {  	s3 =	simm.s32 $0x800;
	[sflag:s5] =	ssyncadd.s32 $0xFFFFC000  }
0x13b: {  	v56 =	vld [tilespmem:s3+$0x0];
	_ =	sdelay $0x4  }
0x13c: {  	v57 =	vshll.u32 v56, $0x3  }
0x13d: {  	v48 =	vand.u32 $0x7F, v56;
	v49 =	vand.u32 $0xFFFFFC00, v57  }
0x13e: {  	v48 =	vor.u32 v48, v49;
	_ =	sdelay $0x4  }
0x13f: {  	v49 =	vld.idx.msk [tilespmem:v48+s19+$0x0], $0xffff  }
0x140: {  	v58 =	vor.u32 $0x80, v48;
	_ =	sdelay $0x1  }
0x141: {  	s16 =	sand.u32 $0x70, s1;
	s21 =	sand.u32 $0x1C00, s1  }
0x142: {  	s5 =	sor.u32 s16, s21  }
0x143: {  	[tilespmem:s5+$0xB880] =	vst v49  }
0x144: {  	v49 =	vld.idx.msk [tilespmem:v58+s19+$0x0], $0xffff  }
0x145: {  	v59 =	vor.u32 $0x100, v48;
	_ =	sdelay $0x3  }
0x146: {  	[tilespmem:s5+$0xB900] =	vst v49  }
0x147: {  	v49 =	vld.idx.msk [tilespmem:v59+s19+$0x0], $0xffff  }
0x148: {  	v60 =	vor.u32 $0x180, v48;
	_ =	sdelay $0x3  }
0x149: {  	[tilespmem:s5+$0xB980] =	vst v49  }
0x14a: {  	v49 =	vld.idx.msk [tilespmem:v60+s19+$0x0], $0xffff  }
0x14b: {  	v61 =	vor.u32 $0x200, v48;
	_ =	sdelay $0x3  }
0x14c: {  	[tilespmem:s5+$0xBA00] =	vst v49  }
0x14d: {  	v49 =	vld.idx.msk [tilespmem:v61+s19+$0x0], $0xffff  }
0x14e: {  	v62 =	vor.u32 $0x280, v48;
	_ =	sdelay $0x3  }
0x14f: {  	[tilespmem:s5+$0xBA80] =	vst v49  }
0x150: {  	v49 =	vld.idx.msk [tilespmem:v62+s19+$0x0], $0xffff  }
0x151: {  	v63 =	vor.u32 $0x300, v48;
	_ =	sdelay $0x3  }
0x152: {  	[tilespmem:s5+$0xBB00] =	vst v49  }
0x153: {  	v49 =	vld.idx.msk [tilespmem:v63+s19+$0x0], $0xffff  }
0x154: {  	v48 =	vor.u32 $0x380, v48;
	_ =	sdelay $0x3  }
0x155: {  	[tilespmem:s5+$0xBB80] =	vst v49  }
0x156: {  	v48 =	vld.idx.msk [tilespmem:v48+s19+$0x0], $0xffff;
	_ =	sdelay $0x2  }
0x157: {  	s23 =	sor.u32 s1, s1  }
0x158: {  	s21 =	sor.u32 $0x380, s23;
	s5 =	simm.s32 $0x10  }
.LBB2_9:
0x159: {  	p1 =	sne.s32 s5, $0x3F0;
	[tilespmem:s21+$0xB880] =	vst v48;
	s1 =	sadd.s32 $0x80, s1;
	s3 =	sadd.s32 $0x10, s3  }
0x15a: {  	s21 =	smov.u32 s5;
	s5 =	sadd.s32 $0x10, s5;
	v48 =	vld [tilespmem:s3+$0x0];
	_ =	sdelay $0x4  }
0x15b: {  	v49 =	vshll.u32 v48, $0x3  }
0x15c: {  	v48 =	vand.u32 $0x7F, v48;
	v49 =	vand.u32 $0xFFFFFC00, v49  }
0x15d: {  	v48 =	vor.u32 v48, v49;
	_ =	sdelay $0x4  }
0x15e: {  	v49 =	vld.idx.msk [tilespmem:v48+s19+$0x0], $0xffff;
	_ =	sdelay $0x1  }
0x15f: {  	v50 =	vor.u32 $0x80, v48;
	_ =	sdelay $0x1  }
0x160: {  	s23 =	sand.u32 $0x70, s21;
	s16 =	sand.u32 $0x1C00, s1  }
0x161: {  	s16 =	sor.u32 s23, s16  }
0x162: {  	[tilespmem:s16+$0xB880] =	vst v49  }
0x163: {  	v49 =	vld.idx.msk [tilespmem:v50+s19+$0x0], $0xffff;
	_ =	sdelay $0x1  }
0x164: {  	v50 =	vor.u32 $0x100, v48;
	_ =	sdelay $0x3  }
0x165: {  	[tilespmem:s16+$0xB900] =	vst v49  }
0x166: {  	v49 =	vld.idx.msk [tilespmem:v50+s19+$0x0], $0xffff;
	_ =	sdelay $0x1  }
0x167: {  	v50 =	vor.u32 $0x180, v48;
	_ =	sdelay $0x3  }
0x168: {  	[tilespmem:s16+$0xB980] =	vst v49  }
0x169: {  	v49 =	vld.idx.msk [tilespmem:v50+s19+$0x0], $0xffff;
	_ =	sdelay $0x1  }
0x16a: {  	v50 =	vor.u32 $0x200, v48;
	_ =	sdelay $0x3  }
0x16b: {  	[tilespmem:s16+$0xBA00] =	vst v49  }
0x16c: {  	v49 =	vld.idx.msk [tilespmem:v50+s19+$0x0], $0xffff;
	_ =	sdelay $0x1  }
0x16d: {  	v50 =	vor.u32 $0x280, v48;
	_ =	sdelay $0x3  }
0x16e: {  	[tilespmem:s16+$0xBA80] =	vst v49  }
0x16f: {  	v49 =	vld.idx.msk [tilespmem:v50+s19+$0x0], $0xffff;
	_ =	sdelay $0x1  }
0x170: {  	v50 =	vor.u32 $0x300, v48;
	_ =	sdelay $0x3  }
0x171: {  	[tilespmem:s16+$0xBB00] =	vst v49  }
0x172: {  	v49 =	vld.idx.msk [tilespmem:v50+s19+$0x0], $0xffff;
	_ =	sdelay $0x1  }
0x173: {  	v48 =	vor.u32 $0x380, v48;
	_ =	sdelay $0x3  }
0x174: {  	[tilespmem:s16+$0xBB80] =	vst v49  }
0x175: {  	v48 =	vld.idx.msk [tilespmem:v48+s19+$0x0], $0xffff  }
.Ltmp7:
0x176: {  	(pc) =	sbr.rel @p1 .LBB2_9-.Ltmp7, $3  }
0x177: {  	_ =	sdelay $0x1  }
0x178: {  	s16 =	sor.u32 s1, s21  }
0x179: {  	s21 =	sor.u32 $0x380, s16  }
0x17a: {  	[tilespmem:s21+$0xB880] =	vst v48  }
0x17b: {  	v48 =	vld [tilespmem:$0xC00];
	_ =	sdelay $0x4  }
0x17c: {  	v49 =	vshll.u32 v48, $0x3  }
0x17d: {  	v48 =	vand.u32 $0x7F, v48;
	v49 =	vand.u32 $0xFFFFFC00, v49  }
0x17e: {  	v48 =	vor.u32 v48, v49;
	_ =	sdelay $0x4  }
0x17f: {  	v49 =	vld.idx.msk [tilespmem:v48+s19+$0x0], $0xffff  }
0x180: {  	v50 =	vor.u32 $0x80, v48;
	_ =	sdelay $0x3  }
0x181: {  	[tilespmem:v34+s20+$0x0] =	vst.idx.msk $0x3, v49  }
0x182: {  	v49 =	vld.idx.msk [tilespmem:v50+s19+$0x0], $0xffff  }
0x183: {  	v58 =	vor.u32 $0x100, v48;
	_ =	sdelay $0x3  }
0x184: {  	[tilespmem:v35+s20+$0x0] =	vst.idx.msk $0x3, v49  }
0x185: {  	v49 =	vld.idx.msk [tilespmem:v58+s19+$0x0], $0xffff  }
0x186: {  	v59 =	vor.u32 $0x180, v48;
	_ =	sdelay $0x3  }
0x187: {  	[tilespmem:v36+s20+$0x0] =	vst.idx.msk $0x3, v49  }
0x188: {  	v49 =	vld.idx.msk [tilespmem:v59+s19+$0x0], $0xffff  }
0x189: {  	v60 =	vor.u32 $0x200, v48;
	_ =	sdelay $0x3  }
0x18a: {  	[tilespmem:v37+s20+$0x0] =	vst.idx.msk $0x3, v49  }
0x18b: {  	v49 =	vld.idx.msk [tilespmem:v60+s19+$0x0], $0xffff  }
0x18c: {  	v61 =	vor.u32 $0x280, v48;
	_ =	sdelay $0x3  }
0x18d: {  	[tilespmem:v38+s20+$0x0] =	vst.idx.msk $0x3, v49  }
0x18e: {  	v49 =	vld.idx.msk [tilespmem:v61+s19+$0x0], $0xffff  }
0x18f: {  	v62 =	vor.u32 $0x300, v48;
	_ =	sdelay $0x3  }
0x190: {  	[tilespmem:v39+s20+$0x0] =	vst.idx.msk $0x3, v49  }
0x191: {  	v49 =	vld.idx.msk [tilespmem:v62+s19+$0x0], $0xffff  }
0x192: {  	v48 =	vor.u32 $0x380, v48;
	_ =	sdelay $0x3  }
0x193: {  	[tilespmem:v40+s20+$0x0] =	vst.idx.msk $0x3, v49  }
0x194: {  	v48 =	vld.idx.msk [tilespmem:v48+s19+$0x0], $0xffff;
	_ =	sdelay $0x1  }
0x195: {  	s1 =	rddreg [dreg:$0xa]  }
0x196: {  	s1 =	sadd.s32 s1, s22  }
0x197: {  	s1 =	sshrl.u32 s1, $0x3  }
0x198: {  	s5 =	rddreg [dreg:$0x9];
	s3 =	sadd.s32 s7, s1;
	s1 =	simm.s32 $0x0;
	[tilespmem:v41+s20+$0x0] =	vst.idx.msk $0x3, v48  }
0x199: {  	[hbm4b:s3+s1] =	stream.linear.scatter [tilespmem:s20], [sflag:$0x6], $0x2400, $0x38;
	[tilespmem:$0x18580] =	vst v63  }
0x19a: {  	v48 =	vld.msk [tilespmem:s5+$0x0], $0xff;
	_ =	sdelay $0x4  }
0x19b: {  	v63 =	vshll.u32 v48, $0x3  }
0x19c: {  	v48 =	vand.u32 $0x7, v48;
	v49 =	vand.u32 $0xFFFFFFC0, v63  }
0x19d: {  	v48 =	vor.u32 v48, v49  }
0x19e: {  	v48 =	vperm.xlane v48, v32;
	_ =	sdelay $0x1  }
0x19f: {  	v48 =	vadd.s32 v33, v48;
	_ =	sdelay $0x3  }
0x1a0: {  	s16 =	rddreg [dreg:$0x1];
	s5 =	simm.s32 $0xDC80  }
0x1a1: {  	[tilespmem:s5], [sflag:$0x3] =	stream.indirect_vreg.gather [hbm4b:s16+s1], $0x80, v48, vm0, $0xb8;
	[tilespmem:$0x18580] =	vst v63  }
0x1a2: {  	s21 =	simm.s32 $0xE480  }
0x1a3: {  	[tilespmem:s21], [sflag:$0x3] =	stream.indirect_vreg.gather [hbm4b:s26+s1], $0x80, v48, vm0, $0xb8;
	[tilespmem:$0x18580] =	vst v63  }
0x1a4: {  	s23 =	simm.s32 $0xEC80  }
0x1a5: {  	[tilespmem:s23], [sflag:$0x3] =	stream.indirect_vreg.gather [hbm4b:s28+s1], $0x80, v48, vm0, $0xb8;
	[tilespmem:$0x18580] =	vst v63  }
0x1a6: {  	s5 =	simm.s32 $0xF480;
	s16 =	simm.s32 $0x4  }
0x1a7: {  	[tilespmem:s5], [sflag:$0x3] =	stream.indirect_vreg.gather [hbm4b:s29+s1], $0x80, v48, vm0, $0xb8;
	[tilespmem:$0x18580] =	vst v63  }
0x1a8: {  	_ =	swait.ge [sflag:s16], $0x2000  }
0x1a9: {  	[sflag:s16] =	ssyncset.done $0x0  }
0x1aa: {  	[sflag:s16] =	ssyncadd.s32 $0xFFFFE000  }
0x1ab: {  	v55 =	vld.idx.msk [tilespmem:v8+s4+$0x0], $0xffff  }
0x1ac: {  	v54 =	vld.idx.msk [tilespmem:v9+s4+$0x0], $0xffff  }
0x1ad: {  	v53 =	vld.idx.msk [tilespmem:v10+s4+$0x0], $0xffff  }
0x1ae: {  	v52 =	vld.idx.msk [tilespmem:v11+s4+$0x0], $0xffff  }
0x1af: {  	v51 =	vld.idx.msk [tilespmem:v12+s4+$0x0], $0xffff  }
0x1b0: {  	v50 =	vld.idx.msk [tilespmem:v13+s4+$0x0], $0xffff  }
0x1b1: {  	s21 =	sand.u32 $0x70, s1;
	s23 =	sand.u32 $0x1C00, s1;
	v49 =	vld.idx.msk [tilespmem:v14+s4+$0x0], $0xffff  }
0x1b2: {  	s5 =	sor.u32 s21, s23;
	v48 =	vld.idx.msk [tilespmem:v15+s4+$0x0], $0xffff  }
0x1b3: {  	v60 =	vld [tilespmem:s5+$0xFC80]  }
0x1b4: {  	v59 =	vld [tilespmem:s5+$0xFD00]  }
0x1b5: {  	v58 =	vld [tilespmem:s5+$0xFD80]  }
0x1b6: {  	v57 =	vld [tilespmem:s5+$0xFE00]  }
0x1b7: {  	s3 =	simm.s32 $0x0;
	s21 =	simm.s32 $0x10;
	v56 =	vld [tilespmem:s5+$0xFE80]  }
.LBB2_11:
0x1b8: {  	p1 =	sne.s32 s21, $0x3F0;
	v60 =	vmul.f32 v60, v55;
	v61 =	vld [tilespmem:s5+$0xFF00]  }
0x1b9: {  	v59 =	vmul.f32 v59, v54;
	v62 =	vld [tilespmem:s5+$0xFF80]  }
0x1ba: {  	[tilespmem:s5+$0x13C80] =	vst v60;
	v58 =	vmul.f32 v58, v53  }
0x1bb: {  	[tilespmem:s5+$0x13D00] =	vst v59;
	v57 =	vmul.f32 v57, v52  }
0x1bc: {  	[tilespmem:s5+$0x13D80] =	vst v58;
	v56 =	vmul.f32 v56, v51  }
0x1bd: {  	[tilespmem:s5+$0x13E00] =	vst v57;
	v57 =	vmul.f32 v61, v50  }
0x1be: {  	[tilespmem:s5+$0x13E80] =	vst v56;
	v56 =	vmul.f32 v62, v49  }
0x1bf: {  	s16 =	sor.u32 s3, s1;
	s1 =	smov.u32 s21;
	[tilespmem:s5+$0x13F00] =	vst v57  }
0x1c0: {  	s16 =	sor.u32 $0x380, s16;
	[tilespmem:s5+$0x13F80] =	vst v56  }
0x1c1: {  	v56 =	vld [tilespmem:s16+$0xFC80];
	_ =	sdelay $0x4  }
0x1c2: {  	s3 =	sadd.s32 $0x80, s3;
	v56 =	vmul.f32 v56, v48  }
0x1c3: {  	s23 =	sand.u32 $0x1C00, s3;
	s5 =	sand.u32 $0x70, s21  }
0x1c4: {  	s5 =	sor.u32 s5, s23;
	[tilespmem:s16+$0x13C80] =	vst v56  }
.Ltmp8:
0x1c5: {  	v60 =	vld [tilespmem:s5+$0xFC80];
	(pc) =	sbr.rel @p1 .LBB2_11-.Ltmp8, $4  }
0x1c6: {  	v59 =	vld [tilespmem:s5+$0xFD00]  }
0x1c7: {  	v58 =	vld [tilespmem:s5+$0xFD80]  }
0x1c8: {  	v57 =	vld [tilespmem:s5+$0xFE00]  }
0x1c9: {  	s21 =	sadd.s32 $0x10, s21;
	v56 =	vld [tilespmem:s5+$0xFE80]  }
0x1ca: {  	v55 =	vmul.f32 v60, v55;
	v60 =	vld [tilespmem:s5+$0xFF00]  }
0x1cb: {  	v63 =	vld [tilespmem:s5+$0xFF80];
	v54 =	vmul.f32 v59, v54  }
0x1cc: {  	[tilespmem:s5+$0x13C80] =	vst v55;
	v53 =	vmul.f32 v58, v53  }
0x1cd: {  	[tilespmem:s5+$0x13D00] =	vst v54;
	v52 =	vmul.f32 v57, v52  }
0x1ce: {  	[tilespmem:s5+$0x13D80] =	vst v53;
	v51 =	vmul.f32 v56, v51  }
0x1cf: {  	[tilespmem:s5+$0x13E00] =	vst v52;
	v50 =	vmul.f32 v60, v50  }
0x1d0: {  	v49 =	vmul.f32 v63, v49;
	[tilespmem:s5+$0x13E80] =	vst v51  }
0x1d1: {  	s1 =	sor.u32 s3, s1;
	[tilespmem:s5+$0x13F00] =	vst v50  }
0x1d2: {  	s1 =	sor.u32 $0x380, s1;
	[tilespmem:s5+$0x13F80] =	vst v49  }
0x1d3: {  	v49 =	vld [tilespmem:s1+$0xFC80];
	_ =	sdelay $0x3  }
0x1d4: {  	s21 =	rddreg [dreg:$0x10]  }
0x1d5: {  	s3 =	sadd.s32 s21, s2;
	v48 =	vmul.f32 v49, v48  }
0x1d6: {  	s23 =	simm.s32 $0x13C80;
	s3 =	sshrl.u32 s3, $0x3  }
0x1d7: {  	s16 =	rddreg [dreg:$0xd];
	s3 =	sadd.s32 s8, s3;
	[tilespmem:s1+$0x13C80] =	vst v48;
	s1 =	simm.s32 $0x0  }
0x1d8: {  	[hbm4b:s3+s1] =	stream.linear.scatter [tilespmem:s23], [sflag:$0x8], $0x2000, $0x38;
	[tilespmem:$0x18580] =	vst v63  }
0x1d9: {  	v48 =	vld.msk [tilespmem:s16+$0x0], $0xff;
	_ =	sdelay $0x4  }
0x1da: {  	v55 =	vshll.u32 v48, $0x4  }
0x1db: {  	v48 =	vand.u32 $0x7, v48;
	v49 =	vand.u32 $0xFFFFFF80, v55  }
0x1dc: {  	v48 =	vor.u32 v48, v49  }
0x1dd: {  	v48 =	vperm.xlane v48, v32;
	_ =	sdelay $0x1  }
0x1de: {  	v48 =	vadd.s32 v33, v48;
	_ =	sdelay $0x3  }
0x1df: {  	s21 =	rddreg [dreg:$0x0]  }
0x1e0: {  	[tilespmem:s19], [sflag:$0x2] =	stream.indirect_vreg.gather [hbm4b:s21+s1], $0x80, v48, vm0, $0xb8;
	[tilespmem:$0x18580] =	vst v63  }
0x1e1: {  	s23 =	simm.s32 $0x5C80  }
0x1e2: {  	[tilespmem:s23], [sflag:$0x2] =	stream.indirect_vreg.gather [hbm4b:s10+s1], $0x80, v48, vm0, $0xb8;
	[tilespmem:$0x18580] =	vst v63  }
0x1e3: {  	s5 =	simm.s32 $0x6480  }
0x1e4: {  	[tilespmem:s5], [sflag:$0x2] =	stream.indirect_vreg.gather [hbm4b:s11+s1], $0x80, v48, vm0, $0xb8;
	[tilespmem:$0x18580] =	vst v63  }
0x1e5: {  	s16 =	simm.s32 $0x6C80  }
0x1e6: {  	[tilespmem:s16], [sflag:$0x2] =	stream.indirect_vreg.gather [hbm4b:s12+s1], $0x80, v48, vm0, $0xb8;
	[tilespmem:$0x18580] =	vst v63  }
0x1e7: {  	s21 =	simm.s32 $0x7480  }
0x1e8: {  	[tilespmem:s21], [sflag:$0x2] =	stream.indirect_vreg.gather [hbm4b:s13+s1], $0x80, v48, vm0, $0xb8;
	[tilespmem:$0x18580] =	vst v63  }
0x1e9: {  	s23 =	simm.s32 $0x7C80  }
0x1ea: {  	[tilespmem:s23], [sflag:$0x2] =	stream.indirect_vreg.gather [hbm4b:s14+s1], $0x80, v48, vm0, $0xb8;
	[tilespmem:$0x18580] =	vst v63  }
0x1eb: {  	s5 =	simm.s32 $0x8480  }
0x1ec: {  	[tilespmem:s5], [sflag:$0x2] =	stream.indirect_vreg.gather [hbm4b:s15+s1], $0x80, v48, vm0, $0xb8;
	[tilespmem:$0x18580] =	vst v63  }
0x1ed: {  	s16 =	simm.s32 $0x8C80  }
0x1ee: {  	[tilespmem:s16], [sflag:$0x2] =	stream.indirect_vreg.gather [hbm4b:s25+s1], $0x80, v48, vm0, $0xb8;
	[tilespmem:$0x18580] =	vst v63  }
0x1ef: {  	_ =	swait.ge [sflag:s24], $0x4000  }
0x1f0: {  	[sflag:s24] =	ssyncset.done $0x0  }
0x1f1: {  	[sflag:s24] =	ssyncadd.s32 $0xFFFFC000  }
0x1f2: {  	_ =	swait.ge [sflag:s30], $0x2400  }
0x1f3: {  	[sflag:s30] =	ssyncset.done $0x0  }
0x1f4: {  	s3 =	simm.s32 $0x800;
	[sflag:s30] =	ssyncadd.s32 $0xFFFFDC00  }
0x1f5: {  	v56 =	vld [tilespmem:s3+$0x0];
	_ =	sdelay $0x4  }
0x1f6: {  	v57 =	vshll.u32 v56, $0x3  }
0x1f7: {  	v48 =	vand.u32 $0x7F, v56;
	v49 =	vand.u32 $0xFFFFFC00, v57  }
0x1f8: {  	v48 =	vor.u32 v48, v49;
	_ =	sdelay $0x4  }
0x1f9: {  	v49 =	vld.idx.msk [tilespmem:v48+s6+$0x0], $0xffff  }
0x1fa: {  	v58 =	vor.u32 $0x80, v48;
	_ =	sdelay $0x1  }
0x1fb: {  	s21 =	sand.u32 $0x70, s1;
	s16 =	sand.u32 $0x1C00, s1  }
0x1fc: {  	s5 =	sor.u32 s21, s16  }
0x1fd: {  	[tilespmem:s5+$0x9480] =	vst v49  }
0x1fe: {  	v49 =	vld.idx.msk [tilespmem:v58+s6+$0x0], $0xffff  }
0x1ff: {  	v59 =	vor.u32 $0x100, v48;
	_ =	sdelay $0x3  }
0x200: {  	[tilespmem:s5+$0x9500] =	vst v49  }
0x201: {  	v49 =	vld.idx.msk [tilespmem:v59+s6+$0x0], $0xffff  }
0x202: {  	v60 =	vor.u32 $0x180, v48;
	_ =	sdelay $0x3  }
0x203: {  	[tilespmem:s5+$0x9580] =	vst v49  }
0x204: {  	v49 =	vld.idx.msk [tilespmem:v60+s6+$0x0], $0xffff  }
0x205: {  	v61 =	vor.u32 $0x200, v48;
	_ =	sdelay $0x3  }
0x206: {  	[tilespmem:s5+$0x9600] =	vst v49  }
0x207: {  	v49 =	vld.idx.msk [tilespmem:v61+s6+$0x0], $0xffff  }
0x208: {  	v62 =	vor.u32 $0x280, v48;
	_ =	sdelay $0x3  }
0x209: {  	[tilespmem:s5+$0x9680] =	vst v49  }
0x20a: {  	v49 =	vld.idx.msk [tilespmem:v62+s6+$0x0], $0xffff  }
0x20b: {  	v63 =	vor.u32 $0x300, v48;
	_ =	sdelay $0x3  }
0x20c: {  	[tilespmem:s5+$0x9700] =	vst v49  }
0x20d: {  	v49 =	vld.idx.msk [tilespmem:v63+s6+$0x0], $0xffff  }
0x20e: {  	v48 =	vor.u32 $0x380, v48;
	_ =	sdelay $0x3  }
0x20f: {  	[tilespmem:s5+$0x9780] =	vst v49  }
0x210: {  	v48 =	vld.idx.msk [tilespmem:v48+s6+$0x0], $0xffff;
	_ =	sdelay $0x2  }
0x211: {  	s23 =	sor.u32 s1, s1  }
0x212: {  	s21 =	sor.u32 $0x380, s23;
	s5 =	simm.s32 $0x10  }
.LBB2_13:
0x213: {  	p1 =	sne.s32 s5, $0x3F0;
	[tilespmem:s21+$0x9480] =	vst v48;
	s1 =	sadd.s32 $0x80, s1;
	s3 =	sadd.s32 $0x10, s3  }
0x214: {  	s21 =	smov.u32 s5;
	s5 =	sadd.s32 $0x10, s5;
	v48 =	vld [tilespmem:s3+$0x0];
	_ =	sdelay $0x4  }
0x215: {  	v49 =	vshll.u32 v48, $0x3  }
0x216: {  	v48 =	vand.u32 $0x7F, v48;
	v49 =	vand.u32 $0xFFFFFC00, v49  }
0x217: {  	v48 =	vor.u32 v48, v49;
	_ =	sdelay $0x4  }
0x218: {  	v49 =	vld.idx.msk [tilespmem:v48+s6+$0x0], $0xffff;
	_ =	sdelay $0x1  }
0x219: {  	v50 =	vor.u32 $0x80, v48;
	_ =	sdelay $0x1  }
0x21a: {  	s16 =	sand.u32 $0x70, s21;
	s23 =	sand.u32 $0x1C00, s1  }
0x21b: {  	s16 =	sor.u32 s16, s23  }
0x21c: {  	[tilespmem:s16+$0x9480] =	vst v49  }
0x21d: {  	v49 =	vld.idx.msk [tilespmem:v50+s6+$0x0], $0xffff;
	_ =	sdelay $0x1  }
0x21e: {  	v50 =	vor.u32 $0x100, v48;
	_ =	sdelay $0x3  }
0x21f: {  	[tilespmem:s16+$0x9500] =	vst v49  }
0x220: {  	v49 =	vld.idx.msk [tilespmem:v50+s6+$0x0], $0xffff;
	_ =	sdelay $0x1  }
0x221: {  	v50 =	vor.u32 $0x180, v48;
	_ =	sdelay $0x3  }
0x222: {  	[tilespmem:s16+$0x9580] =	vst v49  }
0x223: {  	v49 =	vld.idx.msk [tilespmem:v50+s6+$0x0], $0xffff;
	_ =	sdelay $0x1  }
0x224: {  	v50 =	vor.u32 $0x200, v48;
	_ =	sdelay $0x3  }
0x225: {  	[tilespmem:s16+$0x9600] =	vst v49  }
0x226: {  	v49 =	vld.idx.msk [tilespmem:v50+s6+$0x0], $0xffff;
	_ =	sdelay $0x1  }
0x227: {  	v50 =	vor.u32 $0x280, v48;
	_ =	sdelay $0x3  }
0x228: {  	[tilespmem:s16+$0x9680] =	vst v49  }
0x229: {  	v49 =	vld.idx.msk [tilespmem:v50+s6+$0x0], $0xffff;
	_ =	sdelay $0x1  }
0x22a: {  	v50 =	vor.u32 $0x300, v48;
	_ =	sdelay $0x3  }
0x22b: {  	[tilespmem:s16+$0x9700] =	vst v49  }
0x22c: {  	v49 =	vld.idx.msk [tilespmem:v50+s6+$0x0], $0xffff;
	_ =	sdelay $0x1  }
0x22d: {  	v48 =	vor.u32 $0x380, v48;
	_ =	sdelay $0x3  }
0x22e: {  	[tilespmem:s16+$0x9780] =	vst v49  }
0x22f: {  	v48 =	vld.idx.msk [tilespmem:v48+s6+$0x0], $0xffff  }
.Ltmp9:
0x230: {  	(pc) =	sbr.rel @p1 .LBB2_13-.Ltmp9, $3  }
0x231: {  	_ =	sdelay $0x1  }
0x232: {  	s16 =	sor.u32 s1, s21  }
0x233: {  	s21 =	sor.u32 $0x380, s16  }
0x234: {  	[tilespmem:s21+$0x9480] =	vst v48  }
0x235: {  	v48 =	vld [tilespmem:$0xC00];
	_ =	sdelay $0x4  }
0x236: {  	v49 =	vshll.u32 v48, $0x3  }
0x237: {  	v48 =	vand.u32 $0x7F, v48;
	v49 =	vand.u32 $0xFFFFFC00, v49  }
0x238: {  	v48 =	vor.u32 v48, v49;
	_ =	sdelay $0x4  }
0x239: {  	v49 =	vld.idx.msk [tilespmem:v48+s6+$0x0], $0xffff  }
0x23a: {  	v50 =	vor.u32 $0x80, v48;
	_ =	sdelay $0x3  }
0x23b: {  	[tilespmem:v34+s17+$0x0] =	vst.idx.msk $0x3, v49  }
0x23c: {  	v49 =	vld.idx.msk [tilespmem:v50+s6+$0x0], $0xffff  }
0x23d: {  	v58 =	vor.u32 $0x100, v48;
	_ =	sdelay $0x3  }
0x23e: {  	[tilespmem:v35+s17+$0x0] =	vst.idx.msk $0x3, v49  }
0x23f: {  	v49 =	vld.idx.msk [tilespmem:v58+s6+$0x0], $0xffff  }
0x240: {  	v59 =	vor.u32 $0x180, v48;
	_ =	sdelay $0x3  }
0x241: {  	[tilespmem:v36+s17+$0x0] =	vst.idx.msk $0x3, v49  }
0x242: {  	v49 =	vld.idx.msk [tilespmem:v59+s6+$0x0], $0xffff  }
0x243: {  	v60 =	vor.u32 $0x200, v48;
	_ =	sdelay $0x3  }
0x244: {  	[tilespmem:v37+s17+$0x0] =	vst.idx.msk $0x3, v49  }
0x245: {  	v49 =	vld.idx.msk [tilespmem:v60+s6+$0x0], $0xffff  }
0x246: {  	v61 =	vor.u32 $0x280, v48;
	_ =	sdelay $0x3  }
0x247: {  	[tilespmem:v38+s17+$0x0] =	vst.idx.msk $0x3, v49  }
0x248: {  	v49 =	vld.idx.msk [tilespmem:v61+s6+$0x0], $0xffff  }
0x249: {  	v62 =	vor.u32 $0x300, v48;
	_ =	sdelay $0x3  }
0x24a: {  	[tilespmem:v39+s17+$0x0] =	vst.idx.msk $0x3, v49  }
0x24b: {  	v49 =	vld.idx.msk [tilespmem:v62+s6+$0x0], $0xffff  }
0x24c: {  	v48 =	vor.u32 $0x380, v48;
	_ =	sdelay $0x3  }
0x24d: {  	[tilespmem:v40+s17+$0x0] =	vst.idx.msk $0x3, v49  }
0x24e: {  	v48 =	vld.idx.msk [tilespmem:v48+s6+$0x0], $0xffff;
	_ =	sdelay $0x1  }
0x24f: {  	s1 =	rddreg [dreg:$0xb]  }
0x250: {  	s1 =	sadd.s32 s1, s22  }
0x251: {  	s1 =	sshrl.u32 s1, $0x3  }
0x252: {  	s16 =	rddreg [dreg:$0xd];
	s3 =	sadd.s32 s7, s1;
	s1 =	simm.s32 $0x0;
	[tilespmem:v41+s17+$0x0] =	vst.idx.msk $0x3, v48  }
0x253: {  	[hbm4b:s3+s1] =	stream.linear.scatter [tilespmem:s17], [sflag:$0x5], $0x2400, $0x38;
	[tilespmem:$0x18580] =	vst v63  }
0x254: {  	v48 =	vld.msk [tilespmem:s16+$0x0], $0xff;
	_ =	sdelay $0x4  }
0x255: {  	v63 =	vshll.u32 v48, $0x3  }
0x256: {  	v48 =	vand.u32 $0x7, v48;
	v49 =	vand.u32 $0xFFFFFFC0, v63  }
0x257: {  	v48 =	vor.u32 v48, v49  }
0x258: {  	v48 =	vperm.xlane v48, v32;
	_ =	sdelay $0x1  }
0x259: {  	v48 =	vadd.s32 v33, v48;
	_ =	sdelay $0x3  }
0x25a: {  	s21 =	rddreg [dreg:$0x1];
	s5 =	simm.s32 $0xFC80  }
0x25b: {  	[tilespmem:s5], [sflag:$0x4] =	stream.indirect_vreg.gather [hbm4b:s21+s1], $0x80, v48, vm0, $0xb8;
	[tilespmem:$0x18580] =	vst v63  }
0x25c: {  	s23 =	simm.s32 $0x10480  }
0x25d: {  	[tilespmem:s23], [sflag:$0x4] =	stream.indirect_vreg.gather [hbm4b:s26+s1], $0x80, v48, vm0, $0xb8;
	[tilespmem:$0x18580] =	vst v63  }
0x25e: {  	s5 =	simm.s32 $0x10C80  }
0x25f: {  	[tilespmem:s5], [sflag:$0x4] =	stream.indirect_vreg.gather [hbm4b:s28+s1], $0x80, v48, vm0, $0xb8;
	[tilespmem:$0x18580] =	vst v63  }
0x260: {  	s16 =	simm.s32 $0x11480  }
0x261: {  	[tilespmem:s16], [sflag:$0x4] =	stream.indirect_vreg.gather [hbm4b:s29+s1], $0x80, v48, vm0, $0xb8;
	[tilespmem:$0x18580] =	vst v63  }
0x262: {  	_ =	swait.ge [sflag:s31], $0x2000  }
0x263: {  	[sflag:s31] =	ssyncset.done $0x0  }
0x264: {  	[sflag:s31] =	ssyncadd.s32 $0xFFFFE000  }
0x265: {  	_ =	swait.ge [sflag:s0], $0x2000  }
0x266: {  	[sflag:s0] =	ssyncset.done $0x0  }
0x267: {  	[sflag:s0] =	ssyncadd.s32 $0xFFFFE000  }
0x268: {  	v55 =	vld.idx.msk [tilespmem:v16+s4+$0x0], $0xffff  }
0x269: {  	v54 =	vld.idx.msk [tilespmem:v17+s4+$0x0], $0xffff  }
0x26a: {  	v53 =	vld.idx.msk [tilespmem:v18+s4+$0x0], $0xffff  }
0x26b: {  	v52 =	vld.idx.msk [tilespmem:v19+s4+$0x0], $0xffff  }
0x26c: {  	v51 =	vld.idx.msk [tilespmem:v20+s4+$0x0], $0xffff  }
0x26d: {  	v50 =	vld.idx.msk [tilespmem:v21+s4+$0x0], $0xffff  }
0x26e: {  	s21 =	sand.u32 $0x70, s1;
	s23 =	sand.u32 $0x1C00, s1;
	v49 =	vld.idx.msk [tilespmem:v22+s4+$0x0], $0xffff  }
0x26f: {  	s5 =	sor.u32 s21, s23;
	v48 =	vld.idx.msk [tilespmem:v23+s4+$0x0], $0xffff  }
0x270: {  	v60 =	vld [tilespmem:s5+$0xDC80]  }
0x271: {  	v59 =	vld [tilespmem:s5+$0xDD00]  }
0x272: {  	v58 =	vld [tilespmem:s5+$0xDD80]  }
0x273: {  	v57 =	vld [tilespmem:s5+$0xDE00]  }
0x274: {  	s3 =	simm.s32 $0x0;
	s21 =	simm.s32 $0x10;
	v56 =	vld [tilespmem:s5+$0xDE80]  }
.LBB2_15:
0x275: {  	p1 =	sne.s32 s21, $0x3F0;
	v60 =	vmul.f32 v60, v55;
	v61 =	vld [tilespmem:s5+$0xDF00]  }
0x276: {  	v59 =	vmul.f32 v59, v54;
	v62 =	vld [tilespmem:s5+$0xDF80]  }
0x277: {  	[tilespmem:s5+$0x11C80] =	vst v60;
	v58 =	vmul.f32 v58, v53  }
0x278: {  	[tilespmem:s5+$0x11D00] =	vst v59;
	v57 =	vmul.f32 v57, v52  }
0x279: {  	[tilespmem:s5+$0x11D80] =	vst v58;
	v56 =	vmul.f32 v56, v51  }
0x27a: {  	[tilespmem:s5+$0x11E00] =	vst v57;
	v57 =	vmul.f32 v61, v50  }
0x27b: {  	[tilespmem:s5+$0x11E80] =	vst v56;
	v56 =	vmul.f32 v62, v49  }
0x27c: {  	s16 =	sor.u32 s3, s1;
	s1 =	smov.u32 s21;
	[tilespmem:s5+$0x11F00] =	vst v57  }
0x27d: {  	s16 =	sor.u32 $0x380, s16;
	[tilespmem:s5+$0x11F80] =	vst v56  }
0x27e: {  	v56 =	vld [tilespmem:s16+$0xDC80];
	_ =	sdelay $0x4  }
0x27f: {  	s3 =	sadd.s32 $0x80, s3;
	v56 =	vmul.f32 v56, v48  }
0x280: {  	s23 =	sand.u32 $0x1C00, s3;
	s5 =	sand.u32 $0x70, s21  }
0x281: {  	s5 =	sor.u32 s5, s23;
	[tilespmem:s16+$0x11C80] =	vst v56  }
.Ltmp10:
0x282: {  	v60 =	vld [tilespmem:s5+$0xDC80];
	(pc) =	sbr.rel @p1 .LBB2_15-.Ltmp10, $4  }
0x283: {  	v59 =	vld [tilespmem:s5+$0xDD00]  }
0x284: {  	v58 =	vld [tilespmem:s5+$0xDD80]  }
0x285: {  	v57 =	vld [tilespmem:s5+$0xDE00]  }
0x286: {  	s21 =	sadd.s32 $0x10, s21;
	v56 =	vld [tilespmem:s5+$0xDE80]  }
0x287: {  	v55 =	vmul.f32 v60, v55;
	v60 =	vld [tilespmem:s5+$0xDF00]  }
0x288: {  	v63 =	vld [tilespmem:s5+$0xDF80];
	v54 =	vmul.f32 v59, v54  }
0x289: {  	[tilespmem:s5+$0x11C80] =	vst v55;
	v53 =	vmul.f32 v58, v53  }
0x28a: {  	[tilespmem:s5+$0x11D00] =	vst v54;
	v52 =	vmul.f32 v57, v52  }
0x28b: {  	[tilespmem:s5+$0x11D80] =	vst v53;
	v51 =	vmul.f32 v56, v51  }
0x28c: {  	[tilespmem:s5+$0x11E00] =	vst v52;
	v50 =	vmul.f32 v60, v50  }
0x28d: {  	v49 =	vmul.f32 v63, v49;
	[tilespmem:s5+$0x11E80] =	vst v51  }
0x28e: {  	s1 =	sor.u32 s3, s1;
	[tilespmem:s5+$0x11F00] =	vst v50  }
0x28f: {  	s1 =	sor.u32 $0x380, s1;
	[tilespmem:s5+$0x11F80] =	vst v49  }
0x290: {  	v49 =	vld [tilespmem:s1+$0xDC80];
	_ =	sdelay $0x3  }
0x291: {  	s21 =	rddreg [dreg:$0x11]  }
0x292: {  	s3 =	sadd.s32 s21, s2;
	v48 =	vmul.f32 v49, v48  }
0x293: {  	s23 =	simm.s32 $0x11C80;
	s3 =	sshrl.u32 s3, $0x3  }
0x294: {  	s3 =	sadd.s32 s8, s3;
	s5 =	simm.s32 $0x2;
	[tilespmem:s1+$0x11C80] =	vst v48;
	s1 =	simm.s32 $0x0  }
0x295: {  	[hbm4b:s3+s1] =	stream.linear.scatter [tilespmem:s23], [sflag:$0x7], $0x2000, $0x38;
	[tilespmem:$0x18580] =	vst v63  }
0x296: {  	_ =	swait.ge [sflag:s5], $0x4000  }
0x297: {  	[sflag:s5] =	ssyncset.done $0x0  }
0x298: {  	s16 =	simm.s32 $0x6;
	[sflag:s5] =	ssyncadd.s32 $0xFFFFC000  }
0x299: {  	_ =	swait.ge [sflag:s16], $0x2400  }
0x29a: {  	[sflag:s16] =	ssyncset.done $0x0  }
0x29b: {  	s3 =	simm.s32 $0x800;
	[sflag:s16] =	ssyncadd.s32 $0xFFFFDC00  }
0x29c: {  	v56 =	vld [tilespmem:s3+$0x0];
	_ =	sdelay $0x4  }
0x29d: {  	v57 =	vshll.u32 v56, $0x3  }
0x29e: {  	v48 =	vand.u32 $0x7F, v56;
	v49 =	vand.u32 $0xFFFFFC00, v57  }
0x29f: {  	v48 =	vor.u32 v48, v49;
	_ =	sdelay $0x4  }
0x2a0: {  	v49 =	vld.idx.msk [tilespmem:v48+s19+$0x0], $0xffff  }
0x2a1: {  	v58 =	vor.u32 $0x80, v48;
	_ =	sdelay $0x1  }
0x2a2: {  	s21 =	sand.u32 $0x70, s1;
	s16 =	sand.u32 $0x1C00, s1  }
0x2a3: {  	s5 =	sor.u32 s21, s16  }
0x2a4: {  	[tilespmem:s5+$0xB880] =	vst v49  }
0x2a5: {  	v49 =	vld.idx.msk [tilespmem:v58+s19+$0x0], $0xffff  }
0x2a6: {  	v59 =	vor.u32 $0x100, v48;
	_ =	sdelay $0x3  }
0x2a7: {  	[tilespmem:s5+$0xB900] =	vst v49  }
0x2a8: {  	v49 =	vld.idx.msk [tilespmem:v59+s19+$0x0], $0xffff  }
0x2a9: {  	v60 =	vor.u32 $0x180, v48;
	_ =	sdelay $0x3  }
0x2aa: {  	[tilespmem:s5+$0xB980] =	vst v49  }
0x2ab: {  	v49 =	vld.idx.msk [tilespmem:v60+s19+$0x0], $0xffff  }
0x2ac: {  	v61 =	vor.u32 $0x200, v48;
	_ =	sdelay $0x3  }
0x2ad: {  	[tilespmem:s5+$0xBA00] =	vst v49  }
0x2ae: {  	v49 =	vld.idx.msk [tilespmem:v61+s19+$0x0], $0xffff  }
0x2af: {  	v62 =	vor.u32 $0x280, v48;
	_ =	sdelay $0x3  }
0x2b0: {  	[tilespmem:s5+$0xBA80] =	vst v49  }
0x2b1: {  	v49 =	vld.idx.msk [tilespmem:v62+s19+$0x0], $0xffff  }
0x2b2: {  	v63 =	vor.u32 $0x300, v48;
	_ =	sdelay $0x3  }
0x2b3: {  	[tilespmem:s5+$0xBB00] =	vst v49  }
0x2b4: {  	v49 =	vld.idx.msk [tilespmem:v63+s19+$0x0], $0xffff  }
0x2b5: {  	v48 =	vor.u32 $0x380, v48;
	_ =	sdelay $0x3  }
0x2b6: {  	[tilespmem:s5+$0xBB80] =	vst v49  }
0x2b7: {  	v48 =	vld.idx.msk [tilespmem:v48+s19+$0x0], $0xffff;
	_ =	sdelay $0x2  }
0x2b8: {  	s23 =	sor.u32 s1, s1  }
0x2b9: {  	s21 =	sor.u32 $0x380, s23;
	s5 =	simm.s32 $0x10  }
.LBB2_17:
0x2ba: {  	p1 =	sne.s32 s5, $0x3F0;
	[tilespmem:s21+$0xB880] =	vst v48;
	s1 =	sadd.s32 $0x80, s1;
	s3 =	sadd.s32 $0x10, s3  }
0x2bb: {  	s21 =	smov.u32 s5;
	s5 =	sadd.s32 $0x10, s5;
	v48 =	vld [tilespmem:s3+$0x0];
	_ =	sdelay $0x4  }
0x2bc: {  	v49 =	vshll.u32 v48, $0x3  }
0x2bd: {  	v48 =	vand.u32 $0x7F, v48;
	v49 =	vand.u32 $0xFFFFFC00, v49  }
0x2be: {  	v48 =	vor.u32 v48, v49;
	_ =	sdelay $0x4  }
0x2bf: {  	v49 =	vld.idx.msk [tilespmem:v48+s19+$0x0], $0xffff;
	_ =	sdelay $0x1  }
0x2c0: {  	v50 =	vor.u32 $0x80, v48;
	_ =	sdelay $0x1  }
0x2c1: {  	s16 =	sand.u32 $0x70, s21;
	s23 =	sand.u32 $0x1C00, s1  }
0x2c2: {  	s16 =	sor.u32 s16, s23  }
0x2c3: {  	[tilespmem:s16+$0xB880] =	vst v49  }
0x2c4: {  	v49 =	vld.idx.msk [tilespmem:v50+s19+$0x0], $0xffff;
	_ =	sdelay $0x1  }
0x2c5: {  	v50 =	vor.u32 $0x100, v48;
	_ =	sdelay $0x3  }
0x2c6: {  	[tilespmem:s16+$0xB900] =	vst v49  }
0x2c7: {  	v49 =	vld.idx.msk [tilespmem:v50+s19+$0x0], $0xffff;
	_ =	sdelay $0x1  }
0x2c8: {  	v50 =	vor.u32 $0x180, v48;
	_ =	sdelay $0x3  }
0x2c9: {  	[tilespmem:s16+$0xB980] =	vst v49  }
0x2ca: {  	v49 =	vld.idx.msk [tilespmem:v50+s19+$0x0], $0xffff;
	_ =	sdelay $0x1  }
0x2cb: {  	v50 =	vor.u32 $0x200, v48;
	_ =	sdelay $0x3  }
0x2cc: {  	[tilespmem:s16+$0xBA00] =	vst v49  }
0x2cd: {  	v49 =	vld.idx.msk [tilespmem:v50+s19+$0x0], $0xffff;
	_ =	sdelay $0x1  }
0x2ce: {  	v50 =	vor.u32 $0x280, v48;
	_ =	sdelay $0x3  }
0x2cf: {  	[tilespmem:s16+$0xBA80] =	vst v49  }
0x2d0: {  	v49 =	vld.idx.msk [tilespmem:v50+s19+$0x0], $0xffff;
	_ =	sdelay $0x1  }
0x2d1: {  	v50 =	vor.u32 $0x300, v48;
	_ =	sdelay $0x3  }
0x2d2: {  	[tilespmem:s16+$0xBB00] =	vst v49  }
0x2d3: {  	v49 =	vld.idx.msk [tilespmem:v50+s19+$0x0], $0xffff;
	_ =	sdelay $0x1  }
0x2d4: {  	v48 =	vor.u32 $0x380, v48;
	_ =	sdelay $0x3  }
0x2d5: {  	[tilespmem:s16+$0xBB80] =	vst v49  }
0x2d6: {  	v48 =	vld.idx.msk [tilespmem:v48+s19+$0x0], $0xffff  }
.Ltmp11:
0x2d7: {  	(pc) =	sbr.rel @p1 .LBB2_17-.Ltmp11, $3  }
0x2d8: {  	_ =	sdelay $0x1  }
0x2d9: {  	s16 =	sor.u32 s1, s21  }
0x2da: {  	s21 =	sor.u32 $0x380, s16  }
0x2db: {  	[tilespmem:s21+$0xB880] =	vst v48  }
0x2dc: {  	v48 =	vld [tilespmem:$0xC00];
	_ =	sdelay $0x4  }
0x2dd: {  	v49 =	vshll.u32 v48, $0x3  }
0x2de: {  	v48 =	vand.u32 $0x7F, v48;
	v49 =	vand.u32 $0xFFFFFC00, v49  }
0x2df: {  	v48 =	vor.u32 v48, v49;
	_ =	sdelay $0x4  }
0x2e0: {  	v49 =	vld.idx.msk [tilespmem:v48+s19+$0x0], $0xffff  }
0x2e1: {  	v50 =	vor.u32 $0x80, v48;
	_ =	sdelay $0x3  }
0x2e2: {  	[tilespmem:v34+s20+$0x0] =	vst.idx.msk $0x3, v49  }
0x2e3: {  	v49 =	vld.idx.msk [tilespmem:v50+s19+$0x0], $0xffff  }
0x2e4: {  	v59 =	vor.u32 $0x100, v48;
	_ =	sdelay $0x3  }
0x2e5: {  	[tilespmem:v35+s20+$0x0] =	vst.idx.msk $0x3, v49  }
0x2e6: {  	v49 =	vld.idx.msk [tilespmem:v59+s19+$0x0], $0xffff  }
0x2e7: {  	v60 =	vor.u32 $0x180, v48;
	_ =	sdelay $0x3  }
0x2e8: {  	[tilespmem:v36+s20+$0x0] =	vst.idx.msk $0x3, v49  }
0x2e9: {  	v49 =	vld.idx.msk [tilespmem:v60+s19+$0x0], $0xffff  }
0x2ea: {  	v61 =	vor.u32 $0x200, v48;
	_ =	sdelay $0x3  }
0x2eb: {  	[tilespmem:v37+s20+$0x0] =	vst.idx.msk $0x3, v49  }
0x2ec: {  	v49 =	vld.idx.msk [tilespmem:v61+s19+$0x0], $0xffff  }
0x2ed: {  	v62 =	vor.u32 $0x280, v48;
	_ =	sdelay $0x3  }
0x2ee: {  	[tilespmem:v38+s20+$0x0] =	vst.idx.msk $0x3, v49  }
0x2ef: {  	v49 =	vld.idx.msk [tilespmem:v62+s19+$0x0], $0xffff  }
0x2f0: {  	v63 =	vor.u32 $0x300, v48;
	_ =	sdelay $0x3  }
0x2f1: {  	[tilespmem:v39+s20+$0x0] =	vst.idx.msk $0x3, v49  }
0x2f2: {  	v49 =	vld.idx.msk [tilespmem:v63+s19+$0x0], $0xffff  }
0x2f3: {  	v48 =	vor.u32 $0x380, v48;
	_ =	sdelay $0x3  }
0x2f4: {  	[tilespmem:v40+s20+$0x0] =	vst.idx.msk $0x3, v49  }
0x2f5: {  	v48 =	vld.idx.msk [tilespmem:v48+s19+$0x0], $0xffff;
	_ =	sdelay $0x1  }
0x2f6: {  	s1 =	rddreg [dreg:$0xe]  }
0x2f7: {  	s1 =	sadd.s32 s1, s22  }
0x2f8: {  	s1 =	sshrl.u32 s1, $0x3  }
0x2f9: {  	s16 =	simm.s32 $0x4;
	s3 =	sadd.s32 s7, s1;
	s1 =	simm.s32 $0x0;
	[tilespmem:v41+s20+$0x0] =	vst.idx.msk $0x3, v48  }
0x2fa: {  	[hbm4b:s3+s1] =	stream.linear.scatter [tilespmem:s20], [sflag:$0x6], $0x2400, $0x38;
	[tilespmem:$0x18580] =	vst v63  }
0x2fb: {  	_ =	swait.ge [sflag:s16], $0x2000  }
0x2fc: {  	[sflag:s16] =	ssyncset.done $0x0  }
0x2fd: {  	s21 =	simm.s32 $0x8;
	[sflag:s16] =	ssyncadd.s32 $0xFFFFE000  }
0x2fe: {  	_ =	swait.ge [sflag:s21], $0x2000  }
0x2ff: {  	[sflag:s21] =	ssyncset.done $0x0  }
0x300: {  	[sflag:s21] =	ssyncadd.s32 $0xFFFFE000  }
0x301: {  	v55 =	vld.idx.msk [tilespmem:v24+s4+$0x0], $0xffff  }
0x302: {  	v54 =	vld.idx.msk [tilespmem:v26+s4+$0x0], $0xffff  }
0x303: {  	v53 =	vld.idx.msk [tilespmem:v27+s4+$0x0], $0xffff  }
0x304: {  	v52 =	vld.idx.msk [tilespmem:v28+s4+$0x0], $0xffff  }
0x305: {  	v51 =	vld.idx.msk [tilespmem:v29+s4+$0x0], $0xffff  }
0x306: {  	v50 =	vld.idx.msk [tilespmem:v30+s4+$0x0], $0xffff  }
0x307: {  	s23 =	sand.u32 $0x70, s1;
	s5 =	sand.u32 $0x1C00, s1;
	v49 =	vld.idx.msk [tilespmem:v31+s4+$0x0], $0xffff  }
0x308: {  	s5 =	sor.u32 s23, s5;
	v48 =	vld.idx.msk [tilespmem:v25+s4+$0x0], $0xffff  }
0x309: {  	v60 =	vld [tilespmem:s5+$0xFC80]  }
0x30a: {  	v59 =	vld [tilespmem:s5+$0xFD00]  }
0x30b: {  	v58 =	vld [tilespmem:s5+$0xFD80]  }
0x30c: {  	v57 =	vld [tilespmem:s5+$0xFE00]  }
0x30d: {  	s3 =	simm.s32 $0x0;
	s21 =	simm.s32 $0x10;
	v56 =	vld [tilespmem:s5+$0xFE80]  }
.LBB2_19:
0x30e: {  	p1 =	sne.s32 s21, $0x3F0;
	v60 =	vmul.f32 v60, v55;
	v61 =	vld [tilespmem:s5+$0xFF00]  }
0x30f: {  	v59 =	vmul.f32 v59, v54;
	v62 =	vld [tilespmem:s5+$0xFF80]  }
0x310: {  	[tilespmem:s5+$0x13C80] =	vst v60;
	v58 =	vmul.f32 v58, v53  }
0x311: {  	[tilespmem:s5+$0x13D00] =	vst v59;
	v57 =	vmul.f32 v57, v52  }
0x312: {  	[tilespmem:s5+$0x13D80] =	vst v58;
	v56 =	vmul.f32 v56, v51  }
0x313: {  	[tilespmem:s5+$0x13E00] =	vst v57;
	v57 =	vmul.f32 v61, v50  }
0x314: {  	[tilespmem:s5+$0x13E80] =	vst v56;
	v56 =	vmul.f32 v62, v49  }
0x315: {  	s16 =	sor.u32 s3, s1;
	s1 =	smov.u32 s21;
	[tilespmem:s5+$0x13F00] =	vst v57  }
0x316: {  	s16 =	sor.u32 $0x380, s16;
	[tilespmem:s5+$0x13F80] =	vst v56  }
0x317: {  	v56 =	vld [tilespmem:s16+$0xFC80];
	_ =	sdelay $0x4  }
0x318: {  	s3 =	sadd.s32 $0x80, s3;
	v56 =	vmul.f32 v56, v48  }
0x319: {  	s23 =	sand.u32 $0x1C00, s3;
	s5 =	sand.u32 $0x70, s21  }
0x31a: {  	s5 =	sor.u32 s5, s23;
	[tilespmem:s16+$0x13C80] =	vst v56  }
.Ltmp12:
0x31b: {  	v60 =	vld [tilespmem:s5+$0xFC80];
	(pc) =	sbr.rel @p1 .LBB2_19-.Ltmp12, $4  }
0x31c: {  	v59 =	vld [tilespmem:s5+$0xFD00]  }
0x31d: {  	v58 =	vld [tilespmem:s5+$0xFD80]  }
0x31e: {  	v57 =	vld [tilespmem:s5+$0xFE00]  }
0x31f: {  	s21 =	sadd.s32 $0x10, s21;
	v56 =	vld [tilespmem:s5+$0xFE80]  }
0x320: {  	v55 =	vmul.f32 v60, v55;
	v60 =	vld [tilespmem:s5+$0xFF00]  }
0x321: {  	v63 =	vld [tilespmem:s5+$0xFF80];
	v54 =	vmul.f32 v59, v54  }
0x322: {  	[tilespmem:s5+$0x13C80] =	vst v55;
	v53 =	vmul.f32 v58, v53  }
0x323: {  	[tilespmem:s5+$0x13D00] =	vst v54;
	v52 =	vmul.f32 v57, v52  }
0x324: {  	[tilespmem:s5+$0x13D80] =	vst v53;
	v51 =	vmul.f32 v56, v51  }
0x325: {  	[tilespmem:s5+$0x13E00] =	vst v52;
	v50 =	vmul.f32 v60, v50  }
0x326: {  	v49 =	vmul.f32 v63, v49;
	[tilespmem:s5+$0x13E80] =	vst v51  }
0x327: {  	s1 =	sor.u32 s3, s1;
	[tilespmem:s5+$0x13F00] =	vst v50  }
0x328: {  	s1 =	sor.u32 $0x380, s1;
	[tilespmem:s5+$0x13F80] =	vst v49  }
0x329: {  	v49 =	vld [tilespmem:s1+$0xFC80];
	_ =	sdelay $0x3  }
0x32a: {  	s23 =	rddreg [dreg:$0x12]  }
0x32b: {  	s3 =	sadd.s32 s23, s2;
	v48 =	vmul.f32 v49, v48  }
0x32c: {  	s3 =	sshrl.u32 s3, $0x3  }
0x32d: {  	s16 =	simm.s32 $0x13C80;
	s3 =	sadd.s32 s8, s3;
	s5 =	simm.s32 $0x0;
	[tilespmem:s1+$0x13C80] =	vst v48  }
0x32e: {  	[hbm4b:s3+s5] =	stream.linear.scatter [tilespmem:s16], [sflag:$0x8], $0x2000, $0x38;
	[tilespmem:$0x18580] =	vst v63  }
0x32f: {  	_ =	swait.ge [sflag:s30], $0x2400  }
0x330: {  	[sflag:s30] =	ssyncset.done $0x0  }
0x331: {  	s21 =	simm.s32 $0x6;
	[sflag:s30] =	ssyncadd.s32 $0xFFFFDC00  }
0x332: {  	_ =	swait.ge [sflag:s21], $0x2400  }
0x333: {  	[sflag:s21] =	ssyncset.done $0x0  }
0x334: {  	[sflag:s21] =	ssyncadd.s32 $0xFFFFDC00  }
0x335: {  	_ =	swait.ge [sflag:s0], $0x2000  }
.Ltmp13:
0x336: {  	[sflag:s0] =	ssyncset.done $0x0;
	(pc) =	sbr.rel @p0 .LBB2_26-.Ltmp13, $4  }
0x337: {  	s23 =	simm.s32 $0x8;
	[sflag:s0] =	ssyncadd.s32 $0xFFFFE000  }
0x338: {  	_ =	swait.ge [sflag:s23], $0x2000  }
0x339: {  	[sflag:s23] =	ssyncset.done $0x0  }
0x33a: {  	[sflag:s23] =	ssyncadd.s32 $0xFFFFE000  }
0x33b: {  	v48 =	vld.msk [tilespmem:$0x400], $0x3;
	_ =	sdelay $0x4  }
0x33c: {  	v49 =	vshll.u32 v48, $0x4  }
0x33d: {  	v48 =	vand.u32 $0x7, v48;
	v49 =	vand.u32 $0xFFFFFF80, v49  }
0x33e: {  	v48 =	vor.u32 v48, v49  }
0x33f: {  	v48 =	vperm.xlane v48, v42;
	_ =	sdelay $0x1  }
0x340: {  	v48 =	vadd.s32 v43, v48;
	_ =	sdelay $0x3  }
0x341: {  	s1 =	simm.s32 $0x0;
	s3 =	rddreg [dreg:$0x0]  }
0x342: {  	[tilespmem:s18], [sflag:$0x1] =	stream.indirect_vreg.gather [hbm4b:s3+s1], $0x80, v48, vm0, $0xb8;
	[tilespmem:$0x18580] =	vst v63  }
0x343: {  	s21 =	simm.s32 $0x16480  }
0x344: {  	[tilespmem:s21], [sflag:$0x1] =	stream.indirect_vreg.gather [hbm4b:s13+s1], $0x80, v48, vm0, $0xb8;
	[tilespmem:$0x18580] =	vst v63  }
0x345: {  	v48 =	vld.msk [tilespmem:$0x400], $0x3;
	_ =	sdelay $0x4  }
0x346: {  	v61 =	vshll.u32 v48, $0x3  }
0x347: {  	v48 =	vand.u32 $0x7, v48;
	v49 =	vand.u32 $0xFFFFFFC0, v61  }
0x348: {  	v48 =	vor.u32 v48, v49  }
0x349: {  	v48 =	vperm.xlane v48, v42;
	_ =	sdelay $0x1  }
0x34a: {  	v48 =	vadd.s32 v43, v48;
	_ =	sdelay $0x3  }
0x34b: {  	s23 =	rddreg [dreg:$0x1];
	s5 =	simm.s32 $0x17580  }
0x34c: {  	[tilespmem:s5], [sflag:$0x3] =	stream.indirect_vreg.gather [hbm4b:s23+s1], $0x80, v48, vm0, $0xb8;
	[tilespmem:$0x18580] =	vst v63  }
0x34d: {  	_ =	swait.ge [sflag:s24], $0x1000  }
0x34e: {  	[sflag:s24] =	ssyncset.done $0x0  }
0x34f: {  	s16 =	simm.s32 $0x800;
	[sflag:s24] =	ssyncadd.s32 $0xFFFFF000  }
0x350: {  	v62 =	vld [tilespmem:s16+$0x0];
	_ =	sdelay $0x4  }
0x351: {  	v63 =	vshll.u32 v62, $0x1  }
0x352: {  	v48 =	vand.u32 $0x7F, v62;
	v49 =	vand.u32 $0xFFFFFF00, v63  }
0x353: {  	v48 =	vor.u32 v48, v49;
	_ =	sdelay $0x4  }
0x354: {  	v49 =	vld.idx.msk [tilespmem:v48+s18+$0x0], $0xffff  }
0x355: {  	v48 =	vor.u32 $0x80, v48;
	_ =	sdelay $0x1  }
0x356: {  	s21 =	sand.u32 $0x70, s1;
	s23 =	sand.u32 $0x700, s1  }
0x357: {  	s3 =	sor.u32 s21, s23  }
0x358: {  	[tilespmem:s3+$0x16C80] =	vst v49  }
0x359: {  	v48 =	vld.idx.msk [tilespmem:v48+s18+$0x0], $0xffff;
	_ =	sdelay $0x3  }
0x35a: {  	s3 =	sadd.s32 $0x16C80, s3  }
0x35b: {  	s5 =	simm.s32 $0x810;
	[tilespmem:s3+$0x80] =	vst v48  }
0x35c: {  	s21 =	simm.s32 $0x20;
	s3 =	simm.s32 $0x10;
	v48 =	vld [tilespmem:s5+$0x0]  }
.LBB2_22:
0x35d: {  	p1 =	sne.s32 s21, $0x3F0;
	_ =	sdelay $0x3  }
0x35e: {  	v49 =	vshll.u32 v48, $0x1  }
0x35f: {  	v48 =	vand.u32 $0x7F, v48;
	v49 =	vand.u32 $0xFFFFFF00, v49  }
0x360: {  	v48 =	vor.u32 v48, v49  }
0x361: {  	v49 =	vor.u32 $0x80, v48;
	_ =	sdelay $0x3  }
0x362: {  	v48 =	vld.idx.msk [tilespmem:v48+s18+$0x0], $0xffff;
	_ =	sdelay $0x2  }
0x363: {  	s1 =	sadd.s32 $0x20, s1  }
0x364: {  	s16 =	sand.u32 $0x70, s3;
	s3 =	smov.u32 s21;
	s23 =	sand.u32 $0x700, s1  }
0x365: {  	s16 =	sor.u32 s16, s23  }
0x366: {  	[tilespmem:s16+$0x16C80] =	vst v48  }
0x367: {  	v48 =	vld.idx.msk [tilespmem:v49+s18+$0x0], $0xffff;
	_ =	sdelay $0x2  }
.Ltmp14:
0x368: {  	(pc) =	sbr.rel @p1 .LBB2_22-.Ltmp14, $4  }
0x369: {  	_ = 	snop  }
0x36a: {  	s16 =	sadd.s32 $0x16C80, s16  }
0x36b: {  	s5 =	sadd.s32 $0x10, s5;
	[tilespmem:s16+$0x80] =	vst v48  }
0x36c: {  	s21 =	sadd.s32 $0x10, s21;
	v48 =	vld [tilespmem:s5+$0x0]  }
0x36d: {  	_ =	sdelay $0x3  }
0x36e: {  	v49 =	vshll.u32 v48, $0x1  }
0x36f: {  	v62 =	vand.u32 $0x7F, v48;
	v49 =	vand.u32 $0xFFFFFF00, v49  }
0x370: {  	v48 =	vor.u32 v62, v49;
	_ =	sdelay $0x4  }
0x371: {  	v49 =	vld.idx.msk [tilespmem:v48+s18+$0x0], $0xffff  }
0x372: {  	v48 =	vor.u32 $0x80, v48  }
0x373: {  	s1 =	sadd.s32 $0x20, s1  }
0x374: {  	s3 =	sand.u32 $0x70, s3;
	s1 =	sand.u32 $0x700, s1  }
0x375: {  	s1 =	sor.u32 s3, s1  }
0x376: {  	[tilespmem:s1+$0x16C80] =	vst v49  }
0x377: {  	v48 =	vld.idx.msk [tilespmem:v48+s18+$0x0], $0xffff;
	_ =	sdelay $0x3  }
0x378: {  	s1 =	sadd.s32 $0x16C80, s1  }
0x379: {  	[tilespmem:s1+$0x80] =	vst v48  }
0x37a: {  	v48 =	vld [tilespmem:$0xC00];
	_ =	sdelay $0x4  }
0x37b: {  	v63 =	vshll.u32 v48, $0x1  }
0x37c: {  	v48 =	vand.u32 $0x7F, v48;
	v49 =	vand.u32 $0xFFFFFF00, v63  }
0x37d: {  	v48 =	vor.u32 v48, v49;
	_ =	sdelay $0x4  }
0x37e: {  	v49 =	vld.idx.msk [tilespmem:v48+s18+$0x0], $0xffff  }
0x37f: {  	v48 =	vor.u32 $0x80, v48;
	_ =	sdelay $0x2  }
0x380: {  	s23 =	simm.s32 $0x16C80  }
0x381: {  	[tilespmem:v44+s23+$0x0] =	vst.idx.msk $0x3, v49  }
0x382: {  	v48 =	vld.idx.msk [tilespmem:v48+s18+$0x0], $0xffff;
	_ =	sdelay $0x2  }
0x383: {  	s21 =	sshrl.u32 s22, $0x3  }
0x384: {  	s1 =	sadd.s32 s7, s21  }
0x385: {  	s5 =	simm.s32 $0x100;
	s16 =	simm.s32 $0x400;
	s1 =	sadd.s32 $0x24000, s1;
	[tilespmem:v45+s23+$0x0] =	vst.idx.msk $0x3, v48  }
0x386: {  	[hbm4b:s1+s5] =	stream.strided.scatter [tilespmem:s23], [sflag:$0x5], $0x900, s16, s5, $0x38;
	[tilespmem:$0x18580] =	vst v63  }
0x387: {  	_ =	swait.ge [sflag:s31], $0x800  }
0x388: {  	[sflag:s31] =	ssyncset.done $0x0  }
0x389: {  	s3 =	simm.s32 $0x0;
	[sflag:s31] =	ssyncadd.s32 $0xFFFFF800  }
0x38a: {  	s22 =	sand.u32 $0x70, s3;
	s23 =	sand.u32 $0x700, s3;
	v48 =	vld.idx.msk [tilespmem:v46+s4+$0x0], $0xffff  }
0x38b: {  	s1 =	sor.u32 s22, s23;
	v49 =	vld.idx.msk [tilespmem:v47+s4+$0x0], $0xffff  }
0x38c: {  	v50 =	vld [tilespmem:s1+$0x17600]  }
0x38d: {  	v51 =	vld [tilespmem:s1+$0x17580]  }
0x38e: {  	s5 =	simm.s32 $0x10  }
.LBB2_24:
0x38f: {  	s16 =	sand.u32 $0x70, s5;
	s3 =	sadd.s32 $0x20, s3;
	p1 =	sne.s32 s5, $0x3F0  }
.Ltmp15:
0x390: {  	s5 =	sadd.s32 $0x10, s5;
	s21 =	sand.u32 $0x700, s3;
	(pc) =	sbr.rel @p1 .LBB2_24-.Ltmp15, $4  }
0x391: {  	s16 =	sor.u32 s16, s21;
	v52 =	vmul.f32 v50, v49  }
0x392: {  	v50 =	vld [tilespmem:s16+$0x17600];
	v53 =	vmul.f32 v51, v48  }
0x393: {  	v51 =	vld [tilespmem:s16+$0x17580];
	[tilespmem:s1+$0x17E00] =	vst v52  }
0x394: {  	[tilespmem:s1+$0x17D80] =	vst v53;
	s1 =	smov.u32 s16  }
0x395: {  	_ =	sdelay $0x1  }
0x396: {  	v49 =	vmul.f32 v50, v49  }
0x397: {  	s2 =	sshrl.u32 s2, $0x3;
	v48 =	vmul.f32 v51, v48  }
0x398: {  	s23 =	simm.s32 $0x100;
	s2 =	sadd.s32 s8, s2;
	[tilespmem:s1+$0x17E00] =	vst v49  }
0x399: {  	s3 =	simm.s32 $0x400;
	s5 =	simm.s32 $0x17D80;
	s22 =	sadd.s32 $0x20000, s2;
	[tilespmem:s1+$0x17D80] =	vst v48  }
0x39a: {  	[hbm4b:s22+s23] =	stream.strided.scatter [tilespmem:s5], [sflag:$0x7], $0x800, s3, s23, $0x38;
	[tilespmem:$0x18580] =	vst v63  }
0x39b: {  	_ =	swait.ge [sflag:s0], $0x800  }
.Ltmp16:
0x39c: {  	[sflag:s0] =	ssyncset.done $0x0;
	(pc) =	sbr.rel .LBB2_26-.Ltmp16, $4  }
0x39d: {  	[sflag:s0] =	ssyncadd.s32 $0xFFFFF800  }
0x39e: {  	_ =	swait.ge [sflag:s30], $0x900  }
0x39f: {  	[sflag:s30] =	ssyncset.done $0x0  }
0x3a0: {  	[sflag:s30] =	ssyncadd.s32 $0xFFFFF700  }
.LBB2_28:
0x3a1: {  	_ =	sfence.sel $0x180000  }
0x3a2: {  	[bflag:$0x0] =	sbarrier.arrive $0xFFFF  }
0x3a3: {  	_ =	strace $0x90000047  }
0x3a4: {  	s0 =	stileid.u32;
	[bflag:$0x2] =	sbarrier.arrive $0xFFFF  }
0x3a5: {  	p0 =	sne.s32 s0, $0x0;
	s0 =	rddreg [dreg:$0x5]  }
0x3a6: {  	s0 =	sadd.s32 @!p0 $0x100000, s0  }
0x3a7: {  	[sflag:s0] =	ssyncadd.tile.s32 @!p0 $0x1;
	_ =	shalt  }
.Lfunc_end2:
_tile_overlayer_lowered:
.L_overlay_start_2:
0x3a8: {  	(tag) =	ssettag $0x2  }
0x3a9: {  	s0 =	rddreg [dreg:$0x0];
	s2 =	stileid.u32  }
0x3aa: {  	s1 =	rddreg [dreg:$0x1];
	p0 =	sne.s32 s2, $0x0  }
0x3ab: {  	s3 =	rddreg [dreg:$0x2];
	[bflag:$0x3] =	sbarrier.arrive $0xFFFF;
	s2 =	simm.s32 @!p0 $0x1C09  }
0x3ac: {  	[timem:s3], [sflag:s2] =	dma.local @!p0 [hbm:s0], s1  }
0x3ad: {  	s0 =	simm.s32 @!p0 $0x9  }
0x3ae: {  	_ =	swait.ge @!p0 [sflag:s0], s1  }
0x3af: {  	s1 =	ssub.s32 @!p0 $0x0, s1;
	[sflag:s0] =	ssyncset.done @!p0 $0x0  }
0x3b0: {  	[sflag:s0] =	ssyncadd.s32 @!p0 s1  }
0x3b1: {  	[bflag:$0x3] =	sbarrier.arrive $0xFFFF  }
0x3b2: {  	_ =	shalt  }

</sc_bundles>
